<compile_context>
chip_gen: v7x
topology: tpu7x:2x2x1
jax: 0.10.2.dev20260603
libtpu: 0.0.44.dev20260713+nightly
codegen_flags: <defaults>
</compile_context>

<pallas_src>
import dataclasses
import functools

import jax
import jax.numpy as jnp
from jax import lax
from jax.experimental import pallas as pl
from jax.experimental.pallas import tpu as pltpu
from jax.experimental.pallas import tpu_sc as plsc

N = 10000
NPAD = 10112
E = 320000
EPAD = 327680
D1 = 16
NCLS = 40

NC, NS, L = 2, 16, 16
CPT = 4
NPART = 8
CHK = 4096
CKA = 16
CKB = 4
NZ = NPAD // L

_mesh = plsc.VectorSubcoreMesh(core_axis_name="c", subcore_axis_name="s")

_sc_params = pltpu.CompilerParams()
if "needs_layout_passes" in pltpu.CompilerParams.__dataclass_fields__:
    _sc_params = dataclasses.replace(_sc_params, needs_layout_passes=False)


def _deg_kernel_fn():
    ept0 = 3 * EPAD // (4 * NS)
    ept1 = EPAD // (4 * NS)

    @functools.partial(
        pl.kernel, mesh=_mesh,
        out_type=jax.ShapeDtypeStruct((NC * NS * NPAD,), jnp.float32),
        compiler_params=_sc_params,
        scratch_types=[
            pltpu.VMEM((ept0,), jnp.int32),
            pltpu.VMEM((NPAD,), jnp.float32),
            pltpu.SemaphoreType.DMA,
        ])
    def k(dst_hbm, out_hbm, dst_v, acc_v, sem):
        cid = lax.axis_index("c")
        sid = lax.axis_index("s")
        wid = cid * NS + sid
        is0 = cid == 0

        @pl.when(is0)
        def _():
            pltpu.async_copy(dst_hbm.at[pl.ds(sid * ept0, ept0)],
                             dst_v, sem)

        @pl.when(jnp.logical_not(is0))
        def _():
            pltpu.async_copy(
                dst_hbm.at[pl.ds(NS * ept0 + sid * ept1, ept1)],
                dst_v.at[pl.ds(0, ept1)], sem)

        @pl.loop(0, NZ)
        def _(i):
            acc_v[pl.ds(i * L, L)] = jnp.zeros((L,), jnp.float32)

        @pl.when(is0)
        def _():
            pltpu.make_async_copy(dst_hbm.at[pl.ds(sid * ept0, ept0)],
                                  dst_v, sem).wait()

        @pl.when(jnp.logical_not(is0))
        def _():
            pltpu.make_async_copy(
                dst_hbm.at[pl.ds(NS * ept0 + sid * ept1, ept1)],
                dst_v.at[pl.ds(0, ept1)], sem).wait()

        ones = jnp.ones((L,), jnp.float32)
        nvec = jnp.where(is0, ept0 // L, ept1 // L)

        @pl.loop(0, nvec)
        def _(i):
            idx = dst_v[pl.ds(i * L, L)]
            plsc.addupdate_scatter(acc_v, [idx], ones)

        pltpu.sync_copy(acc_v, out_hbm.at[pl.ds(wid * NPAD, NPAD)])

    return k


def _msg_kernel_fn():

    @functools.partial(
        pl.kernel, mesh=_mesh,
        out_type=jax.ShapeDtypeStruct((NPART * D1 * NPAD,), jnp.float32),
        compiler_params=_sc_params,
        scratch_types=[
            pltpu.VMEM((CHK,), jnp.int32),
            pltpu.VMEM((CHK,), jnp.int32),
            pltpu.VMEM((CHK,), jnp.int32),
            pltpu.VMEM((CHK,), jnp.int32),
            pltpu.VMEM((NPAD,), jnp.float32),
            pltpu.VMEM((NPAD,), jnp.float32),
            pltpu.VMEM((NPAD,), jnp.float32),
            pltpu.VMEM((NPAD,), jnp.float32),
            pltpu.VMEM((NPAD,), jnp.float32),
            pltpu.VMEM((NPAD,), jnp.float32),
            pltpu.VMEM((NPAD,), jnp.float32),
            pltpu.VMEM((NPAD,), jnp.float32),
            pltpu.SemaphoreType.DMA,
            pltpu.SemaphoreType.DMA,
            pltpu.SemaphoreType.DMA,
        ])
    def k(g_hbm, src_hbm, dst_hbm, out_hbm,
          src_a, dst_a, src_b, dst_b,
          g0, g1, g2, g3, a0, a1, a2, a3, sem_a, sem_b, sem_g):
        g_v = (g0, g1, g2, g3)
        acc_v = (a0, a1, a2, a3)
        cid = lax.axis_index("c")
        sid = lax.axis_index("s")
        grp = NS // CPT
        col = CPT * (sid % grp)
        part = cid * grp + sid // grp
        is0 = cid == 0
        nch = jnp.where(is0, CKA, CKB)
        ebase = jnp.where(is0, (sid // grp) * (CKA * CHK),
                          4 * CKA * CHK + (sid // grp) * (CKB * CHK))

        def start_pair(c, sbuf, dbuf, sem):
            off = ebase + c * CHK
            pltpu.async_copy(src_hbm.at[pl.ds(off, CHK)], sbuf, sem)
            pltpu.async_copy(dst_hbm.at[pl.ds(off, CHK)], dbuf, sem)

        def wait_pair(sbuf, dbuf, sem):
            pltpu.make_async_copy(src_hbm.at[pl.ds(ebase, CHK)], sbuf,
                                  sem).wait()
            pltpu.make_async_copy(dst_hbm.at[pl.ds(ebase, CHK)], dbuf,
                                  sem).wait()

        def process(sbuf, dbuf):
            @pl.loop(0, CHK // L, step=4)
            def _(i):
                svs = [sbuf[pl.ds((i + u) * L, L)] for u in range(4)]
                dvs = [dbuf[pl.ds((i + u) * L, L)] for u in range(4)]
                vals = [[plsc.load_gather(g_v[j], [svs[u]])
                         for j in range(CPT)] for u in range(4)]
                for u in range(4):
                    for j in range(CPT):
                        plsc.addupdate_scatter(acc_v[j], [dvs[u]],
                                               vals[u][j])

        start_pair(0, src_a, dst_a, sem_a)
        for j in range(CPT):
            pltpu.async_copy(g_hbm.at[pl.ds((col + j) * NPAD, NPAD)],
                             g_v[j], sem_g)

        @pl.loop(0, NZ)
        def _(i):
            for j in range(CPT):
                acc_v[j][pl.ds(i * L, L)] = jnp.zeros((L,), jnp.float32)

        for j in range(CPT):
            pltpu.make_async_copy(g_hbm.at[pl.ds((col + j) * NPAD, NPAD)],
                                  g_v[j], sem_g).wait()

        @pl.loop(0, nch // 2)
        def _(p):
            start_pair(2 * p + 1, src_b, dst_b, sem_b)
            wait_pair(src_a, dst_a, sem_a)
            process(src_a, dst_a)
            start_pair(lax.rem(2 * p + 2, nch), src_a, dst_a, sem_a)
            wait_pair(src_b, dst_b, sem_b)
            process(src_b, dst_b)

        wait_pair(src_a, dst_a, sem_a)
        obase = (part * D1 + col) * NPAD
        for j in range(CPT):
            pltpu.async_copy(acc_v[j],
                             out_hbm.at[pl.ds(obase + j * NPAD, NPAD)],
                             sem_g)
        for j in range(CPT):
            pltpu.make_async_copy(
                acc_v[j], out_hbm.at[pl.ds(obase + j * NPAD, NPAD)],
                sem_g).wait()

    return k


_deg_kernel = _deg_kernel_fn()
_msg_kernel = _msg_kernel_fn()


def _tc_h1(w1t, xt):

    def body(w_ref, x_ref, o_ref):
        o_ref[...] = jnp.dot(w_ref[...], x_ref[...],
                             preferred_element_type=jnp.float32)

    return pl.pallas_call(
        body,
        out_shape=jax.ShapeDtypeStruct((D1, NPAD), jnp.float32),
    )(w1t, xt)


def _tc_norm_scale(degp, h1t):

    def body(degp_ref, h1_ref, g1_ref, dis_ref):
        deg = jnp.sum(degp_ref[...], axis=0, keepdims=True) + 1.0
        dis = lax.rsqrt(deg)
        dis_ref[...] = dis
        g1_ref[...] = dis * h1_ref[...]

    return pl.pallas_call(
        body,
        out_shape=(jax.ShapeDtypeStruct((D1, NPAD), jnp.float32),
                   jax.ShapeDtypeStruct((1, NPAD), jnp.float32)),
    )(degp, h1t)


def _tc_layer1_combine(acc1p, g1t, dis, b1):

    def body(acc_ref, g1_ref, dis_ref, b1_ref, q_ref):
        acc = jnp.sum(acc_ref[...], axis=0)
        s = dis_ref[...] * (acc + g1_ref[...]) + b1_ref[...][:, None]
        q_ref[...] = dis_ref[...] * jnp.maximum(s, 0.0)

    return pl.pallas_call(
        body,
        out_shape=jax.ShapeDtypeStruct((D1, NPAD), jnp.float32),
    )(acc1p, g1t, dis, b1)


def _tc_final(acc2p, qt, dis, W2, b2):

    def body(acc_ref, q_ref, dis_ref, w2_ref, b2_ref, o_ref):
        acc = jnp.sum(acc_ref[...], axis=0)
        t = dis_ref[...] * (acc + q_ref[...])
        res = lax.dot_general(t, w2_ref[...], (((0,), (0,)), ((), ())),
                              preferred_element_type=jnp.float32)
        o_ref[...] = res[0:N, :] + b2_ref[...]

    return pl.pallas_call(
        body,
        out_shape=jax.ShapeDtypeStruct((N, NCLS), jnp.float32),
    )(acc2p, qt, dis, W2, b2)


def kernel(x, edge_index, W1, b1, W2, b2):
    ei = edge_index.astype(jnp.int32)
    pad = jnp.full((2, EPAD - E), N, jnp.int32)
    ei = jnp.concatenate([ei, pad], axis=1)
    src, dst = ei[0], ei[1]
    xt = jnp.concatenate(
        [x.T, jnp.zeros((x.shape[1], NPAD - N), x.dtype)], axis=1)

    degp = _deg_kernel(dst).reshape(NC * NS, NPAD)
    h1t = _tc_h1(W1.T, xt)
    g1t, dis = _tc_norm_scale(degp, h1t)
    acc1p = _msg_kernel(g1t.reshape(-1), src, dst)
    qt = _tc_layer1_combine(
        acc1p.reshape(NPART, D1, NPAD), g1t, dis, b1)
    acc2p = _msg_kernel(qt.reshape(-1), src, dst)
    return _tc_final(
        acc2p.reshape(NPART, D1, NPAD), qt, dis, W2, b2)

# --- scband reference (transcript-rebuilt; emitter-appended) ---
"""Pipeline reference for scband-gcn-23227183137268 (READ-ONLY COPY).

The authoritative reference and input builder live on the scoring server;
editing this copy changes nothing except your own understanding.
"""

import jax, jax.numpy as jnp
import numpy as np

N_NODES = 10000
N_EDGES = 320000
IN_FEATS = 128
HIDDEN = 16
NUM_CLASSES = 40


def _gcn_conv(x, edge_index, W, b, n):
    # PyG GCNConv semantics: add self-loops, symmetric normalization D^-1/2 (A+I) D^-1/2
    src = edge_index[0]
    dst = edge_index[1]
    loop = jnp.arange(n, dtype=edge_index.dtype)
    src = jnp.concatenate([src, loop])
    dst = jnp.concatenate([dst, loop])
    ew = jnp.ones(src.shape[0], dtype=x.dtype)
    deg = jnp.zeros((n,), dtype=x.dtype).at[dst].add(ew)
    deg_inv_sqrt = jnp.where(deg > 0, 1.0 / jnp.sqrt(deg), 0.0)
    norm = deg_inv_sqrt[src] * deg_inv_sqrt[dst]
    h = x @ W
    msg = h[src] * norm[:, None]
    out = jnp.zeros((n, W.shape[1]), dtype=x.dtype).at[dst].add(msg)
    return out + b


def setup_inputs(seed: int = 0) -> dict:
    key = jax.random.key(seed)
    k_x, k_e, k_w1, k_b1, k_w2, k_b2 = jax.random.split(key, 6)
    x = jax.random.normal(k_x, (N_NODES, IN_FEATS), dtype=jnp.float32)
    edge_index = jax.random.randint(k_e, (2, N_EDGES), 0, N_NODES, dtype=jnp.int64)
    s1 = 1.0 / np.sqrt(IN_FEATS)
    s2 = 1.0 / np.sqrt(HIDDEN)
    W1 = jax.random.uniform(k_w1, (IN_FEATS, HIDDEN), dtype=jnp.float32, minval=-s1, maxval=s1)
    b1 = jax.random.uniform(k_b1, (HIDDEN,), dtype=jnp.float32, minval=-s1, maxval=s1)
    W2 = jax.random.uniform(k_w2, (HIDDEN, NUM_CLASSES), dtype=jnp.float32, minval=-s2, maxval=s2)
    b2 = jax.random.uniform(k_b2, (NUM_CLASSES,), dtype=jnp.float32, minval=-s2, maxval=s2)
    return {"x": x, "edge_index": edge_index, "W1": W1, "b1": b1, "W2": W2, "b2": b2}


def reference(x, edge_index, W1, b1, W2, b2):
    n = x.shape[0]
    h = _gcn_conv(x, edge_index, W1, b1, n)
    h = jax.nn.relu(h)
    # dropout p=0.5 is identity in eval mode (training=False)
    out = _gcn_conv(h, edge_index, W2, b2, n)
    return out

if __name__ == "__main__":
    import jax
    _d = setup_inputs()
    print(jax.jit(kernel)(*tuple(_d.values())))

</pallas_src>

<mosaic_0001>
#map = affine_map<(d0, d1) -> (0)>
module attributes {stable_mosaic.version = 14 : i64} {
  func.func @k(%arg0: i32, %arg1: i32, %arg2: memref<327680xi32, #tpu.memory_space<hbm>>, %arg3: memref<323584xf32, #tpu.memory_space<hbm>>, %arg4: memref<15360xi32, #tpu.memory_space<vmem>>, %arg5: memref<10112xf32, #tpu.memory_space<vmem>>, %arg6: memref<!tpu.dma_semaphore, #tpu.memory_space<semaphore_mem>>) attributes {dimension_semantics = [#tpu.dimension_semantics<core_parallel>, #tpu.dimension_semantics<subcore_parallel>], iteration_bounds = array<i64: 2, 16>, scalar_prefetch = 0 : i64, scratch_operands = 3 : i64, tpu.core_type = #tpu.core_type<sc_vector_subcore>, window_params = [{transform_indices = #map}, {transform_indices = #map}]} {
    %mul3A = arith.constant 16 : i32
    %mul3A_0 = arith.muli %arg0, %mul3A : i32
    %add3A = arith.addi %mul3A_0, %arg1 : i32
    %eq3A = arith.constant 0 : i32
    %eq3A_1 = arith.cmpi eq, %arg0, %eq3A : i32
    %convert_element_type3A = arith.extui %eq3A_1 : i1 to i32
    %cond3A = arith.constant 0 : i32
    %cond3A_2 = arith.cmpi ne, %convert_element_type3A, %cond3A : i32
    scf.if %cond3A_2 {
      %mul3A_39 = arith.constant 15360 : i32
      %mul3A_40 = arith.muli %arg1, %mul3A_39 : i32
      %dma_start3A = tpu.memref_slice %arg2[%mul3A_40] : memref<327680xi32, #tpu.memory_space<hbm>> -> memref<15360xi32, #tpu.memory_space<hbm>>
      %dma_start3A_41 = tpu.memref_slice %arg2[%mul3A_40] : memref<327680xi32, #tpu.memory_space<hbm>> -> memref<15360xi32, #tpu.memory_space<hbm>>
      tpu.enqueue_dma source(%dma_start3A_41 : memref<15360xi32, #tpu.memory_space<hbm>>) target(%arg4 : memref<15360xi32, #tpu.memory_space<vmem>>) target_semaphore(%arg6 : memref<!tpu.dma_semaphore, #tpu.memory_space<semaphore_mem>>)
    } else {
    }
    %not3A = arith.constant true
    %not3A_3 = arith.xori %eq3A_1, %not3A : i1
    %convert_element_type3A_4 = arith.extui %not3A_3 : i1 to i32
    %cond3A_5 = arith.constant 0 : i32
    %cond3A_6 = arith.cmpi ne, %convert_element_type3A_4, %cond3A_5 : i32
    scf.if %cond3A_6 {
      %mul3A_39 = arith.constant 5120 : i32
      %mul3A_40 = arith.muli %arg1, %mul3A_39 : i32
      %add3A_41 = arith.constant 245760 : i32
      %add3A_42 = arith.addi %add3A_41, %mul3A_40 : i32
      %dma_start3A = arith.constant 0 : i32
      %dma_start3A_43 = tpu.memref_slice %arg4[%dma_start3A] : memref<15360xi32, #tpu.memory_space<vmem>> -> memref<5120xi32, #tpu.memory_space<vmem>>
      %dma_start3A_44 = tpu.memref_slice %arg2[%add3A_42] : memref<327680xi32, #tpu.memory_space<hbm>> -> memref<5120xi32, #tpu.memory_space<hbm>>
      %dma_start3A_45 = arith.constant 0 : i32
      %dma_start3A_46 = tpu.memref_slice %arg4[%dma_start3A_45] : memref<15360xi32, #tpu.memory_space<vmem>> -> memref<5120xi32, #tpu.memory_space<vmem>>
      %dma_start3A_47 = tpu.memref_slice %arg2[%add3A_42] : memref<327680xi32, #tpu.memory_space<hbm>> -> memref<5120xi32, #tpu.memory_space<hbm>>
      tpu.enqueue_dma source(%dma_start3A_47 : memref<5120xi32, #tpu.memory_space<hbm>>) target(%dma_start3A_46 : memref<5120xi32, #tpu.memory_space<vmem>>) target_semaphore(%arg6 : memref<!tpu.dma_semaphore, #tpu.memory_space<semaphore_mem>>)
    } else {
    }
    %scan3A = arith.constant 0 : i32
    %scan3A_7 = arith.constant 632 : i32
    %scan3A_8 = arith.addi %scan3A, %scan3A_7 : i32
    %scan3A_9 = arith.constant 1 : i32
    scf.for %scan3A_39 = %scan3A to %scan3A_8 step %scan3A_9  : i32 {
      %mul3A_40 = arith.constant 1 : i32
      %mul3A_41 = arith.muli %scan3A_39, %mul3A_40 : i32
      %add3A_42 = arith.constant 0 : i32
      %add3A_43 = arith.addi %add3A_42, %mul3A_41 : i32
      %broadcast_in_dim3A_44 = arith.constant 0.000000e+00 : f32
      %broadcast_in_dim3A_45 = vector.broadcast %broadcast_in_dim3A_44 : f32 to vector<16xf32>
      %mul3A_46 = arith.constant 16 : i32
      %mul3A_47 = arith.muli %add3A_43, %mul3A_46 : i32
      %swap3A = arith.index_cast %mul3A_47 : i32 to index
      %swap3A_48 = tpu.vector_load %arg5[%swap3A] {strides = array<i32>} : memref<10112xf32, #tpu.memory_space<vmem>>, vector<16xf32>,
      tpu.vector_store %arg5[%swap3A], %broadcast_in_dim3A_45 {strides = array<i32>} : memref<10112xf32, #tpu.memory_space<vmem>>, vector<16xf32>,
    }
    %scan3A_10 = arith.constant 632 : i32
    %convert_element_type3A_11 = arith.extui %eq3A_1 : i1 to i32
    %cond3A_12 = arith.constant 0 : i32
    %cond3A_13 = arith.cmpi ne, %convert_element_type3A_11, %cond3A_12 : i32
    scf.if %cond3A_13 {
      %mul3A_39 = arith.constant 15360 : i32
      %mul3A_40 = arith.muli %arg1, %mul3A_39 : i32
      %dma_wait3A = tpu.memref_slice %arg2[%mul3A_40] : memref<327680xi32, #tpu.memory_space<hbm>> -> memref<15360xi32, #tpu.memory_space<hbm>>
      %dma_wait3A_41 = tpu.memref_slice %arg2[%mul3A_40] : memref<327680xi32, #tpu.memory_space<hbm>> -> memref<15360xi32, #tpu.memory_space<hbm>>
      tpu.wait_dma2 semaphore(%arg6 : memref<!tpu.dma_semaphore, #tpu.memory_space<semaphore_mem>>) src(%dma_wait3A_41 : memref<15360xi32, #tpu.memory_space<hbm>>) dst(%arg4 : memref<15360xi32, #tpu.memory_space<vmem>>)
    } else {
    }
    %not3A_14 = arith.constant true
    %not3A_15 = arith.xori %eq3A_1, %not3A_14 : i1
    %convert_element_type3A_16 = arith.extui %not3A_15 : i1 to i32
    %cond3A_17 = arith.constant 0 : i32
    %cond3A_18 = arith.cmpi ne, %convert_element_type3A_16, %cond3A_17 : i32
    scf.if %cond3A_18 {
      %mul3A_39 = arith.constant 5120 : i32
      %mul3A_40 = arith.muli %arg1, %mul3A_39 : i32
      %add3A_41 = arith.constant 245760 : i32
      %add3A_42 = arith.addi %add3A_41, %mul3A_40 : i32
      %dma_wait3A = arith.constant 0 : i32
      %dma_wait3A_43 = tpu.memref_slice %arg4[%dma_wait3A] : memref<15360xi32, #tpu.memory_space<vmem>> -> memref<5120xi32, #tpu.memory_space<vmem>>
      %dma_wait3A_44 = tpu.memref_slice %arg2[%add3A_42] : memref<327680xi32, #tpu.memory_space<hbm>> -> memref<5120xi32, #tpu.memory_space<hbm>>
      %dma_wait3A_45 = arith.constant 0 : i32
      %dma_wait3A_46 = tpu.memref_slice %arg4[%dma_wait3A_45] : memref<15360xi32, #tpu.memory_space<vmem>> -> memref<5120xi32, #tpu.memory_space<vmem>>
      %dma_wait3A_47 = tpu.memref_slice %arg2[%add3A_42] : memref<327680xi32, #tpu.memory_space<hbm>> -> memref<5120xi32, #tpu.memory_space<hbm>>
      tpu.wait_dma2 semaphore(%arg6 : memref<!tpu.dma_semaphore, #tpu.memory_space<semaphore_mem>>) src(%dma_wait3A_47 : memref<5120xi32, #tpu.memory_space<hbm>>) dst(%dma_wait3A_46 : memref<5120xi32, #tpu.memory_space<vmem>>)
    } else {
    }
    %broadcast_in_dim3A = arith.constant 1.000000e+00 : f32
    %broadcast_in_dim3A_19 = vector.broadcast %broadcast_in_dim3A : f32 to vector<16xf32>
    %jit3A = arith.constant 960 : i32
    %jit3A_20 = arith.constant 320 : i32
    %select_n3A = arith.select %eq3A_1, %jit3A, %jit3A_20 : i32
    %sub3A = arith.constant 0 : i32
    %sub3A_21 = arith.subi %select_n3A, %sub3A : i32
    %sub3A_22 = arith.constant 1 : i32
    %sub3A_23 = arith.constant 1 : i32
    %sub3A_24 = arith.subi %sub3A_22, %sub3A_23 : i32
    %add3A_25 = arith.addi %sub3A_21, %sub3A_24 : i32
    %div3A = arith.constant 1 : i32
    %div3A_26 = arith.divsi %add3A_25, %div3A : i32
    %while3A = arith.constant 1 : i32
    %while3A_27 = arith.constant 0 : i32
    %while3A_28 = arith.constant 0 : i32
    %while3A_29 = arith.subi %div3A_26, %while3A_28 : i32
    %while3A_30 = arith.addi %while3A_28, %while3A_29 : i32
    %while3A_31 = arith.constant 1 : i32
    %while3A_32 = arith.divsi %while3A_29, %while3A_31 : i32
    %while3A_33 = arith.muli %while3A_32, %while3A_31 : i32
    %while3A_34 = arith.addi %while3A_28, %while3A_33 : i32
    %while3A_35 = arith.constant 1 : i32
    scf.for %while3A_39 = %while3A_28 to %while3A_34 step %while3A_35  : i32 {
      %mul3A_40 = arith.muli %while3A_39, %while3A : i32
      %add3A_41 = arith.addi %while3A_27, %mul3A_40 : i32
      %mul3A_42 = arith.constant 16 : i32
      %mul3A_43 = arith.muli %add3A_41, %mul3A_42 : i32
      %get3A = arith.index_cast %mul3A_43 : i32 to index
      %get3A_44 = tpu.vector_load %arg4[%get3A] {strides = array<i32>} : memref<15360xi32, #tpu.memory_space<vmem>>, vector<16xi32>,
      tpu.vector_store_idx %arg5[%get3A_44], %broadcast_in_dim3A_19 {add = true} : memref<10112xf32, #tpu.memory_space<vmem>>[vector<16xi32>], vector<16xf32>,
    }
    %while3A_36 = arith.constant 1 : i32
    scf.for %while3A_39 = %while3A_34 to %while3A_30 step %while3A_36  : i32 {
      %mul3A_40 = arith.muli %while3A_39, %while3A : i32
      %add3A_41 = arith.addi %while3A_27, %mul3A_40 : i32
      %mul3A_42 = arith.constant 16 : i32
      %mul3A_43 = arith.muli %add3A_41, %mul3A_42 : i32
      %get3A = arith.index_cast %mul3A_43 : i32 to index
      %get3A_44 = tpu.vector_load %arg4[%get3A] {strides = array<i32>} : memref<15360xi32, #tpu.memory_space<vmem>>, vector<16xi32>,
      tpu.vector_store_idx %arg5[%get3A_44], %broadcast_in_dim3A_19 {add = true} : memref<10112xf32, #tpu.memory_space<vmem>>[vector<16xi32>], vector<16xf32>,
    }
    %mul3A_37 = arith.constant 10112 : i32
    %mul3A_38 = arith.muli %add3A, %mul3A_37 : i32
    "tpu.region"() ({
      %run_scoped3A = tpu.sem_alloc : memref<!tpu.dma_semaphore, #tpu.memory_space<semaphore_mem>>
      %dma_start3A = tpu.memref_slice %arg3[%mul3A_38] : memref<323584xf32, #tpu.memory_space<hbm>> -> memref<10112xf32, #tpu.memory_space<hbm>>
      %dma_start3A_39 = tpu.memref_slice %arg3[%mul3A_38] : memref<323584xf32, #tpu.memory_space<hbm>> -> memref<10112xf32, #tpu.memory_space<hbm>>
      tpu.enqueue_dma source(%arg5 : memref<10112xf32, #tpu.memory_space<vmem>>) target(%dma_start3A_39 : memref<10112xf32, #tpu.memory_space<hbm>>) target_semaphore(%run_scoped3A : memref<!tpu.dma_semaphore, #tpu.memory_space<semaphore_mem>>)
      %dma_wait3A = tpu.memref_slice %arg3[%mul3A_38] : memref<323584xf32, #tpu.memory_space<hbm>> -> memref<10112xf32, #tpu.memory_space<hbm>>
      %dma_wait3A_40 = tpu.memref_slice %arg3[%mul3A_38] : memref<323584xf32, #tpu.memory_space<hbm>> -> memref<10112xf32, #tpu.memory_space<hbm>>
      tpu.wait_dma2 semaphore(%run_scoped3A : memref<!tpu.dma_semaphore, #tpu.memory_space<semaphore_mem>>) src(%arg5 : memref<10112xf32, #tpu.memory_space<vmem>>) dst(%dma_wait3A_40 : memref<10112xf32, #tpu.memory_space<hbm>>)
      tpu.yield
    }) : () -> ()
    return
  }
}

#map = affine_map<(d0, d1) -> (0)>
module attributes {stable_mosaic.version = 14 : i64} {
  func.func @k(%arg0: i32, %arg1: i32, %arg2: memref<161792xf32, #tpu.memory_space<hbm>>, %arg3: memref<327680xi32, #tpu.memory_space<hbm>>, %arg4: memref<327680xi32, #tpu.memory_space<hbm>>, %arg5: memref<1294336xf32, #tpu.memory_space<hbm>>, %arg6: memref<4096xi32, #tpu.memory_space<vmem>>, %arg7: memref<4096xi32, #tpu.memory_space<vmem>>, %arg8: memref<4096xi32, #tpu.memory_space<vmem>>, %arg9: memref<4096xi32, #tpu.memory_space<vmem>>, %arg10: memref<10112xf32, #tpu.memory_space<vmem>>, %arg11: memref<10112xf32, #tpu.memory_space<vmem>>, %arg12: memref<10112xf32, #tpu.memory_space<vmem>>, %arg13: memref<10112xf32, #tpu.memory_space<vmem>>, %arg14: memref<10112xf32, #tpu.memory_space<vmem>>, %arg15: memref<10112xf32, #tpu.memory_space<vmem>>, %arg16: memref<10112xf32, #tpu.memory_space<vmem>>, %arg17: memref<10112xf32, #tpu.memory_space<vmem>>, %arg18: memref<!tpu.dma_semaphore, #tpu.memory_space<semaphore_mem>>, %arg19: memref<!tpu.dma_semaphore, #tpu.memory_space<semaphore_mem>>, %arg20: memref<!tpu.dma_semaphore, #tpu.memory_space<semaphore_mem>>) attributes {dimension_semantics = [#tpu.dimension_semantics<core_parallel>, #tpu.dimension_semantics<subcore_parallel>], iteration_bounds = array<i64: 2, 16>, scalar_prefetch = 0 : i64, scratch_operands = 15 : i64, tpu.core_type = #tpu.core_type<sc_vector_subcore>, window_params = [{transform_indices = #map}, {transform_indices = #map}, {transform_indices = #map}, {transform_indices = #map}]} {
    %jit3A = arith.constant 4 : i32
    %eq3A = arith.constant 0 : i32
    %eq3A_0 = arith.cmpi eq, %jit3A, %eq3A : i32
    %jit3A_1 = arith.constant 1 : i32
    %select_n3A = arith.select %eq3A_0, %jit3A_1, %jit3A : i32
    %rem3A = arith.remsi %arg1, %select_n3A : i32
    %ne3A = arith.constant 0 : i32
    %ne3A_2 = arith.cmpi ne, %rem3A, %ne3A : i32
    %lt3A = arith.constant 0 : i32
    %lt3A_3 = arith.cmpi slt, %rem3A, %lt3A : i32
    %lt3A_4 = arith.constant 0 : i32
    %lt3A_5 = arith.cmpi slt, %select_n3A, %lt3A_4 : i32
    %ne3A_6 = arith.xori %lt3A_3, %lt3A_5 : i1
    %and3A = arith.andi %ne3A_6, %ne3A_2 : i1
    %add3A = arith.addi %rem3A, %select_n3A : i32
    %select_n3A_7 = arith.select %and3A, %add3A, %rem3A : i32
    %mul3A = arith.constant 4 : i32
    %mul3A_8 = arith.muli %mul3A, %select_n3A_7 : i32
    %mul3A_9 = arith.constant 4 : i32
    %mul3A_10 = arith.muli %arg0, %mul3A_9 : i32
    %jit3A_11 = arith.constant 4 : i32
    %div3A = arith.divsi %arg1, %jit3A_11 : i32
    %sign3A = arith.constant 0 : i32
    %sign3A_12 = arith.cmpi sgt, %arg1, %sign3A : i32
    %sign3A_13 = arith.extui %sign3A_12 : i1 to i32
    %sign3A_14 = arith.constant 0 : i32
    %sign3A_15 = arith.cmpi slt, %arg1, %sign3A_14 : i32
    %sign3A_16 = arith.extui %sign3A_15 : i1 to i32
    %sign3A_17 = arith.subi %sign3A_13, %sign3A_16 : i32
    %sign3A_18 = arith.constant 0 : i32
    %sign3A_19 = arith.cmpi sgt, %jit3A_11, %sign3A_18 : i32
    %sign3A_20 = arith.extui %sign3A_19 : i1 to i32
    %sign3A_21 = arith.constant 0 : i32
    %sign3A_22 = arith.cmpi slt, %jit3A_11, %sign3A_21 : i32
    %sign3A_23 = arith.extui %sign3A_22 : i1 to i32
    %sign3A_24 = arith.subi %sign3A_20, %sign3A_23 : i32
    %ne3A_25 = arith.cmpi ne, %sign3A_17, %sign3A_24 : i32
    %rem3A_26 = arith.remsi %arg1, %jit3A_11 : i32
    %ne3A_27 = arith.constant 0 : i32
    %ne3A_28 = arith.cmpi ne, %rem3A_26, %ne3A_27 : i32
    %and3A_29 = arith.andi %ne3A_25, %ne3A_28 : i1
    %sub3A = arith.constant 1 : i32
    %sub3A_30 = arith.subi %div3A, %sub3A : i32
    %select_n3A_31 = arith.select %and3A_29, %sub3A_30, %div3A : i32
    %add3A_32 = arith.addi %mul3A_10, %select_n3A_31 : i32
    %eq3A_33 = arith.constant 0 : i32
    %eq3A_34 = arith.cmpi eq, %arg0, %eq3A_33 : i32
    %jit3A_35 = arith.constant 16 : i32
    %jit3A_36 = arith.constant 4 : i32
    %select_n3A_37 = arith.select %eq3A_34, %jit3A_35, %jit3A_36 : i32
    %jit3A_38 = arith.constant 4 : i32
    %div3A_39 = arith.divsi %arg1, %jit3A_38 : i32
    %sign3A_40 = arith.constant 0 : i32
    %sign3A_41 = arith.cmpi sgt, %arg1, %sign3A_40 : i32
    %sign3A_42 = arith.extui %sign3A_41 : i1 to i32
    %sign3A_43 = arith.constant 0 : i32
    %sign3A_44 = arith.cmpi slt, %arg1, %sign3A_43 : i32
    %sign3A_45 = arith.extui %sign3A_44 : i1 to i32
    %sign3A_46 = arith.subi %sign3A_42, %sign3A_45 : i32
    %sign3A_47 = arith.constant 0 : i32
    %sign3A_48 = arith.cmpi sgt, %jit3A_38, %sign3A_47 : i32
    %sign3A_49 = arith.extui %sign3A_48 : i1 to i32
    %sign3A_50 = arith.constant 0 : i32
    %sign3A_51 = arith.cmpi slt, %jit3A_38, %sign3A_50 : i32
    %sign3A_52 = arith.extui %sign3A_51 : i1 to i32
    %sign3A_53 = arith.subi %sign3A_49, %sign3A_52 : i32
    %ne3A_54 = arith.cmpi ne, %sign3A_46, %sign3A_53 : i32
    %rem3A_55 = arith.remsi %arg1, %jit3A_38 : i32
    %ne3A_56 = arith.constant 0 : i32
    %ne3A_57 = arith.cmpi ne, %rem3A_55, %ne3A_56 : i32
    %and3A_58 = arith.andi %ne3A_54, %ne3A_57 : i1
    %sub3A_59 = arith.constant 1 : i32
    %sub3A_60 = arith.subi %div3A_39, %sub3A_59 : i32
    %select_n3A_61 = arith.select %and3A_58, %sub3A_60, %div3A_39 : i32
    %mul3A_62 = arith.constant 65536 : i32
    %mul3A_63 = arith.muli %select_n3A_61, %mul3A_62 : i32
    %jit3A_64 = arith.constant 4 : i32
    %div3A_65 = arith.divsi %arg1, %jit3A_64 : i32
    %sign3A_66 = arith.constant 0 : i32
    %sign3A_67 = arith.cmpi sgt, %arg1, %sign3A_66 : i32
    %sign3A_68 = arith.extui %sign3A_67 : i1 to i32
    %sign3A_69 = arith.constant 0 : i32
    %sign3A_70 = arith.cmpi slt, %arg1, %sign3A_69 : i32
    %sign3A_71 = arith.extui %sign3A_70 : i1 to i32
    %sign3A_72 = arith.subi %sign3A_68, %sign3A_71 : i32
    %sign3A_73 = arith.constant 0 : i32
    %sign3A_74 = arith.cmpi sgt, %jit3A_64, %sign3A_73 : i32
    %sign3A_75 = arith.extui %sign3A_74 : i1 to i32
    %sign3A_76 = arith.constant 0 : i32
    %sign3A_77 = arith.cmpi slt, %jit3A_64, %sign3A_76 : i32
    %sign3A_78 = arith.extui %sign3A_77 : i1 to i32
    %sign3A_79 = arith.subi %sign3A_75, %sign3A_78 : i32
    %ne3A_80 = arith.cmpi ne, %sign3A_72, %sign3A_79 : i32
    %rem3A_81 = arith.remsi %arg1, %jit3A_64 : i32
    %ne3A_82 = arith.constant 0 : i32
    %ne3A_83 = arith.cmpi ne, %rem3A_81, %ne3A_82 : i32
    %and3A_84 = arith.andi %ne3A_80, %ne3A_83 : i1
    %sub3A_85 = arith.constant 1 : i32
    %sub3A_86 = arith.subi %div3A_65, %sub3A_85 : i32
    %select_n3A_87 = arith.select %and3A_84, %sub3A_86, %div3A_65 : i32
    %mul3A_88 = arith.constant 16384 : i32
    %mul3A_89 = arith.muli %select_n3A_87, %mul3A_88 : i32
    %add3A_90 = arith.constant 262144 : i32
    %add3A_91 = arith.addi %add3A_90, %mul3A_89 : i32
    %select_n3A_92 = arith.select %eq3A_34, %mul3A_63, %add3A_91 : i32
    %add3A_93 = arith.constant 0 : i32
    %add3A_94 = arith.addi %select_n3A_92, %add3A_93 : i32
    %dma_start3A = tpu.memref_slice %arg3[%add3A_94] : memref<327680xi32, #tpu.memory_space<hbm>> -> memref<4096xi32, #tpu.memory_space<hbm>>
    %dma_start3A_95 = tpu.memref_slice %arg3[%add3A_94] : memref<327680xi32, #tpu.memory_space<hbm>> -> memref<4096xi32, #tpu.memory_space<hbm>>
    tpu.enqueue_dma source(%dma_start3A_95 : memref<4096xi32, #tpu.memory_space<hbm>>) target(%arg6 : memref<4096xi32, #tpu.memory_space<vmem>>) target_semaphore(%arg18 : memref<!tpu.dma_semaphore, #tpu.memory_space<semaphore_mem>>)
    %dma_start3A_96 = tpu.memref_slice %arg4[%add3A_94] : memref<327680xi32, #tpu.memory_space<hbm>> -> memref<4096xi32, #tpu.memory_space<hbm>>
    %dma_start3A_97 = tpu.memref_slice %arg4[%add3A_94] : memref<327680xi32, #tpu.memory_space<hbm>> -> memref<4096xi32, #tpu.memory_space<hbm>>
    tpu.enqueue_dma source(%dma_start3A_97 : memref<4096xi32, #tpu.memory_space<hbm>>) target(%arg7 : memref<4096xi32, #tpu.memory_space<vmem>>) target_semaphore(%arg18 : memref<!tpu.dma_semaphore, #tpu.memory_space<semaphore_mem>>)
    %add3A_98 = arith.constant 0 : i32
    %add3A_99 = arith.addi %mul3A_8, %add3A_98 : i32
    %mul3A_100 = arith.constant 10112 : i32
    %mul3A_101 = arith.muli %add3A_99, %mul3A_100 : i32
    %dma_start3A_102 = tpu.memref_slice %arg2[%mul3A_101] : memref<161792xf32, #tpu.memory_space<hbm>> -> memref<10112xf32, #tpu.memory_space<hbm>>
    %dma_start3A_103 = tpu.memref_slice %arg2[%mul3A_101] : memref<161792xf32, #tpu.memory_space<hbm>> -> memref<10112xf32, #tpu.memory_space<hbm>>
    tpu.enqueue_dma source(%dma_start3A_103 : memref<10112xf32, #tpu.memory_space<hbm>>) target(%arg10 : memref<10112xf32, #tpu.memory_space<vmem>>) target_semaphore(%arg20 : memref<!tpu.dma_semaphore, #tpu.memory_space<semaphore_mem>>)
    %add3A_104 = arith.constant 1 : i32
    %add3A_105 = arith.addi %mul3A_8, %add3A_104 : i32
    %mul3A_106 = arith.constant 10112 : i32
    %mul3A_107 = arith.muli %add3A_105, %mul3A_106 : i32
    %dma_start3A_108 = tpu.memref_slice %arg2[%mul3A_107] : memref<161792xf32, #tpu.memory_space<hbm>> -> memref<10112xf32, #tpu.memory_space<hbm>>
    %dma_start3A_109 = tpu.memref_slice %arg2[%mul3A_107] : memref<161792xf32, #tpu.memory_space<hbm>> -> memref<10112xf32, #tpu.memory_space<hbm>>
    tpu.enqueue_dma source(%dma_start3A_109 : memref<10112xf32, #tpu.memory_space<hbm>>) target(%arg11 : memref<10112xf32, #tpu.memory_space<vmem>>) target_semaphore(%arg20 : memref<!tpu.dma_semaphore, #tpu.memory_space<semaphore_mem>>)
    %add3A_110 = arith.constant 2 : i32
    %add3A_111 = arith.addi %mul3A_8, %add3A_110 : i32
    %mul3A_112 = arith.constant 10112 : i32
    %mul3A_113 = arith.muli %add3A_111, %mul3A_112 : i32
    %dma_start3A_114 = tpu.memref_slice %arg2[%mul3A_113] : memref<161792xf32, #tpu.memory_space<hbm>> -> memref<10112xf32, #tpu.memory_space<hbm>>
    %dma_start3A_115 = tpu.memref_slice %arg2[%mul3A_113] : memref<161792xf32, #tpu.memory_space<hbm>> -> memref<10112xf32, #tpu.memory_space<hbm>>
    tpu.enqueue_dma source(%dma_start3A_115 : memref<10112xf32, #tpu.memory_space<hbm>>) target(%arg12 : memref<10112xf32, #tpu.memory_space<vmem>>) target_semaphore(%arg20 : memref<!tpu.dma_semaphore, #tpu.memory_space<semaphore_mem>>)
    %add3A_116 = arith.constant 3 : i32
    %add3A_117 = arith.addi %mul3A_8, %add3A_116 : i32
    %mul3A_118 = arith.constant 10112 : i32
    %mul3A_119 = arith.muli %add3A_117, %mul3A_118 : i32
    %dma_start3A_120 = tpu.memref_slice %arg2[%mul3A_119] : memref<161792xf32, #tpu.memory_space<hbm>> -> memref<10112xf32, #tpu.memory_space<hbm>>
    %dma_start3A_121 = tpu.memref_slice %arg2[%mul3A_119] : memref<161792xf32, #tpu.memory_space<hbm>> -> memref<10112xf32, #tpu.memory_space<hbm>>
    tpu.enqueue_dma source(%dma_start3A_121 : memref<10112xf32, #tpu.memory_space<hbm>>) target(%arg13 : memref<10112xf32, #tpu.memory_space<vmem>>) target_semaphore(%arg20 : memref<!tpu.dma_semaphore, #tpu.memory_space<semaphore_mem>>)
    %scan3A = arith.constant 0 : i32
    %scan3A_122 = arith.constant 632 : i32
    %scan3A_123 = arith.addi %scan3A, %scan3A_122 : i32
    %scan3A_124 = arith.constant 1 : i32
    scf.for %scan3A_232 = %scan3A to %scan3A_123 step %scan3A_124  : i32 {
      %mul3A_233 = arith.constant 1 : i32
      %mul3A_234 = arith.muli %scan3A_232, %mul3A_233 : i32
      %add3A_235 = arith.constant 0 : i32
      %add3A_236 = arith.addi %add3A_235, %mul3A_234 : i32
      %broadcast_in_dim3A = arith.constant 0.000000e+00 : f32
      %broadcast_in_dim3A_237 = vector.broadcast %broadcast_in_dim3A : f32 to vector<16xf32>
      %mul3A_238 = arith.constant 16 : i32
      %mul3A_239 = arith.muli %add3A_236, %mul3A_238 : i32
      %swap3A = arith.index_cast %mul3A_239 : i32 to index
      %swap3A_240 = tpu.vector_load %arg14[%swap3A] {strides = array<i32>} : memref<10112xf32, #tpu.memory_space<vmem>>, vector<16xf32>,
      tpu.vector_store %arg14[%swap3A], %broadcast_in_dim3A_237 {strides = array<i32>} : memref<10112xf32, #tpu.memory_space<vmem>>, vector<16xf32>,
      %broadcast_in_dim3A_241 = arith.constant 0.000000e+00 : f32
      %broadcast_in_dim3A_242 = vector.broadcast %broadcast_in_dim3A_241 : f32 to vector<16xf32>
      %mul3A_243 = arith.constant 16 : i32
      %mul3A_244 = arith.muli %add3A_236, %mul3A_243 : i32
      %swap3A_245 = arith.index_cast %mul3A_244 : i32 to index
      %swap3A_246 = tpu.vector_load %arg15[%swap3A_245] {strides = array<i32>} : memref<10112xf32, #tpu.memory_space<vmem>>, vector<16xf32>,
      tpu.vector_store %arg15[%swap3A_245], %broadcast_in_dim3A_242 {strides = array<i32>} : memref<10112xf32, #tpu.memory_space<vmem>>, vector<16xf32>,
      %broadcast_in_dim3A_247 = arith.constant 0.000000e+00 : f32
      %broadcast_in_dim3A_248 = vector.broadcast %broadcast_in_dim3A_247 : f32 to vector<16xf32>
      %mul3A_249 = arith.constant 16 : i32
      %mul3A_250 = arith.muli %add3A_236, %mul3A_249 : i32
      %swap3A_251 = arith.index_cast %mul3A_250 : i32 to index
      %swap3A_252 = tpu.vector_load %arg16[%swap3A_251] {strides = array<i32>} : memref<10112xf32, #tpu.memory_space<vmem>>, vector<16xf32>,
      tpu.vector_store %arg16[%swap3A_251], %broadcast_in_dim3A_248 {strides = array<i32>} : memref<10112xf32, #tpu.memory_space<vmem>>, vector<16xf32>,
      %broadcast_in_dim3A_253 = arith.constant 0.000000e+00 : f32
      %broadcast_in_dim3A_254 = vector.broadcast %broadcast_in_dim3A_253 : f32 to vector<16xf32>
      %mul3A_255 = arith.constant 16 : i32
      %mul3A_256 = arith.muli %add3A_236, %mul3A_255 : i32
      %swap3A_257 = arith.index_cast %mul3A_256 : i32 to index
      %swap3A_258 = tpu.vector_load %arg17[%swap3A_257] {strides = array<i32>} : memref<10112xf32, #tpu.memory_space<vmem>>, vector<16xf32>,
      tpu.vector_store %arg17[%swap3A_257], %broadcast_in_dim3A_254 {strides = array<i32>} : memref<10112xf32, #tpu.memory_space<vmem>>, vector<16xf32>,
    }
    %scan3A_125 = arith.constant 632 : i32
    %add3A_126 = arith.constant 0 : i32
    %add3A_127 = arith.addi %mul3A_8, %add3A_126 : i32
    %mul3A_128 = arith.constant 10112 : i32
    %mul3A_129 = arith.muli %add3A_127, %mul3A_128 : i32
    %dma_wait3A = tpu.memref_slice %arg2[%mul3A_129] : memref<161792xf32, #tpu.memory_space<hbm>> -> memref<10112xf32, #tpu.memory_space<hbm>>
    %dma_wait3A_130 = tpu.memref_slice %arg2[%mul3A_129] : memref<161792xf32, #tpu.memory_space<hbm>> -> memref<10112xf32, #tpu.memory_space<hbm>>
    tpu.wait_dma2 semaphore(%arg20 : memref<!tpu.dma_semaphore, #tpu.memory_space<semaphore_mem>>) src(%dma_wait3A_130 : memref<10112xf32, #tpu.memory_space<hbm>>) dst(%arg10 : memref<10112xf32, #tpu.memory_space<vmem>>)
    %add3A_131 = arith.constant 1 : i32
    %add3A_132 = arith.addi %mul3A_8, %add3A_131 : i32
    %mul3A_133 = arith.constant 10112 : i32
    %mul3A_134 = arith.muli %add3A_132, %mul3A_133 : i32
    %dma_wait3A_135 = tpu.memref_slice %arg2[%mul3A_134] : memref<161792xf32, #tpu.memory_space<hbm>> -> memref<10112xf32, #tpu.memory_space<hbm>>
    %dma_wait3A_136 = tpu.memref_slice %arg2[%mul3A_134] : memref<161792xf32, #tpu.memory_space<hbm>> -> memref<10112xf32, #tpu.memory_space<hbm>>
    tpu.wait_dma2 semaphore(%arg20 : memref<!tpu.dma_semaphore, #tpu.memory_space<semaphore_mem>>) src(%dma_wait3A_136 : memref<10112xf32, #tpu.memory_space<hbm>>) dst(%arg11 : memref<10112xf32, #tpu.memory_space<vmem>>)
    %add3A_137 = arith.constant 2 : i32
    %add3A_138 = arith.addi %mul3A_8, %add3A_137 : i32
    %mul3A_139 = arith.constant 10112 : i32
    %mul3A_140 = arith.muli %add3A_138, %mul3A_139 : i32
    %dma_wait3A_141 = tpu.memref_slice %arg2[%mul3A_140] : memref<161792xf32, #tpu.memory_space<hbm>> -> memref<10112xf32, #tpu.memory_space<hbm>>
    %dma_wait3A_142 = tpu.memref_slice %arg2[%mul3A_140] : memref<161792xf32, #tpu.memory_space<hbm>> -> memref<10112xf32, #tpu.memory_space<hbm>>
    tpu.wait_dma2 semaphore(%arg20 : memref<!tpu.dma_semaphore, #tpu.memory_space<semaphore_mem>>) src(%dma_wait3A_142 : memref<10112xf32, #tpu.memory_space<hbm>>) dst(%arg12 : memref<10112xf32, #tpu.memory_space<vmem>>)
    %add3A_143 = arith.constant 3 : i32
    %add3A_144 = arith.addi %mul3A_8, %add3A_143 : i32
    %mul3A_145 = arith.constant 10112 : i32
    %mul3A_146 = arith.muli %add3A_144, %mul3A_145 : i32
    %dma_wait3A_147 = tpu.memref_slice %arg2[%mul3A_146] : memref<161792xf32, #tpu.memory_space<hbm>> -> memref<10112xf32, #tpu.memory_space<hbm>>
    %dma_wait3A_148 = tpu.memref_slice %arg2[%mul3A_146] : memref<161792xf32, #tpu.memory_space<hbm>> -> memref<10112xf32, #tpu.memory_space<hbm>>
    tpu.wait_dma2 semaphore(%arg20 : memref<!tpu.dma_semaphore, #tpu.memory_space<semaphore_mem>>) src(%dma_wait3A_148 : memref<10112xf32, #tpu.memory_space<hbm>>) dst(%arg13 : memref<10112xf32, #tpu.memory_space<vmem>>)
    %jit3A_149 = arith.constant 2 : i32
    %div3A_150 = arith.divsi %select_n3A_37, %jit3A_149 : i32
    %sign3A_151 = arith.constant 0 : i32
    %sign3A_152 = arith.cmpi sgt, %select_n3A_37, %sign3A_151 : i32
    %sign3A_153 = arith.extui %sign3A_152 : i1 to i32
    %sign3A_154 = arith.constant 0 : i32
    %sign3A_155 = arith.cmpi slt, %select_n3A_37, %sign3A_154 : i32
    %sign3A_156 = arith.extui %sign3A_155 : i1 to i32
    %sign3A_157 = arith.subi %sign3A_153, %sign3A_156 : i32
    %sign3A_158 = arith.constant 0 : i32
    %sign3A_159 = arith.cmpi sgt, %jit3A_149, %sign3A_158 : i32
    %sign3A_160 = arith.extui %sign3A_159 : i1 to i32
    %sign3A_161 = arith.constant 0 : i32
    %sign3A_162 = arith.cmpi slt, %jit3A_149, %sign3A_161 : i32
    %sign3A_163 = arith.extui %sign3A_162 : i1 to i32
    %sign3A_164 = arith.subi %sign3A_160, %sign3A_163 : i32
    %ne3A_165 = arith.cmpi ne, %sign3A_157, %sign3A_164 : i32
    %rem3A_166 = arith.remsi %select_n3A_37, %jit3A_149 : i32
    %ne3A_167 = arith.constant 0 : i32
    %ne3A_168 = arith.cmpi ne, %rem3A_166, %ne3A_167 : i32
    %and3A_169 = arith.andi %ne3A_165, %ne3A_168 : i1
    %sub3A_170 = arith.constant 1 : i32
    %sub3A_171 = arith.subi %div3A_150, %sub3A_170 : i32
    %select_n3A_172 = arith.select %and3A_169, %sub3A_171, %div3A_150 : i32
    %sub3A_173 = arith.constant 0 : i32
    %sub3A_174 = arith.subi %select_n3A_172, %sub3A_173 : i32
    %sub3A_175 = arith.constant 1 : i32
    %sub3A_176 = arith.constant 1 : i32
    %sub3A_177 = arith.subi %sub3A_175, %sub3A_176 : i32
    %add3A_178 = arith.addi %sub3A_174, %sub3A_177 : i32
    %div3A_179 = arith.constant 1 : i32
    %div3A_180 = arith.divsi %add3A_178, %div3A_179 : i32
    %while3A = arith.constant 1 : i32
    %while3A_181 = arith.constant 0 : i32
    %while3A_182 = arith.constant 0 : i32
    %while3A_183 = arith.subi %div3A_180, %while3A_182 : i32
    %while3A_184 = arith.addi %while3A_182, %while3A_183 : i32
    %while3A_185 = arith.constant 1 : i32
    %while3A_186 = arith.divsi %while3A_183, %while3A_185 : i32
    %while3A_187 = arith.muli %while3A_186, %while3A_185 : i32
    %while3A_188 = arith.addi %while3A_182, %while3A_187 : i32
    %while3A_189 = arith.constant 1 : i32
    scf.for %while3A_232 = %while3A_182 to %while3A_188 step %while3A_189  : i32 {
      %mul3A_233 = arith.muli %while3A_232, %while3A : i32
      %add3A_234 = arith.addi %while3A_181, %mul3A_233 : i32
      %mul3A_235 = arith.constant 2 : i32
      %mul3A_236 = arith.muli %mul3A_235, %add3A_234 : i32
      %add3A_237 = arith.constant 1 : i32
      %add3A_238 = arith.addi %mul3A_236, %add3A_237 : i32
      %mul3A_239 = arith.constant 4096 : i32
      %mul3A_240 = arith.muli %add3A_238, %mul3A_239 : i32
      %add3A_241 = arith.addi %select_n3A_92, %mul3A_240 : i32
      %dma_start3A_242 = tpu.memref_slice %arg3[%add3A_241] : memref<327680xi32, #tpu.memory_space<hbm>> -> memref<4096xi32, #tpu.memory_space<hbm>>
      %dma_start3A_243 = tpu.memref_slice %arg3[%add3A_241] : memref<327680xi32, #tpu.memory_space<hbm>> -> memref<4096xi32, #tpu.memory_space<hbm>>
      tpu.enqueue_dma source(%dma_start3A_243 : memref<4096xi32, #tpu.memory_space<hbm>>) target(%arg8 : memref<4096xi32, #tpu.memory_space<vmem>>) target_semaphore(%arg19 : memref<!tpu.dma_semaphore, #tpu.memory_space<semaphore_mem>>)
      %dma_start3A_244 = tpu.memref_slice %arg4[%add3A_241] : memref<327680xi32, #tpu.memory_space<hbm>> -> memref<4096xi32, #tpu.memory_space<hbm>>
      %dma_start3A_245 = tpu.memref_slice %arg4[%add3A_241] : memref<327680xi32, #tpu.memory_space<hbm>> -> memref<4096xi32, #tpu.memory_space<hbm>>
      tpu.enqueue_dma source(%dma_start3A_245 : memref<4096xi32, #tpu.memory_space<hbm>>) target(%arg9 : memref<4096xi32, #tpu.memory_space<vmem>>) target_semaphore(%arg19 : memref<!tpu.dma_semaphore, #tpu.memory_space<semaphore_mem>>)
      %dma_wait3A_246 = tpu.memref_slice %arg3[%select_n3A_92] : memref<327680xi32, #tpu.memory_space<hbm>> -> memref<4096xi32, #tpu.memory_space<hbm>>
      %dma_wait3A_247 = tpu.memref_slice %arg3[%select_n3A_92] : memref<327680xi32, #tpu.memory_space<hbm>> -> memref<4096xi32, #tpu.memory_space<hbm>>
      tpu.wait_dma2 semaphore(%arg18 : memref<!tpu.dma_semaphore, #tpu.memory_space<semaphore_mem>>) src(%dma_wait3A_247 : memref<4096xi32, #tpu.memory_space<hbm>>) dst(%arg6 : memref<4096xi32, #tpu.memory_space<vmem>>)
      %dma_wait3A_248 = tpu.memref_slice %arg4[%select_n3A_92] : memref<327680xi32, #tpu.memory_space<hbm>> -> memref<4096xi32, #tpu.memory_space<hbm>>
      %dma_wait3A_249 = tpu.memref_slice %arg4[%select_n3A_92] : memref<327680xi32, #tpu.memory_space<hbm>> -> memref<4096xi32, #tpu.memory_space<hbm>>
      tpu.wait_dma2 semaphore(%arg18 : memref<!tpu.dma_semaphore, #tpu.memory_space<semaphore_mem>>) src(%dma_wait3A_249 : memref<4096xi32, #tpu.memory_space<hbm>>) dst(%arg7 : memref<4096xi32, #tpu.memory_space<vmem>>)
      %scan3A_250 = arith.constant 0 : i32
      %scan3A_251 = arith.constant 64 : i32
      %scan3A_252 = arith.addi %scan3A_250, %scan3A_251 : i32
      %scan3A_253 = arith.constant 1 : i32
      scf.for %scan3A_276 = %scan3A_250 to %scan3A_252 step %scan3A_253  : i32 {
        %mul3A_277 = arith.constant 4 : i32
        %mul3A_278 = arith.muli %scan3A_276, %mul3A_277 : i32
        %add3A_279 = arith.constant 0 : i32
        %add3A_280 = arith.addi %add3A_279, %mul3A_278 : i32
        %add3A_281 = arith.constant 0 : i32
        %add3A_282 = arith.addi %add3A_280, %add3A_281 : i32
        %mul3A_283 = arith.constant 16 : i32
        %mul3A_284 = arith.muli %add3A_282, %mul3A_283 : i32
        %get3A = arith.index_cast %mul3A_284 : i32 to index
        %get3A_285 = tpu.vector_load %arg6[%get3A] {strides = array<i32>} : memref<4096xi32, #tpu.memory_space<vmem>>, vector<16xi32>,
        %add3A_286 = arith.constant 1 : i32
        %add3A_287 = arith.addi %add3A_280, %add3A_286 : i32
        %mul3A_288 = arith.constant 16 : i32
        %mul3A_289 = arith.muli %add3A_287, %mul3A_288 : i32
        %get3A_290 = arith.index_cast %mul3A_289 : i32 to index
        %get3A_291 = tpu.vector_load %arg6[%get3A_290] {strides = array<i32>} : memref<4096xi32, #tpu.memory_space<vmem>>, vector<16xi32>,
        %add3A_292 = arith.constant 2 : i32
        %add3A_293 = arith.addi %add3A_280, %add3A_292 : i32
        %mul3A_294 = arith.constant 16 : i32
        %mul3A_295 = arith.muli %add3A_293, %mul3A_294 : i32
        %get3A_296 = arith.index_cast %mul3A_295 : i32 to index
        %get3A_297 = tpu.vector_load %arg6[%get3A_296] {strides = array<i32>} : memref<4096xi32, #tpu.memory_space<vmem>>, vector<16xi32>,
        %add3A_298 = arith.constant 3 : i32
        %add3A_299 = arith.addi %add3A_280, %add3A_298 : i32
        %mul3A_300 = arith.constant 16 : i32
        %mul3A_301 = arith.muli %add3A_299, %mul3A_300 : i32
        %get3A_302 = arith.index_cast %mul3A_301 : i32 to index
        %get3A_303 = tpu.vector_load %arg6[%get3A_302] {strides = array<i32>} : memref<4096xi32, #tpu.memory_space<vmem>>, vector<16xi32>,
        %add3A_304 = arith.constant 0 : i32
        %add3A_305 = arith.addi %add3A_280, %add3A_304 : i32
        %mul3A_306 = arith.constant 16 : i32
        %mul3A_307 = arith.muli %add3A_305, %mul3A_306 : i32
        %get3A_308 = arith.index_cast %mul3A_307 : i32 to index
        %get3A_309 = tpu.vector_load %arg7[%get3A_308] {strides = array<i32>} : memref<4096xi32, #tpu.memory_space<vmem>>, vector<16xi32>,
        %add3A_310 = arith.constant 1 : i32
        %add3A_311 = arith.addi %add3A_280, %add3A_310 : i32
        %mul3A_312 = arith.constant 16 : i32
        %mul3A_313 = arith.muli %add3A_311, %mul3A_312 : i32
        %get3A_314 = arith.index_cast %mul3A_313 : i32 to index
        %get3A_315 = tpu.vector_load %arg7[%get3A_314] {strides = array<i32>} : memref<4096xi32, #tpu.memory_space<vmem>>, vector<16xi32>,
        %add3A_316 = arith.constant 2 : i32
        %add3A_317 = arith.addi %add3A_280, %add3A_316 : i32
        %mul3A_318 = arith.constant 16 : i32
        %mul3A_319 = arith.muli %add3A_317, %mul3A_318 : i32
        %get3A_320 = arith.index_cast %mul3A_319 : i32 to index
        %get3A_321 = tpu.vector_load %arg7[%get3A_320] {strides = array<i32>} : memref<4096xi32, #tpu.memory_space<vmem>>, vector<16xi32>,
        %add3A_322 = arith.constant 3 : i32
        %add3A_323 = arith.addi %add3A_280, %add3A_322 : i32
        %mul3A_324 = arith.constant 16 : i32
        %mul3A_325 = arith.muli %add3A_323, %mul3A_324 : i32
        %get3A_326 = arith.index_cast %mul3A_325 : i32 to index
        %get3A_327 = tpu.vector_load %arg7[%get3A_326] {strides = array<i32>} : memref<4096xi32, #tpu.memory_space<vmem>>, vector<16xi32>,
        %gather3A = tpu.vector_load_idx %arg10[%get3A_285] : memref<10112xf32, #tpu.memory_space<vmem>>[vector<16xi32>], vector<16xf32>,
        %gather3A_328 = tpu.vector_load_idx %arg11[%get3A_285] : memref<10112xf32, #tpu.memory_space<vmem>>[vector<16xi32>], vector<16xf32>,
        %gather3A_329 = tpu.vector_load_idx %arg12[%get3A_285] : memref<10112xf32, #tpu.memory_space<vmem>>[vector<16xi32>], vector<16xf32>,
        %gather3A_330 = tpu.vector_load_idx %arg13[%get3A_285] : memref<10112xf32, #tpu.memory_space<vmem>>[vector<16xi32>], vector<16xf32>,
        %gather3A_331 = tpu.vector_load_idx %arg10[%get3A_291] : memref<10112xf32, #tpu.memory_space<vmem>>[vector<16xi32>], vector<16xf32>,
        %gather3A_332 = tpu.vector_load_idx %arg11[%get3A_291] : memref<10112xf32, #tpu.memory_space<vmem>>[vector<16xi32>], vector<16xf32>,
        %gather3A_333 = tpu.vector_load_idx %arg12[%get3A_291] : memref<10112xf32, #tpu.memory_space<vmem>>[vector<16xi32>], vector<16xf32>,
        %gather3A_334 = tpu.vector_load_idx %arg13[%get3A_291] : memref<10112xf32, #tpu.memory_space<vmem>>[vector<16xi32>], vector<16xf32>,
        %gather3A_335 = tpu.vector_load_idx %arg10[%get3A_297] : memref<10112xf32, #tpu.memory_space<vmem>>[vector<16xi32>], vector<16xf32>,
        %gather3A_336 = tpu.vector_load_idx %arg11[%get3A_297] : memref<10112xf32, #tpu.memory_space<vmem>>[vector<16xi32>], vector<16xf32>,
        %gather3A_337 = tpu.vector_load_idx %arg12[%get3A_297] : memref<10112xf32, #tpu.memory_space<vmem>>[vector<16xi32>], vector<16xf32>,
        %gather3A_338 = tpu.vector_load_idx %arg13[%get3A_297] : memref<10112xf32, #tpu.memory_space<vmem>>[vector<16xi32>], vector<16xf32>,
        %gather3A_339 = tpu.vector_load_idx %arg10[%get3A_303] : memref<10112xf32, #tpu.memory_space<vmem>>[vector<16xi32>], vector<16xf32>,
        %gather3A_340 = tpu.vector_load_idx %arg11[%get3A_303] : memref<10112xf32, #tpu.memory_space<vmem>>[vector<16xi32>], vector<16xf32>,
        %gather3A_341 = tpu.vector_load_idx %arg12[%get3A_303] : memref<10112xf32, #tpu.memory_space<vmem>>[vector<16xi32>], vector<16xf32>,
        %gather3A_342 = tpu.vector_load_idx %arg13[%get3A_303] : memref<10112xf32, #tpu.memory_space<vmem>>[vector<16xi32>], vector<16xf32>,
        tpu.vector_store_idx %arg14[%get3A_309], %gather3A {add = true} : memref<10112xf32, #tpu.memory_space<vmem>>[vector<16xi32>], vector<16xf32>,
        tpu.vector_store_idx %arg15[%get3A_309], %gather3A_328 {add = true} : memref<10112xf32, #tpu.memory_space<vmem>>[vector<16xi32>], vector<16xf32>,
        tpu.vector_store_idx %arg16[%get3A_309], %gather3A_329 {add = true} : memref<10112xf32, #tpu.memory_space<vmem>>[vector<16xi32>], vector<16xf32>,
        tpu.vector_store_idx %arg17[%get3A_309], %gather3A_330 {add = true} : memref<10112xf32, #tpu.memory_space<vmem>>[vector<16xi32>], vector<16xf32>,
        tpu.vector_store_idx %arg14[%get3A_315], %gather3A_331 {add = true} : memref<10112xf32, #tpu.memory_space<vmem>>[vector<16xi32>], vector<16xf32>,
        tpu.vector_store_idx %arg15[%get3A_315], %gather3A_332 {add = true} : memref<10112xf32, #tpu.memory_space<vmem>>[vector<16xi32>], vector<16xf32>,
        tpu.vector_store_idx %arg16[%get3A_315], %gather3A_333 {add = true} : memref<10112xf32, #tpu.memory_space<vmem>>[vector<16xi32>], vector<16xf32>,
        tpu.vector_store_idx %arg17[%get3A_315], %gather3A_334 {add = true} : memref<10112xf32, #tpu.memory_space<vmem>>[vector<16xi32>], vector<16xf32>,
        tpu.vector_store_idx %arg14[%get3A_321], %gather3A_335 {add = true} : memref<10112xf32, #tpu.memory_space<vmem>>[vector<16xi32>], vector<16xf32>,
        tpu.vector_store_idx %arg15[%get3A_321], %gather3A_336 {add = true} : memref<10112xf32, #tpu.memory_space<vmem>>[vector<16xi32>], vector<16xf32>,
        tpu.vector_store_idx %arg16[%get3A_321], %gather3A_337 {add = true} : memref<10112xf32, #tpu.memory_space<vmem>>[vector<16xi32>], vector<16xf32>,
        tpu.vector_store_idx %arg17[%get3A_321], %gather3A_338 {add = true} : memref<10112xf32, #tpu.memory_space<vmem>>[vector<16xi32>], vector<16xf32>,
        tpu.vector_store_idx %arg14[%get3A_327], %gather3A_339 {add = true} : memref<10112xf32, #tpu.memory_space<vmem>>[vector<16xi32>], vector<16xf32>,
        tpu.vector_store_idx %arg15[%get3A_327], %gather3A_340 {add = true} : memref<10112xf32, #tpu.memory_space<vmem>>[vector<16xi32>], vector<16xf32>,
        tpu.vector_store_idx %arg16[%get3A_327], %gather3A_341 {add = true} : memref<10112xf32, #tpu.memory_space<vmem>>[vector<16xi32>], vector<16xf32>,
        tpu.vector_store_idx %arg17[%get3A_327], %gather3A_342 {add = true} : memref<10112xf32, #tpu.memory_space<vmem>>[vector<16xi32>], vector<16xf32>,
      }
      %scan3A_254 = arith.constant 64 : i32
      %mul3A_255 = arith.constant 2 : i32
      %mul3A_256 = arith.muli %mul3A_255, %add3A_234 : i32
      %add3A_257 = arith.constant 2 : i32
      %add3A_258 = arith.addi %mul3A_256, %add3A_257 : i32
      %rem3A_259 = arith.remsi %add3A_258, %select_n3A_37 : i32
      %mul3A_260 = arith.constant 4096 : i32
      %mul3A_261 = arith.muli %rem3A_259, %mul3A_260 : i32
      %add3A_262 = arith.addi %select_n3A_92, %mul3A_261 : i32
      %dma_start3A_263 = tpu.memref_slice %arg3[%add3A_262] : memref<327680xi32, #tpu.memory_space<hbm>> -> memref<4096xi32, #tpu.memory_space<hbm>>
      %dma_start3A_264 = tpu.memref_slice %arg3[%add3A_262] : memref<327680xi32, #tpu.memory_space<hbm>> -> memref<4096xi32, #tpu.memory_space<hbm>>
      tpu.enqueue_dma source(%dma_start3A_264 : memref<4096xi32, #tpu.memory_space<hbm>>) target(%arg6 : memref<4096xi32, #tpu.memory_space<vmem>>) target_semaphore(%arg18 : memref<!tpu.dma_semaphore, #tpu.memory_space<semaphore_mem>>)
      %dma_start3A_265 = tpu.memref_slice %arg4[%add3A_262] : memref<327680xi32, #tpu.memory_space<hbm>> -> memref<4096xi32, #tpu.memory_space<hbm>>
      %dma_start3A_266 = tpu.memref_slice %arg4[%add3A_262] : memref<327680xi32, #tpu.memory_space<hbm>> -> memref<4096xi32, #tpu.memory_space<hbm>>
      tpu.enqueue_dma source(%dma_start3A_266 : memref<4096xi32, #tpu.memory_space<hbm>>) target(%arg7 : memref<4096xi32, #tpu.memory_space<vmem>>) target_semaphore(%arg18 : memref<!tpu.dma_semaphore, #tpu.memory_space<semaphore_mem>>)
      %dma_wait3A_267 = tpu.memref_slice %arg3[%select_n3A_92] : memref<327680xi32, #tpu.memory_space<hbm>> -> memref<4096xi32, #tpu.memory_space<hbm>>
      %dma_wait3A_268 = tpu.memref_slice %arg3[%select_n3A_92] : memref<327680xi32, #tpu.memory_space<hbm>> -> memref<4096xi32, #tpu.memory_space<hbm>>
      tpu.wait_dma2 semaphore(%arg19 : memref<!tpu.dma_semaphore, #tpu.memory_space<semaphore_mem>>) src(%dma_wait3A_268 : memref<4096xi32, #tpu.memory_space<hbm>>) dst(%arg8 : memref<4096xi32, #tpu.memory_space<vmem>>)
      %dma_wait3A_269 = tpu.memref_slice %arg4[%select_n3A_92] : memref<327680xi32, #tpu.memory_space<hbm>> -> memref<4096xi32, #tpu.memory_space<hbm>>
      %dma_wait3A_270 = tpu.memref_slice %arg4[%select_n3A_92] : memref<327680xi32, #tpu.memory_space<hbm>> -> memref<4096xi32, #tpu.memory_space<hbm>>
      tpu.wait_dma2 semaphore(%arg19 : memref<!tpu.dma_semaphore, #tpu.memory_space<semaphore_mem>>) src(%dma_wait3A_270 : memref<4096xi32, #tpu.memory_space<hbm>>) dst(%arg9 : memref<4096xi32, #tpu.memory_space<vmem>>)
      %scan3A_271 = arith.constant 0 : i32
      %scan3A_272 = arith.constant 64 : i32
      %scan3A_273 = arith.addi %scan3A_271, %scan3A_272 : i32
      %scan3A_274 = arith.constant 1 : i32
      scf.for %scan3A_276 = %scan3A_271 to %scan3A_273 step %scan3A_274  : i32 {
        %mul3A_277 = arith.constant 4 : i32
        %mul3A_278 = arith.muli %scan3A_276, %mul3A_277 : i32
        %add3A_279 = arith.constant 0 : i32
        %add3A_280 = arith.addi %add3A_279, %mul3A_278 : i32
        %add3A_281 = arith.constant 0 : i32
        %add3A_282 = arith.addi %add3A_280, %add3A_281 : i32
        %mul3A_283 = arith.constant 16 : i32
        %mul3A_284 = arith.muli %add3A_282, %mul3A_283 : i32
        %get3A = arith.index_cast %mul3A_284 : i32 to index
        %get3A_285 = tpu.vector_load %arg8[%get3A] {strides = array<i32>} : memref<4096xi32, #tpu.memory_space<vmem>>, vector<16xi32>,
        %add3A_286 = arith.constant 1 : i32
        %add3A_287 = arith.addi %add3A_280, %add3A_286 : i32
        %mul3A_288 = arith.constant 16 : i32
        %mul3A_289 = arith.muli %add3A_287, %mul3A_288 : i32
        %get3A_290 = arith.index_cast %mul3A_289 : i32 to index
        %get3A_291 = tpu.vector_load %arg8[%get3A_290] {strides = array<i32>} : memref<4096xi32, #tpu.memory_space<vmem>>, vector<16xi32>,
        %add3A_292 = arith.constant 2 : i32
        %add3A_293 = arith.addi %add3A_280, %add3A_292 : i32
        %mul3A_294 = arith.constant 16 : i32
        %mul3A_295 = arith.muli %add3A_293, %mul3A_294 : i32
        %get3A_296 = arith.index_cast %mul3A_295 : i32 to index
        %get3A_297 = tpu.vector_load %arg8[%get3A_296] {strides = array<i32>} : memref<4096xi32, #tpu.memory_space<vmem>>, vector<16xi32>,
        %add3A_298 = arith.constant 3 : i32
        %add3A_299 = arith.addi %add3A_280, %add3A_298 : i32
        %mul3A_300 = arith.constant 16 : i32
        %mul3A_301 = arith.muli %add3A_299, %mul3A_300 : i32
        %get3A_302 = arith.index_cast %mul3A_301 : i32 to index
        %get3A_303 = tpu.vector_load %arg8[%get3A_302] {strides = array<i32>} : memref<4096xi32, #tpu.memory_space<vmem>>, vector<16xi32>,
        %add3A_304 = arith.constant 0 : i32
        %add3A_305 = arith.addi %add3A_280, %add3A_304 : i32
        %mul3A_306 = arith.constant 16 : i32
        %mul3A_307 = arith.muli %add3A_305, %mul3A_306 : i32
        %get3A_308 = arith.index_cast %mul3A_307 : i32 to index
        %get3A_309 = tpu.vector_load %arg9[%get3A_308] {strides = array<i32>} : memref<4096xi32, #tpu.memory_space<vmem>>, vector<16xi32>,
        %add3A_310 = arith.constant 1 : i32
        %add3A_311 = arith.addi %add3A_280, %add3A_310 : i32
        %mul3A_312 = arith.constant 16 : i32
        %mul3A_313 = arith.muli %add3A_311, %mul3A_312 : i32
        %get3A_314 = arith.index_cast %mul3A_313 : i32 to index
        %get3A_315 = tpu.vector_load %arg9[%get3A_314] {strides = array<i32>} : memref<4096xi32, #tpu.memory_space<vmem>>, vector<16xi32>,
        %add3A_316 = arith.constant 2 : i32
        %add3A_317 = arith.addi %add3A_280, %add3A_316 : i32
        %mul3A_318 = arith.constant 16 : i32
        %mul3A_319 = arith.muli %add3A_317, %mul3A_318 : i32
        %get3A_320 = arith.index_cast %mul3A_319 : i32 to index
        %get3A_321 = tpu.vector_load %arg9[%get3A_320] {strides = array<i32>} : memref<4096xi32, #tpu.memory_space<vmem>>, vector<16xi32>,
        %add3A_322 = arith.constant 3 : i32
        %add3A_323 = arith.addi %add3A_280, %add3A_322 : i32
        %mul3A_324 = arith.constant 16 : i32
        %mul3A_325 = arith.muli %add3A_323, %mul3A_324 : i32
        %get3A_326 = arith.index_cast %mul3A_325 : i32 to index
        %get3A_327 = tpu.vector_load %arg9[%get3A_326] {strides = array<i32>} : memref<4096xi32, #tpu.memory_space<vmem>>, vector<16xi32>,
        %gather3A = tpu.vector_load_idx %arg10[%get3A_285] : memref<10112xf32, #tpu.memory_space<vmem>>[vector<16xi32>], vector<16xf32>,
        %gather3A_328 = tpu.vector_load_idx %arg11[%get3A_285] : memref<10112xf32, #tpu.memory_space<vmem>>[vector<16xi32>], vector<16xf32>,
        %gather3A_329 = tpu.vector_load_idx %arg12[%get3A_285] : memref<10112xf32, #tpu.memory_space<vmem>>[vector<16xi32>], vector<16xf32>,
        %gather3A_330 = tpu.vector_load_idx %arg13[%get3A_285] : memref<10112xf32, #tpu.memory_space<vmem>>[vector<16xi32>], vector<16xf32>,
        %gather3A_331 = tpu.vector_load_idx %arg10[%get3A_291] : memref<10112xf32, #tpu.memory_space<vmem>>[vector<16xi32>], vector<16xf32>,
        %gather3A_332 = tpu.vector_load_idx %arg11[%get3A_291] : memref<10112xf32, #tpu.memory_space<vmem>>[vector<16xi32>], vector<16xf32>,
        %gather3A_333 = tpu.vector_load_idx %arg12[%get3A_291] : memref<10112xf32, #tpu.memory_space<vmem>>[vector<16xi32>], vector<16xf32>,
        %gather3A_334 = tpu.vector_load_idx %arg13[%get3A_291] : memref<10112xf32, #tpu.memory_space<vmem>>[vector<16xi32>], vector<16xf32>,
        %gather3A_335 = tpu.vector_load_idx %arg10[%get3A_297] : memref<10112xf32, #tpu.memory_space<vmem>>[vector<16xi32>], vector<16xf32>,
        %gather3A_336 = tpu.vector_load_idx %arg11[%get3A_297] : memref<10112xf32, #tpu.memory_space<vmem>>[vector<16xi32>], vector<16xf32>,
        %gather3A_337 = tpu.vector_load_idx %arg12[%get3A_297] : memref<10112xf32, #tpu.memory_space<vmem>>[vector<16xi32>], vector<16xf32>,
        %gather3A_338 = tpu.vector_load_idx %arg13[%get3A_297] : memref<10112xf32, #tpu.memory_space<vmem>>[vector<16xi32>], vector<16xf32>,
        %gather3A_339 = tpu.vector_load_idx %arg10[%get3A_303] : memref<10112xf32, #tpu.memory_space<vmem>>[vector<16xi32>], vector<16xf32>,
        %gather3A_340 = tpu.vector_load_idx %arg11[%get3A_303] : memref<10112xf32, #tpu.memory_space<vmem>>[vector<16xi32>], vector<16xf32>,
        %gather3A_341 = tpu.vector_load_idx %arg12[%get3A_303] : memref<10112xf32, #tpu.memory_space<vmem>>[vector<16xi32>], vector<16xf32>,
        %gather3A_342 = tpu.vector_load_idx %arg13[%get3A_303] : memref<10112xf32, #tpu.memory_space<vmem>>[vector<16xi32>], vector<16xf32>,
        tpu.vector_store_idx %arg14[%get3A_309], %gather3A {add = true} : memref<10112xf32, #tpu.memory_space<vmem>>[vector<16xi32>], vector<16xf32>,
        tpu.vector_store_idx %arg15[%get3A_309], %gather3A_328 {add = true} : memref<10112xf32, #tpu.memory_space<vmem>>[vector<16xi32>], vector<16xf32>,
        tpu.vector_store_idx %arg16[%get3A_309], %gather3A_329 {add = true} : memref<10112xf32, #tpu.memory_space<vmem>>[vector<16xi32>], vector<16xf32>,
        tpu.vector_store_idx %arg17[%get3A_309], %gather3A_330 {add = true} : memref<10112xf32, #tpu.memory_space<vmem>>[vector<16xi32>], vector<16xf32>,
        tpu.vector_store_idx %arg14[%get3A_315], %gather3A_331 {add = true} : memref<10112xf32, #tpu.memory_space<vmem>>[vector<16xi32>], vector<16xf32>,
        tpu.vector_store_idx %arg15[%get3A_315], %gather3A_332 {add = true} : memref<10112xf32, #tpu.memory_space<vmem>>[vector<16xi32>], vector<16xf32>,
        tpu.vector_store_idx %arg16[%get3A_315], %gather3A_333 {add = true} : memref<10112xf32, #tpu.memory_space<vmem>>[vector<16xi32>], vector<16xf32>,
        tpu.vector_store_idx %arg17[%get3A_315], %gather3A_334 {add = true} : memref<10112xf32, #tpu.memory_space<vmem>>[vector<16xi32>], vector<16xf32>,
        tpu.vector_store_idx %arg14[%get3A_321], %gather3A_335 {add = true} : memref<10112xf32, #tpu.memory_space<vmem>>[vector<16xi32>], vector<16xf32>,
        tpu.vector_store_idx %arg15[%get3A_321], %gather3A_336 {add = true} : memref<10112xf32, #tpu.memory_space<vmem>>[vector<16xi32>], vector<16xf32>,
        tpu.vector_store_idx %arg16[%get3A_321], %gather3A_337 {add = true} : memref<10112xf32, #tpu.memory_space<vmem>>[vector<16xi32>], vector<16xf32>,
        tpu.vector_store_idx %arg17[%get3A_321], %gather3A_338 {add = true} : memref<10112xf32, #tpu.memory_space<vmem>>[vector<16xi32>], vector<16xf32>,
        tpu.vector_store_idx %arg14[%get3A_327], %gather3A_339 {add = true} : memref<10112xf32, #tpu.memory_space<vmem>>[vector<16xi32>], vector<16xf32>,
        tpu.vector_store_idx %arg15[%get3A_327], %gather3A_340 {add = true} : memref<10112xf32, #tpu.memory_space<vmem>>[vector<16xi32>], vector<16xf32>,
        tpu.vector_store_idx %arg16[%get3A_327], %gather3A_341 {add = true} : memref<10112xf32, #tpu.memory_space<vmem>>[vector<16xi32>], vector<16xf32>,
        tpu.vector_store_idx %arg17[%get3A_327], %gather3A_342 {add = true} : memref<10112xf32, #tpu.memory_space<vmem>>[vector<16xi32>], vector<16xf32>,
      }
      %scan3A_275 = arith.constant 64 : i32
    }
    %while3A_190 = arith.constant 1 : i32
    scf.for %while3A_232 = %while3A_188 to %while3A_184 step %while3A_190  : i32 {
      %mul3A_233 = arith.muli %while3A_232, %while3A : i32
      %add3A_234 = arith.addi %while3A_181, %mul3A_233 : i32
      %mul3A_235 = arith.constant 2 : i32
      %mul3A_236 = arith.muli %mul3A_235, %add3A_234 : i32
      %add3A_237 = arith.constant 1 : i32
      %add3A_238 = arith.addi %mul3A_236, %add3A_237 : i32
      %mul3A_239 = arith.constant 4096 : i32
      %mul3A_240 = arith.muli %add3A_238, %mul3A_239 : i32
      %add3A_241 = arith.addi %select_n3A_92, %mul3A_240 : i32
      %dma_start3A_242 = tpu.memref_slice %arg3[%add3A_241] : memref<327680xi32, #tpu.memory_space<hbm>> -> memref<4096xi32, #tpu.memory_space<hbm>>
      %dma_start3A_243 = tpu.memref_slice %arg3[%add3A_241] : memref<327680xi32, #tpu.memory_space<hbm>> -> memref<4096xi32, #tpu.memory_space<hbm>>
      tpu.enqueue_dma source(%dma_start3A_243 : memref<4096xi32, #tpu.memory_space<hbm>>) target(%arg8 : memref<4096xi32, #tpu.memory_space<vmem>>) target_semaphore(%arg19 : memref<!tpu.dma_semaphore, #tpu.memory_space<semaphore_mem>>)
      %dma_start3A_244 = tpu.memref_slice %arg4[%add3A_241] : memref<327680xi32, #tpu.memory_space<hbm>> -> memref<4096xi32, #tpu.memory_space<hbm>>
      %dma_start3A_245 = tpu.memref_slice %arg4[%add3A_241] : memref<327680xi32, #tpu.memory_space<hbm>> -> memref<4096xi32, #tpu.memory_space<hbm>>
      tpu.enqueue_dma source(%dma_start3A_245 : memref<4096xi32, #tpu.memory_space<hbm>>) target(%arg9 : memref<4096xi32, #tpu.memory_space<vmem>>) target_semaphore(%arg19 : memref<!tpu.dma_semaphore, #tpu.memory_space<semaphore_mem>>)
      %dma_wait3A_246 = tpu.memref_slice %arg3[%select_n3A_92] : memref<327680xi32, #tpu.memory_space<hbm>> -> memref<4096xi32, #tpu.memory_space<hbm>>
      %dma_wait3A_247 = tpu.memref_slice %arg3[%select_n3A_92] : memref<327680xi32, #tpu.memory_space<hbm>> -> memref<4096xi32, #tpu.memory_space<hbm>>
      tpu.wait_dma2 semaphore(%arg18 : memref<!tpu.dma_semaphore, #tpu.memory_space<semaphore_mem>>) src(%dma_wait3A_247 : memref<4096xi32, #tpu.memory_space<hbm>>) dst(%arg6 : memref<4096xi32, #tpu.memory_space<vmem>>)
      %dma_wait3A_248 = tpu.memref_slice %arg4[%select_n3A_92] : memref<327680xi32, #tpu.memory_space<hbm>> -> memref<4096xi32, #tpu.memory_space<hbm>>
      %dma_wait3A_249 = tpu.memref_slice %arg4[%select_n3A_92] : memref<327680xi32, #tpu.memory_space<hbm>> -> memref<4096xi32, #tpu.memory_space<hbm>>
      tpu.wait_dma2 semaphore(%arg18 : memref<!tpu.dma_semaphore, #tpu.memory_space<semaphore_mem>>) src(%dma_wait3A_249 : memref<4096xi32, #tpu.memory_space<hbm>>) dst(%arg7 : memref<4096xi32, #tpu.memory_space<vmem>>)
      %scan3A_250 = arith.constant 0 : i32
      %scan3A_251 = arith.constant 64 : i32
      %scan3A_252 = arith.addi %scan3A_250, %scan3A_251 : i32
      %scan3A_253 = arith.constant 1 : i32
      scf.for %scan3A_276 = %scan3A_250 to %scan3A_252 step %scan3A_253  : i32 {
        %mul3A_277 = arith.constant 4 : i32
        %mul3A_278 = arith.muli %scan3A_276, %mul3A_277 : i32
        %add3A_279 = arith.constant 0 : i32
        %add3A_280 = arith.addi %add3A_279, %mul3A_278 : i32
        %add3A_281 = arith.constant 0 : i32
        %add3A_282 = arith.addi %add3A_280, %add3A_281 : i32
        %mul3A_283 = arith.constant 16 : i32
        %mul3A_284 = arith.muli %add3A_282, %mul3A_283 : i32
        %get3A = arith.index_cast %mul3A_284 : i32 to index
        %get3A_285 = tpu.vector_load %arg6[%get3A] {strides = array<i32>} : memref<4096xi32, #tpu.memory_space<vmem>>, vector<16xi32>,
        %add3A_286 = arith.constant 1 : i32
        %add3A_287 = arith.addi %add3A_280, %add3A_286 : i32
        %mul3A_288 = arith.constant 16 : i32
        %mul3A_289 = arith.muli %add3A_287, %mul3A_288 : i32
        %get3A_290 = arith.index_cast %mul3A_289 : i32 to index
        %get3A_291 = tpu.vector_load %arg6[%get3A_290] {strides = array<i32>} : memref<4096xi32, #tpu.memory_space<vmem>>, vector<16xi32>,
        %add3A_292 = arith.constant 2 : i32
        %add3A_293 = arith.addi %add3A_280, %add3A_292 : i32
        %mul3A_294 = arith.constant 16 : i32
        %mul3A_295 = arith.muli %add3A_293, %mul3A_294 : i32
        %get3A_296 = arith.index_cast %mul3A_295 : i32 to index
        %get3A_297 = tpu.vector_load %arg6[%get3A_296] {strides = array<i32>} : memref<4096xi32, #tpu.memory_space<vmem>>, vector<16xi32>,
        %add3A_298 = arith.constant 3 : i32
        %add3A_299 = arith.addi %add3A_280, %add3A_298 : i32
        %mul3A_300 = arith.constant 16 : i32
        %mul3A_301 = arith.muli %add3A_299, %mul3A_300 : i32
        %get3A_302 = arith.index_cast %mul3A_301 : i32 to index
        %get3A_303 = tpu.vector_load %arg6[%get3A_302] {strides = array<i32>} : memref<4096xi32, #tpu.memory_space<vmem>>, vector<16xi32>,
        %add3A_304 = arith.constant 0 : i32
        %add3A_305 = arith.addi %add3A_280, %add3A_304 : i32
        %mul3A_306 = arith.constant 16 : i32
        %mul3A_307 = arith.muli %add3A_305, %mul3A_306 : i32
        %get3A_308 = arith.index_cast %mul3A_307 : i32 to index
        %get3A_309 = tpu.vector_load %arg7[%get3A_308] {strides = array<i32>} : memref<4096xi32, #tpu.memory_space<vmem>>, vector<16xi32>,
        %add3A_310 = arith.constant 1 : i32
        %add3A_311 = arith.addi %add3A_280, %add3A_310 : i32
        %mul3A_312 = arith.constant 16 : i32
        %mul3A_313 = arith.muli %add3A_311, %mul3A_312 : i32
        %get3A_314 = arith.index_cast %mul3A_313 : i32 to index
        %get3A_315 = tpu.vector_load %arg7[%get3A_314] {strides = array<i32>} : memref<4096xi32, #tpu.memory_space<vmem>>, vector<16xi32>,
        %add3A_316 = arith.constant 2 : i32
        %add3A_317 = arith.addi %add3A_280, %add3A_316 : i32
        %mul3A_318 = arith.constant 16 : i32
        %mul3A_319 = arith.muli %add3A_317, %mul3A_318 : i32
        %get3A_320 = arith.index_cast %mul3A_319 : i32 to index
        %get3A_321 = tpu.vector_load %arg7[%get3A_320] {strides = array<i32>} : memref<4096xi32, #tpu.memory_space<vmem>>, vector<16xi32>,
        %add3A_322 = arith.constant 3 : i32
        %add3A_323 = arith.addi %add3A_280, %add3A_322 : i32
        %mul3A_324 = arith.constant 16 : i32
        %mul3A_325 = arith.muli %add3A_323, %mul3A_324 : i32
        %get3A_326 = arith.index_cast %mul3A_325 : i32 to index
        %get3A_327 = tpu.vector_load %arg7[%get3A_326] {strides = array<i32>} : memref<4096xi32, #tpu.memory_space<vmem>>, vector<16xi32>,
        %gather3A = tpu.vector_load_idx %arg10[%get3A_285] : memref<10112xf32, #tpu.memory_space<vmem>>[vector<16xi32>], vector<16xf32>,
        %gather3A_328 = tpu.vector_load_idx %arg11[%get3A_285] : memref<10112xf32, #tpu.memory_space<vmem>>[vector<16xi32>], vector<16xf32>,
        %gather3A_329 = tpu.vector_load_idx %arg12[%get3A_285] : memref<10112xf32, #tpu.memory_space<vmem>>[vector<16xi32>], vector<16xf32>,
        %gather3A_330 = tpu.vector_load_idx %arg13[%get3A_285] : memref<10112xf32, #tpu.memory_space<vmem>>[vector<16xi32>], vector<16xf32>,
        %gather3A_331 = tpu.vector_load_idx %arg10[%get3A_291] : memref<10112xf32, #tpu.memory_space<vmem>>[vector<16xi32>], vector<16xf32>,
        %gather3A_332 = tpu.vector_load_idx %arg11[%get3A_291] : memref<10112xf32, #tpu.memory_space<vmem>>[vector<16xi32>], vector<16xf32>,
        %gather3A_333 = tpu.vector_load_idx %arg12[%get3A_291] : memref<10112xf32, #tpu.memory_space<vmem>>[vector<16xi32>], vector<16xf32>,
        %gather3A_334 = tpu.vector_load_idx %arg13[%get3A_291] : memref<10112xf32, #tpu.memory_space<vmem>>[vector<16xi32>], vector<16xf32>,
        %gather3A_335 = tpu.vector_load_idx %arg10[%get3A_297] : memref<10112xf32, #tpu.memory_space<vmem>>[vector<16xi32>], vector<16xf32>,
        %gather3A_336 = tpu.vector_load_idx %arg11[%get3A_297] : memref<10112xf32, #tpu.memory_space<vmem>>[vector<16xi32>], vector<16xf32>,
        %gather3A_337 = tpu.vector_load_idx %arg12[%get3A_297] : memref<10112xf32, #tpu.memory_space<vmem>>[vector<16xi32>], vector<16xf32>,
        %gather3A_338 = tpu.vector_load_idx %arg13[%get3A_297] : memref<10112xf32, #tpu.memory_space<vmem>>[vector<16xi32>], vector<16xf32>,
        %gather3A_339 = tpu.vector_load_idx %arg10[%get3A_303] : memref<10112xf32, #tpu.memory_space<vmem>>[vector<16xi32>], vector<16xf32>,
        %gather3A_340 = tpu.vector_load_idx %arg11[%get3A_303] : memref<10112xf32, #tpu.memory_space<vmem>>[vector<16xi32>], vector<16xf32>,
        %gather3A_341 = tpu.vector_load_idx %arg12[%get3A_303] : memref<10112xf32, #tpu.memory_space<vmem>>[vector<16xi32>], vector<16xf32>,
        %gather3A_342 = tpu.vector_load_idx %arg13[%get3A_303] : memref<10112xf32, #tpu.memory_space<vmem>>[vector<16xi32>], vector<16xf32>,
        tpu.vector_store_idx %arg14[%get3A_309], %gather3A {add = true} : memref<10112xf32, #tpu.memory_space<vmem>>[vector<16xi32>], vector<16xf32>,
        tpu.vector_store_idx %arg15[%get3A_309], %gather3A_328 {add = true} : memref<10112xf32, #tpu.memory_space<vmem>>[vector<16xi32>], vector<16xf32>,
        tpu.vector_store_idx %arg16[%get3A_309], %gather3A_329 {add = true} : memref<10112xf32, #tpu.memory_space<vmem>>[vector<16xi32>], vector<16xf32>,
        tpu.vector_store_idx %arg17[%get3A_309], %gather3A_330 {add = true} : memref<10112xf32, #tpu.memory_space<vmem>>[vector<16xi32>], vector<16xf32>,
        tpu.vector_store_idx %arg14[%get3A_315], %gather3A_331 {add = true} : memref<10112xf32, #tpu.memory_space<vmem>>[vector<16xi32>], vector<16xf32>,
        tpu.vector_store_idx %arg15[%get3A_315], %gather3A_332 {add = true} : memref<10112xf32, #tpu.memory_space<vmem>>[vector<16xi32>], vector<16xf32>,
        tpu.vector_store_idx %arg16[%get3A_315], %gather3A_333 {add = true} : memref<10112xf32, #tpu.memory_space<vmem>>[vector<16xi32>], vector<16xf32>,
        tpu.vector_store_idx %arg17[%get3A_315], %gather3A_334 {add = true} : memref<10112xf32, #tpu.memory_space<vmem>>[vector<16xi32>], vector<16xf32>,
        tpu.vector_store_idx %arg14[%get3A_321], %gather3A_335 {add = true} : memref<10112xf32, #tpu.memory_space<vmem>>[vector<16xi32>], vector<16xf32>,
        tpu.vector_store_idx %arg15[%get3A_321], %gather3A_336 {add = true} : memref<10112xf32, #tpu.memory_space<vmem>>[vector<16xi32>], vector<16xf32>,
        tpu.vector_store_idx %arg16[%get3A_321], %gather3A_337 {add = true} : memref<10112xf32, #tpu.memory_space<vmem>>[vector<16xi32>], vector<16xf32>,
        tpu.vector_store_idx %arg17[%get3A_321], %gather3A_338 {add = true} : memref<10112xf32, #tpu.memory_space<vmem>>[vector<16xi32>], vector<16xf32>,
        tpu.vector_store_idx %arg14[%get3A_327], %gather3A_339 {add = true} : memref<10112xf32, #tpu.memory_space<vmem>>[vector<16xi32>], vector<16xf32>,
        tpu.vector_store_idx %arg15[%get3A_327], %gather3A_340 {add = true} : memref<10112xf32, #tpu.memory_space<vmem>>[vector<16xi32>], vector<16xf32>,
        tpu.vector_store_idx %arg16[%get3A_327], %gather3A_341 {add = true} : memref<10112xf32, #tpu.memory_space<vmem>>[vector<16xi32>], vector<16xf32>,
        tpu.vector_store_idx %arg17[%get3A_327], %gather3A_342 {add = true} : memref<10112xf32, #tpu.memory_space<vmem>>[vector<16xi32>], vector<16xf32>,
      }
      %scan3A_254 = arith.constant 64 : i32
      %mul3A_255 = arith.constant 2 : i32
      %mul3A_256 = arith.muli %mul3A_255, %add3A_234 : i32
      %add3A_257 = arith.constant 2 : i32
      %add3A_258 = arith.addi %mul3A_256, %add3A_257 : i32
      %rem3A_259 = arith.remsi %add3A_258, %select_n3A_37 : i32
      %mul3A_260 = arith.constant 4096 : i32
      %mul3A_261 = arith.muli %rem3A_259, %mul3A_260 : i32
      %add3A_262 = arith.addi %select_n3A_92, %mul3A_261 : i32
      %dma_start3A_263 = tpu.memref_slice %arg3[%add3A_262] : memref<327680xi32, #tpu.memory_space<hbm>> -> memref<4096xi32, #tpu.memory_space<hbm>>
      %dma_start3A_264 = tpu.memref_slice %arg3[%add3A_262] : memref<327680xi32, #tpu.memory_space<hbm>> -> memref<4096xi32, #tpu.memory_space<hbm>>
      tpu.enqueue_dma source(%dma_start3A_264 : memref<4096xi32, #tpu.memory_space<hbm>>) target(%arg6 : memref<4096xi32, #tpu.memory_space<vmem>>) target_semaphore(%arg18 : memref<!tpu.dma_semaphore, #tpu.memory_space<semaphore_mem>>)
      %dma_start3A_265 = tpu.memref_slice %arg4[%add3A_262] : memref<327680xi32, #tpu.memory_space<hbm>> -> memref<4096xi32, #tpu.memory_space<hbm>>
      %dma_start3A_266 = tpu.memref_slice %arg4[%add3A_262] : memref<327680xi32, #tpu.memory_space<hbm>> -> memref<4096xi32, #tpu.memory_space<hbm>>
      tpu.enqueue_dma source(%dma_start3A_266 : memref<4096xi32, #tpu.memory_space<hbm>>) target(%arg7 : memref<4096xi32, #tpu.memory_space<vmem>>) target_semaphore(%arg18 : memref<!tpu.dma_semaphore, #tpu.memory_space<semaphore_mem>>)
      %dma_wait3A_267 = tpu.memref_slice %arg3[%select_n3A_92] : memref<327680xi32, #tpu.memory_space<hbm>> -> memref<4096xi32, #tpu.memory_space<hbm>>
      %dma_wait3A_268 = tpu.memref_slice %arg3[%select_n3A_92] : memref<327680xi32, #tpu.memory_space<hbm>> -> memref<4096xi32, #tpu.memory_space<hbm>>
      tpu.wait_dma2 semaphore(%arg19 : memref<!tpu.dma_semaphore, #tpu.memory_space<semaphore_mem>>) src(%dma_wait3A_268 : memref<4096xi32, #tpu.memory_space<hbm>>) dst(%arg8 : memref<4096xi32, #tpu.memory_space<vmem>>)
      %dma_wait3A_269 = tpu.memref_slice %arg4[%select_n3A_92] : memref<327680xi32, #tpu.memory_space<hbm>> -> memref<4096xi32, #tpu.memory_space<hbm>>
      %dma_wait3A_270 = tpu.memref_slice %arg4[%select_n3A_92] : memref<327680xi32, #tpu.memory_space<hbm>> -> memref<4096xi32, #tpu.memory_space<hbm>>
      tpu.wait_dma2 semaphore(%arg19 : memref<!tpu.dma_semaphore, #tpu.memory_space<semaphore_mem>>) src(%dma_wait3A_270 : memref<4096xi32, #tpu.memory_space<hbm>>) dst(%arg9 : memref<4096xi32, #tpu.memory_space<vmem>>)
      %scan3A_271 = arith.constant 0 : i32
      %scan3A_272 = arith.constant 64 : i32
      %scan3A_273 = arith.addi %scan3A_271, %scan3A_272 : i32
      %scan3A_274 = arith.constant 1 : i32
      scf.for %scan3A_276 = %scan3A_271 to %scan3A_273 step %scan3A_274  : i32 {
        %mul3A_277 = arith.constant 4 : i32
        %mul3A_278 = arith.muli %scan3A_276, %mul3A_277 : i32
        %add3A_279 = arith.constant 0 : i32
        %add3A_280 = arith.addi %add3A_279, %mul3A_278 : i32
        %add3A_281 = arith.constant 0 : i32
        %add3A_282 = arith.addi %add3A_280, %add3A_281 : i32
        %mul3A_283 = arith.constant 16 : i32
        %mul3A_284 = arith.muli %add3A_282, %mul3A_283 : i32
        %get3A = arith.index_cast %mul3A_284 : i32 to index
        %get3A_285 = tpu.vector_load %arg8[%get3A] {strides = array<i32>} : memref<4096xi32, #tpu.memory_space<vmem>>, vector<16xi32>,
        %add3A_286 = arith.constant 1 : i32
        %add3A_287 = arith.addi %add3A_280, %add3A_286 : i32
        %mul3A_288 = arith.constant 16 : i32
        %mul3A_289 = arith.muli %add3A_287, %mul3A_288 : i32
        %get3A_290 = arith.index_cast %mul3A_289 : i32 to index
        %get3A_291 = tpu.vector_load %arg8[%get3A_290] {strides = array<i32>} : memref<4096xi32, #tpu.memory_space<vmem>>, vector<16xi32>,
        %add3A_292 = arith.constant 2 : i32
        %add3A_293 = arith.addi %add3A_280, %add3A_292 : i32
        %mul3A_294 = arith.constant 16 : i32
        %mul3A_295 = arith.muli %add3A_293, %mul3A_294 : i32
        %get3A_296 = arith.index_cast %mul3A_295 : i32 to index
        %get3A_297 = tpu.vector_load %arg8[%get3A_296] {strides = array<i32>} : memref<4096xi32, #tpu.memory_space<vmem>>, vector<16xi32>,
        %add3A_298 = arith.constant 3 : i32
        %add3A_299 = arith.addi %add3A_280, %add3A_298 : i32
        %mul3A_300 = arith.constant 16 : i32
        %mul3A_301 = arith.muli %add3A_299, %mul3A_300 : i32
        %get3A_302 = arith.index_cast %mul3A_301 : i32 to index
        %get3A_303 = tpu.vector_load %arg8[%get3A_302] {strides = array<i32>} : memref<4096xi32, #tpu.memory_space<vmem>>, vector<16xi32>,
        %add3A_304 = arith.constant 0 : i32
        %add3A_305 = arith.addi %add3A_280, %add3A_304 : i32
        %mul3A_306 = arith.constant 16 : i32
        %mul3A_307 = arith.muli %add3A_305, %mul3A_306 : i32
        %get3A_308 = arith.index_cast %mul3A_307 : i32 to index
        %get3A_309 = tpu.vector_load %arg9[%get3A_308] {strides = array<i32>} : memref<4096xi32, #tpu.memory_space<vmem>>, vector<16xi32>,
        %add3A_310 = arith.constant 1 : i32
        %add3A_311 = arith.addi %add3A_280, %add3A_310 : i32
        %mul3A_312 = arith.constant 16 : i32
        %mul3A_313 = arith.muli %add3A_311, %mul3A_312 : i32
        %get3A_314 = arith.index_cast %mul3A_313 : i32 to index
        %get3A_315 = tpu.vector_load %arg9[%get3A_314] {strides = array<i32>} : memref<4096xi32, #tpu.memory_space<vmem>>, vector<16xi32>,
        %add3A_316 = arith.constant 2 : i32
        %add3A_317 = arith.addi %add3A_280, %add3A_316 : i32
        %mul3A_318 = arith.constant 16 : i32
        %mul3A_319 = arith.muli %add3A_317, %mul3A_318 : i32
        %get3A_320 = arith.index_cast %mul3A_319 : i32 to index
        %get3A_321 = tpu.vector_load %arg9[%get3A_320] {strides = array<i32>} : memref<4096xi32, #tpu.memory_space<vmem>>, vector<16xi32>,
        %add3A_322 = arith.constant 3 : i32
        %add3A_323 = arith.addi %add3A_280, %add3A_322 : i32
        %mul3A_324 = arith.constant 16 : i32
        %mul3A_325 = arith.muli %add3A_323, %mul3A_324 : i32
        %get3A_326 = arith.index_cast %mul3A_325 : i32 to index
        %get3A_327 = tpu.vector_load %arg9[%get3A_326] {strides = array<i32>} : memref<4096xi32, #tpu.memory_space<vmem>>, vector<16xi32>,
        %gather3A = tpu.vector_load_idx %arg10[%get3A_285] : memref<10112xf32, #tpu.memory_space<vmem>>[vector<16xi32>], vector<16xf32>,
        %gather3A_328 = tpu.vector_load_idx %arg11[%get3A_285] : memref<10112xf32, #tpu.memory_space<vmem>>[vector<16xi32>], vector<16xf32>,
        %gather3A_329 = tpu.vector_load_idx %arg12[%get3A_285] : memref<10112xf32, #tpu.memory_space<vmem>>[vector<16xi32>], vector<16xf32>,
        %gather3A_330 = tpu.vector_load_idx %arg13[%get3A_285] : memref<10112xf32, #tpu.memory_space<vmem>>[vector<16xi32>], vector<16xf32>,
        %gather3A_331 = tpu.vector_load_idx %arg10[%get3A_291] : memref<10112xf32, #tpu.memory_space<vmem>>[vector<16xi32>], vector<16xf32>,
        %gather3A_332 = tpu.vector_load_idx %arg11[%get3A_291] : memref<10112xf32, #tpu.memory_space<vmem>>[vector<16xi32>], vector<16xf32>,
        %gather3A_333 = tpu.vector_load_idx %arg12[%get3A_291] : memref<10112xf32, #tpu.memory_space<vmem>>[vector<16xi32>], vector<16xf32>,
        %gather3A_334 = tpu.vector_load_idx %arg13[%get3A_291] : memref<10112xf32, #tpu.memory_space<vmem>>[vector<16xi32>], vector<16xf32>,
        %gather3A_335 = tpu.vector_load_idx %arg10[%get3A_297] : memref<10112xf32, #tpu.memory_space<vmem>>[vector<16xi32>], vector<16xf32>,
        %gather3A_336 = tpu.vector_load_idx %arg11[%get3A_297] : memref<10112xf32, #tpu.memory_space<vmem>>[vector<16xi32>], vector<16xf32>,
        %gather3A_337 = tpu.vector_load_idx %arg12[%get3A_297] : memref<10112xf32, #tpu.memory_space<vmem>>[vector<16xi32>], vector<16xf32>,
        %gather3A_338 = tpu.vector_load_idx %arg13[%get3A_297] : memref<10112xf32, #tpu.memory_space<vmem>>[vector<16xi32>], vector<16xf32>,
        %gather3A_339 = tpu.vector_load_idx %arg10[%get3A_303] : memref<10112xf32, #tpu.memory_space<vmem>>[vector<16xi32>], vector<16xf32>,
        %gather3A_340 = tpu.vector_load_idx %arg11[%get3A_303] : memref<10112xf32, #tpu.memory_space<vmem>>[vector<16xi32>], vector<16xf32>,
        %gather3A_341 = tpu.vector_load_idx %arg12[%get3A_303] : memref<10112xf32, #tpu.memory_space<vmem>>[vector<16xi32>], vector<16xf32>,
        %gather3A_342 = tpu.vector_load_idx %arg13[%get3A_303] : memref<10112xf32, #tpu.memory_space<vmem>>[vector<16xi32>], vector<16xf32>,
        tpu.vector_store_idx %arg14[%get3A_309], %gather3A {add = true} : memref<10112xf32, #tpu.memory_space<vmem>>[vector<16xi32>], vector<16xf32>,
        tpu.vector_store_idx %arg15[%get3A_309], %gather3A_328 {add = true} : memref<10112xf32, #tpu.memory_space<vmem>>[vector<16xi32>], vector<16xf32>,
        tpu.vector_store_idx %arg16[%get3A_309], %gather3A_329 {add = true} : memref<10112xf32, #tpu.memory_space<vmem>>[vector<16xi32>], vector<16xf32>,
        tpu.vector_store_idx %arg17[%get3A_309], %gather3A_330 {add = true} : memref<10112xf32, #tpu.memory_space<vmem>>[vector<16xi32>], vector<16xf32>,
        tpu.vector_store_idx %arg14[%get3A_315], %gather3A_331 {add = true} : memref<10112xf32, #tpu.memory_space<vmem>>[vector<16xi32>], vector<16xf32>,
        tpu.vector_store_idx %arg15[%get3A_315], %gather3A_332 {add = true} : memref<10112xf32, #tpu.memory_space<vmem>>[vector<16xi32>], vector<16xf32>,
        tpu.vector_store_idx %arg16[%get3A_315], %gather3A_333 {add = true} : memref<10112xf32, #tpu.memory_space<vmem>>[vector<16xi32>], vector<16xf32>,
        tpu.vector_store_idx %arg17[%get3A_315], %gather3A_334 {add = true} : memref<10112xf32, #tpu.memory_space<vmem>>[vector<16xi32>], vector<16xf32>,
        tpu.vector_store_idx %arg14[%get3A_321], %gather3A_335 {add = true} : memref<10112xf32, #tpu.memory_space<vmem>>[vector<16xi32>], vector<16xf32>,
        tpu.vector_store_idx %arg15[%get3A_321], %gather3A_336 {add = true} : memref<10112xf32, #tpu.memory_space<vmem>>[vector<16xi32>], vector<16xf32>,
        tpu.vector_store_idx %arg16[%get3A_321], %gather3A_337 {add = true} : memref<10112xf32, #tpu.memory_space<vmem>>[vector<16xi32>], vector<16xf32>,
        tpu.vector_store_idx %arg17[%get3A_321], %gather3A_338 {add = true} : memref<10112xf32, #tpu.memory_space<vmem>>[vector<16xi32>], vector<16xf32>,
        tpu.vector_store_idx %arg14[%get3A_327], %gather3A_339 {add = true} : memref<10112xf32, #tpu.memory_space<vmem>>[vector<16xi32>], vector<16xf32>,
        tpu.vector_store_idx %arg15[%get3A_327], %gather3A_340 {add = true} : memref<10112xf32, #tpu.memory_space<vmem>>[vector<16xi32>], vector<16xf32>,
        tpu.vector_store_idx %arg16[%get3A_327], %gather3A_341 {add = true} : memref<10112xf32, #tpu.memory_space<vmem>>[vector<16xi32>], vector<16xf32>,
        tpu.vector_store_idx %arg17[%get3A_327], %gather3A_342 {add = true} : memref<10112xf32, #tpu.memory_space<vmem>>[vector<16xi32>], vector<16xf32>,
      }
      %scan3A_275 = arith.constant 64 : i32
    }
    %dma_wait3A_191 = tpu.memref_slice %arg3[%select_n3A_92] : memref<327680xi32, #tpu.memory_space<hbm>> -> memref<4096xi32, #tpu.memory_space<hbm>>
    %dma_wait3A_192 = tpu.memref_slice %arg3[%select_n3A_92] : memref<327680xi32, #tpu.memory_space<hbm>> -> memref<4096xi32, #tpu.memory_space<hbm>>
    tpu.wait_dma2 semaphore(%arg18 : memref<!tpu.dma_semaphore, #tpu.memory_space<semaphore_mem>>) src(%dma_wait3A_192 : memref<4096xi32, #tpu.memory_space<hbm>>) dst(%arg6 : memref<4096xi32, #tpu.memory_space<vmem>>)
    %dma_wait3A_193 = tpu.memref_slice %arg4[%select_n3A_92] : memref<327680xi32, #tpu.memory_space<hbm>> -> memref<4096xi32, #tpu.memory_space<hbm>>
    %dma_wait3A_194 = tpu.memref_slice %arg4[%select_n3A_92] : memref<327680xi32, #tpu.memory_space<hbm>> -> memref<4096xi32, #tpu.memory_space<hbm>>
    tpu.wait_dma2 semaphore(%arg18 : memref<!tpu.dma_semaphore, #tpu.memory_space<semaphore_mem>>) src(%dma_wait3A_194 : memref<4096xi32, #tpu.memory_space<hbm>>) dst(%arg7 : memref<4096xi32, #tpu.memory_space<vmem>>)
    %mul3A_195 = arith.constant 16 : i32
    %mul3A_196 = arith.muli %add3A_32, %mul3A_195 : i32
    %add3A_197 = arith.addi %mul3A_196, %mul3A_8 : i32
    %mul3A_198 = arith.constant 10112 : i32
    %mul3A_199 = arith.muli %add3A_197, %mul3A_198 : i32
    %add3A_200 = arith.constant 0 : i32
    %add3A_201 = arith.addi %mul3A_199, %add3A_200 : i32
    %dma_start3A_202 = tpu.memref_slice %arg5[%add3A_201] : memref<1294336xf32, #tpu.memory_space<hbm>> -> memref<10112xf32, #tpu.memory_space<hbm>>
    %dma_start3A_203 = tpu.memref_slice %arg5[%add3A_201] : memref<1294336xf32, #tpu.memory_space<hbm>> -> memref<10112xf32, #tpu.memory_space<hbm>>
    tpu.enqueue_dma source(%arg14 : memref<10112xf32, #tpu.memory_space<vmem>>) target(%dma_start3A_203 : memref<10112xf32, #tpu.memory_space<hbm>>) target_semaphore(%arg20 : memref<!tpu.dma_semaphore, #tpu.memory_space<semaphore_mem>>)
    %add3A_204 = arith.constant 10112 : i32
    %add3A_205 = arith.addi %mul3A_199, %add3A_204 : i32
    %dma_start3A_206 = tpu.memref_slice %arg5[%add3A_205] : memref<1294336xf32, #tpu.memory_space<hbm>> -> memref<10112xf32, #tpu.memory_space<hbm>>
    %dma_start3A_207 = tpu.memref_slice %arg5[%add3A_205] : memref<1294336xf32, #tpu.memory_space<hbm>> -> memref<10112xf32, #tpu.memory_space<hbm>>
    tpu.enqueue_dma source(%arg15 : memref<10112xf32, #tpu.memory_space<vmem>>) target(%dma_start3A_207 : memref<10112xf32, #tpu.memory_space<hbm>>) target_semaphore(%arg20 : memref<!tpu.dma_semaphore, #tpu.memory_space<semaphore_mem>>)
    %add3A_208 = arith.constant 20224 : i32
    %add3A_209 = arith.addi %mul3A_199, %add3A_208 : i32
    %dma_start3A_210 = tpu.memref_slice %arg5[%add3A_209] : memref<1294336xf32, #tpu.memory_space<hbm>> -> memref<10112xf32, #tpu.memory_space<hbm>>
    %dma_start3A_211 = tpu.memref_slice %arg5[%add3A_209] : memref<1294336xf32, #tpu.memory_space<hbm>> -> memref<10112xf32, #tpu.memory_space<hbm>>
    tpu.enqueue_dma source(%arg16 : memref<10112xf32, #tpu.memory_space<vmem>>) target(%dma_start3A_211 : memref<10112xf32, #tpu.memory_space<hbm>>) target_semaphore(%arg20 : memref<!tpu.dma_semaphore, #tpu.memory_space<semaphore_mem>>)
    %add3A_212 = arith.constant 30336 : i32
    %add3A_213 = arith.addi %mul3A_199, %add3A_212 : i32
    %dma_start3A_214 = tpu.memref_slice %arg5[%add3A_213] : memref<1294336xf32, #tpu.memory_space<hbm>> -> memref<10112xf32, #tpu.memory_space<hbm>>
    %dma_start3A_215 = tpu.memref_slice %arg5[%add3A_213] : memref<1294336xf32, #tpu.memory_space<hbm>> -> memref<10112xf32, #tpu.memory_space<hbm>>
    tpu.enqueue_dma source(%arg17 : memref<10112xf32, #tpu.memory_space<vmem>>) target(%dma_start3A_215 : memref<10112xf32, #tpu.memory_space<hbm>>) target_semaphore(%arg20 : memref<!tpu.dma_semaphore, #tpu.memory_space<semaphore_mem>>)
    %add3A_216 = arith.constant 0 : i32
    %add3A_217 = arith.addi %mul3A_199, %add3A_216 : i32
    %dma_wait3A_218 = tpu.memref_slice %arg5[%add3A_217] : memref<1294336xf32, #tpu.memory_space<hbm>> -> memref<10112xf32, #tpu.memory_space<hbm>>
    %dma_wait3A_219 = tpu.memref_slice %arg5[%add3A_217] : memref<1294336xf32, #tpu.memory_space<hbm>> -> memref<10112xf32, #tpu.memory_space<hbm>>
    tpu.wait_dma2 semaphore(%arg20 : memref<!tpu.dma_semaphore, #tpu.memory_space<semaphore_mem>>) src(%arg14 : memref<10112xf32, #tpu.memory_space<vmem>>) dst(%dma_wait3A_219 : memref<10112xf32, #tpu.memory_space<hbm>>)
    %add3A_220 = arith.constant 10112 : i32
    %add3A_221 = arith.addi %mul3A_199, %add3A_220 : i32
    %dma_wait3A_222 = tpu.memref_slice %arg5[%add3A_221] : memref<1294336xf32, #tpu.memory_space<hbm>> -> memref<10112xf32, #tpu.memory_space<hbm>>
    %dma_wait3A_223 = tpu.memref_slice %arg5[%add3A_221] : memref<1294336xf32, #tpu.memory_space<hbm>> -> memref<10112xf32, #tpu.memory_space<hbm>>
    tpu.wait_dma2 semaphore(%arg20 : memref<!tpu.dma_semaphore, #tpu.memory_space<semaphore_mem>>) src(%arg15 : memref<10112xf32, #tpu.memory_space<vmem>>) dst(%dma_wait3A_223 : memref<10112xf32, #tpu.memory_space<hbm>>)
    %add3A_224 = arith.constant 20224 : i32
    %add3A_225 = arith.addi %mul3A_199, %add3A_224 : i32
    %dma_wait3A_226 = tpu.memref_slice %arg5[%add3A_225] : memref<1294336xf32, #tpu.memory_space<hbm>> -> memref<10112xf32, #tpu.memory_space<hbm>>
    %dma_wait3A_227 = tpu.memref_slice %arg5[%add3A_225] : memref<1294336xf32, #tpu.memory_space<hbm>> -> memref<10112xf32, #tpu.memory_space<hbm>>
    tpu.wait_dma2 semaphore(%arg20 : memref<!tpu.dma_semaphore, #tpu.memory_space<semaphore_mem>>) src(%arg16 : memref<10112xf32, #tpu.memory_space<vmem>>) dst(%dma_wait3A_227 : memref<10112xf32, #tpu.memory_space<hbm>>)
    %add3A_228 = arith.constant 30336 : i32
    %add3A_229 = arith.addi %mul3A_199, %add3A_228 : i32
    %dma_wait3A_230 = tpu.memref_slice %arg5[%add3A_229] : memref<1294336xf32, #tpu.memory_space<hbm>> -> memref<10112xf32, #tpu.memory_space<hbm>>
    %dma_wait3A_231 = tpu.memref_slice %arg5[%add3A_229] : memref<1294336xf32, #tpu.memory_space<hbm>> -> memref<10112xf32, #tpu.memory_space<hbm>>
    tpu.wait_dma2 semaphore(%arg20 : memref<!tpu.dma_semaphore, #tpu.memory_space<semaphore_mem>>) src(%arg17 : memref<10112xf32, #tpu.memory_space<vmem>>) dst(%dma_wait3A_231 : memref<10112xf32, #tpu.memory_space<hbm>>)
    return
  }
}

#map = affine_map<(d0, d1) -> (0)>
module attributes {stable_mosaic.version = 14 : i64} {
  func.func @k(%arg0: i32, %arg1: i32, %arg2: memref<161792xf32, #tpu.memory_space<hbm>>, %arg3: memref<327680xi32, #tpu.memory_space<hbm>>, %arg4: memref<327680xi32, #tpu.memory_space<hbm>>, %arg5: memref<1294336xf32, #tpu.memory_space<hbm>>, %arg6: memref<4096xi32, #tpu.memory_space<vmem>>, %arg7: memref<4096xi32, #tpu.memory_space<vmem>>, %arg8: memref<4096xi32, #tpu.memory_space<vmem>>, %arg9: memref<4096xi32, #tpu.memory_space<vmem>>, %arg10: memref<10112xf32, #tpu.memory_space<vmem>>, %arg11: memref<10112xf32, #tpu.memory_space<vmem>>, %arg12: memref<10112xf32, #tpu.memory_space<vmem>>, %arg13: memref<10112xf32, #tpu.memory_space<vmem>>, %arg14: memref<10112xf32, #tpu.memory_space<vmem>>, %arg15: memref<10112xf32, #tpu.memory_space<vmem>>, %arg16: memref<10112xf32, #tpu.memory_space<vmem>>, %arg17: memref<10112xf32, #tpu.memory_space<vmem>>, %arg18: memref<!tpu.dma_semaphore, #tpu.memory_space<semaphore_mem>>, %arg19: memref<!tpu.dma_semaphore, #tpu.memory_space<semaphore_mem>>, %arg20: memref<!tpu.dma_semaphore, #tpu.memory_space<semaphore_mem>>) attributes {dimension_semantics = [#tpu.dimension_semantics<core_parallel>, #tpu.dimension_semantics<subcore_parallel>], iteration_bounds = array<i64: 2, 16>, scalar_prefetch = 0 : i64, scratch_operands = 15 : i64, tpu.core_type = #tpu.core_type<sc_vector_subcore>, window_params = [{transform_indices = #map}, {transform_indices = #map}, {transform_indices = #map}, {transform_indices = #map}]} {
    %jit3A = arith.constant 4 : i32
    %eq3A = arith.constant 0 : i32
    %eq3A_0 = arith.cmpi eq, %jit3A, %eq3A : i32
    %jit3A_1 = arith.constant 1 : i32
    %select_n3A = arith.select %eq3A_0, %jit3A_1, %jit3A : i32
    %rem3A = arith.remsi %arg1, %select_n3A : i32
    %ne3A = arith.constant 0 : i32
    %ne3A_2 = arith.cmpi ne, %rem3A, %ne3A : i32
    %lt3A = arith.constant 0 : i32
    %lt3A_3 = arith.cmpi slt, %rem3A, %lt3A : i32
    %lt3A_4 = arith.constant 0 : i32
    %lt3A_5 = arith.cmpi slt, %select_n3A, %lt3A_4 : i32
    %ne3A_6 = arith.xori %lt3A_3, %lt3A_5 : i1
    %and3A = arith.andi %ne3A_6, %ne3A_2 : i1
    %add3A = arith.addi %rem3A, %select_n3A : i32
    %select_n3A_7 = arith.select %and3A, %add3A, %rem3A : i32
    %mul3A = arith.constant 4 : i32
    %mul3A_8 = arith.muli %mul3A, %select_n3A_7 : i32
    %mul3A_9 = arith.constant 4 : i32
    %mul3A_10 = arith.muli %arg0, %mul3A_9 : i32
    %jit3A_11 = arith.constant 4 : i32
    %div3A = arith.divsi %arg1, %jit3A_11 : i32
    %sign3A = arith.constant 0 : i32
    %sign3A_12 = arith.cmpi sgt, %arg1, %sign3A : i32
    %sign3A_13 = arith.extui %sign3A_12 : i1 to i32
    %sign3A_14 = arith.constant 0 : i32
    %sign3A_15 = arith.cmpi slt, %arg1, %sign3A_14 : i32
    %sign3A_16 = arith.extui %sign3A_15 : i1 to i32
    %sign3A_17 = arith.subi %sign3A_13, %sign3A_16 : i32
    %sign3A_18 = arith.constant 0 : i32
    %sign3A_19 = arith.cmpi sgt, %jit3A_11, %sign3A_18 : i32
    %sign3A_20 = arith.extui %sign3A_19 : i1 to i32
    %sign3A_21 = arith.constant 0 : i32
    %sign3A_22 = arith.cmpi slt, %jit3A_11, %sign3A_21 : i32
    %sign3A_23 = arith.extui %sign3A_22 : i1 to i32
    %sign3A_24 = arith.subi %sign3A_20, %sign3A_23 : i32
    %ne3A_25 = arith.cmpi ne, %sign3A_17, %sign3A_24 : i32
    %rem3A_26 = arith.remsi %arg1, %jit3A_11 : i32
    %ne3A_27 = arith.constant 0 : i32
    %ne3A_28 = arith.cmpi ne, %rem3A_26, %ne3A_27 : i32
    %and3A_29 = arith.andi %ne3A_25, %ne3A_28 : i1
    %sub3A = arith.constant 1 : i32
    %sub3A_30 = arith.subi %div3A, %sub3A : i32
    %select_n3A_31 = arith.select %and3A_29, %sub3A_30, %div3A : i32
    %add3A_32 = arith.addi %mul3A_10, %select_n3A_31 : i32
    %eq3A_33 = arith.constant 0 : i32
    %eq3A_34 = arith.cmpi eq, %arg0, %eq3A_33 : i32
    %jit3A_35 = arith.constant 16 : i32
    %jit3A_36 = arith.constant 4 : i32
    %select_n3A_37 = arith.select %eq3A_34, %jit3A_35, %jit3A_36 : i32
    %jit3A_38 = arith.constant 4 : i32
    %div3A_39 = arith.divsi %arg1, %jit3A_38 : i32
    %sign3A_40 = arith.constant 0 : i32
    %sign3A_41 = arith.cmpi sgt, %arg1, %sign3A_40 : i32
    %sign3A_42 = arith.extui %sign3A_41 : i1 to i32
    %sign3A_43 = arith.constant 0 : i32
    %sign3A_44 = arith.cmpi slt, %arg1, %sign3A_43 : i32
    %sign3A_45 = arith.extui %sign3A_44 : i1 to i32
    %sign3A_46 = arith.subi %sign3A_42, %sign3A_45 : i32
    %sign3A_47 = arith.constant 0 : i32
    %sign3A_48 = arith.cmpi sgt, %jit3A_38, %sign3A_47 : i32
    %sign3A_49 = arith.extui %sign3A_48 : i1 to i32
    %sign3A_50 = arith.constant 0 : i32
    %sign3A_51 = arith.cmpi slt, %jit3A_38, %sign3A_50 : i32
    %sign3A_52 = arith.extui %sign3A_51 : i1 to i32
    %sign3A_53 = arith.subi %sign3A_49, %sign3A_52 : i32
    %ne3A_54 = arith.cmpi ne, %sign3A_46, %sign3A_53 : i32
    %rem3A_55 = arith.remsi %arg1, %jit3A_38 : i32
    %ne3A_56 = arith.constant 0 : i32
    %ne3A_57 = arith.cmpi ne, %rem3A_55, %ne3A_56 : i32
    %and3A_58 = arith.andi %ne3A_54, %ne3A_57 : i1
    %sub3A_59 = arith.constant 1 : i32
    %sub3A_60 = arith.subi %div3A_39, %sub3A_59 : i32
    %select_n3A_61 = arith.select %and3A_58, %sub3A_60, %div3A_39 : i32
    %mul3A_62 = arith.constant 65536 : i32
    %mul3A_63 = arith.muli %select_n3A_61, %mul3A_62 : i32
    %jit3A_64 = arith.constant 4 : i32
    %div3A_65 = arith.divsi %arg1, %jit3A_64 : i32
    %sign3A_66 = arith.constant 0 : i32
    %sign3A_67 = arith.cmpi sgt, %arg1, %sign3A_66 : i32
    %sign3A_68 = arith.extui %sign3A_67 : i1 to i32
    %sign3A_69 = arith.constant 0 : i32
    %sign3A_70 = arith.cmpi slt, %arg1, %sign3A_69 : i32
    %sign3A_71 = arith.extui %sign3A_70 : i1 to i32
    %sign3A_72 = arith.subi %sign3A_68, %sign3A_71 : i32
    %sign3A_73 = arith.constant 0 : i32
    %sign3A_74 = arith.cmpi sgt, %jit3A_64, %sign3A_73 : i32
    %sign3A_75 = arith.extui %sign3A_74 : i1 to i32
    %sign3A_76 = arith.constant 0 : i32
    %sign3A_77 = arith.cmpi slt, %jit3A_64, %sign3A_76 : i32
    %sign3A_78 = arith.extui %sign3A_77 : i1 to i32
    %sign3A_79 = arith.subi %sign3A_75, %sign3A_78 : i32
    %ne3A_80 = arith.cmpi ne, %sign3A_72, %sign3A_79 : i32
    %rem3A_81 = arith.remsi %arg1, %jit3A_64 : i32
    %ne3A_82 = arith.constant 0 : i32
    %ne3A_83 = arith.cmpi ne, %rem3A_81, %ne3A_82 : i32
    %and3A_84 = arith.andi %ne3A_80, %ne3A_83 : i1
    %sub3A_85 = arith.constant 1 : i32
    %sub3A_86 = arith.subi %div3A_65, %sub3A_85 : i32
    %select_n3A_87 = arith.select %and3A_84, %sub3A_86, %div3A_65 : i32
    %mul3A_88 = arith.constant 16384 : i32
    %mul3A_89 = arith.muli %select_n3A_87, %mul3A_88 : i32
    %add3A_90 = arith.constant 262144 : i32
    %add3A_91 = arith.addi %add3A_90, %mul3A_89 : i32
    %select_n3A_92 = arith.select %eq3A_34, %mul3A_63, %add3A_91 : i32
    %add3A_93 = arith.constant 0 : i32
    %add3A_94 = arith.addi %select_n3A_92, %add3A_93 : i32
    %dma_start3A = tpu.memref_slice %arg3[%add3A_94] : memref<327680xi32, #tpu.memory_space<hbm>> -> memref<4096xi32, #tpu.memory_space<hbm>>
    %dma_start3A_95 = tpu.memref_slice %arg3[%add3A_94] : memref<327680xi32, #tpu.memory_space<hbm>> -> memref<4096xi32, #tpu.memory_space<hbm>>
    tpu.enqueue_dma source(%dma_start3A_95 : memref<4096xi32, #tpu.memory_space<hbm>>) target(%arg6 : memref<4096xi32, #tpu.memory_space<vmem>>) target_semaphore(%arg18 : memref<!tpu.dma_semaphore, #tpu.memory_space<semaphore_mem>>)
    %dma_start3A_96 = tpu.memref_slice %arg4[%add3A_94] : memref<327680xi32, #tpu.memory_space<hbm>> -> memref<4096xi32, #tpu.memory_space<hbm>>
    %dma_start3A_97 = tpu.memref_slice %arg4[%add3A_94] : memref<327680xi32, #tpu.memory_space<hbm>> -> memref<4096xi32, #tpu.memory_space<hbm>>
    tpu.enqueue_dma source(%dma_start3A_97 : memref<4096xi32, #tpu.memory_space<hbm>>) target(%arg7 : memref<4096xi32, #tpu.memory_space<vmem>>) target_semaphore(%arg18 : memref<!tpu.dma_semaphore, #tpu.memory_space<semaphore_mem>>)
    %add3A_98 = arith.constant 0 : i32
    %add3A_99 = arith.addi %mul3A_8, %add3A_98 : i32
    %mul3A_100 = arith.constant 10112 : i32
    %mul3A_101 = arith.muli %add3A_99, %mul3A_100 : i32
    %dma_start3A_102 = tpu.memref_slice %arg2[%mul3A_101] : memref<161792xf32, #tpu.memory_space<hbm>> -> memref<10112xf32, #tpu.memory_space<hbm>>
    %dma_start3A_103 = tpu.memref_slice %arg2[%mul3A_101] : memref<161792xf32, #tpu.memory_space<hbm>> -> memref<10112xf32, #tpu.memory_space<hbm>>
    tpu.enqueue_dma source(%dma_start3A_103 : memref<10112xf32, #tpu.memory_space<hbm>>) target(%arg10 : memref<10112xf32, #tpu.memory_space<vmem>>) target_semaphore(%arg20 : memref<!tpu.dma_semaphore, #tpu.memory_space<semaphore_mem>>)
    %add3A_104 = arith.constant 1 : i32
    %add3A_105 = arith.addi %mul3A_8, %add3A_104 : i32
    %mul3A_106 = arith.constant 10112 : i32
    %mul3A_107 = arith.muli %add3A_105, %mul3A_106 : i32
    %dma_start3A_108 = tpu.memref_slice %arg2[%mul3A_107] : memref<161792xf32, #tpu.memory_space<hbm>> -> memref<10112xf32, #tpu.memory_space<hbm>>
    %dma_start3A_109 = tpu.memref_slice %arg2[%mul3A_107] : memref<161792xf32, #tpu.memory_space<hbm>> -> memref<10112xf32, #tpu.memory_space<hbm>>
    tpu.enqueue_dma source(%dma_start3A_109 : memref<10112xf32, #tpu.memory_space<hbm>>) target(%arg11 : memref<10112xf32, #tpu.memory_space<vmem>>) target_semaphore(%arg20 : memref<!tpu.dma_semaphore, #tpu.memory_space<semaphore_mem>>)
    %add3A_110 = arith.constant 2 : i32
    %add3A_111 = arith.addi %mul3A_8, %add3A_110 : i32
    %mul3A_112 = arith.constant 10112 : i32
    %mul3A_113 = arith.muli %add3A_111, %mul3A_112 : i32
    %dma_start3A_114 = tpu.memref_slice %arg2[%mul3A_113] : memref<161792xf32, #tpu.memory_space<hbm>> -> memref<10112xf32, #tpu.memory_space<hbm>>
    %dma_start3A_115 = tpu.memref_slice %arg2[%mul3A_113] : memref<161792xf32, #tpu.memory_space<hbm>> -> memref<10112xf32, #tpu.memory_space<hbm>>
    tpu.enqueue_dma source(%dma_start3A_115 : memref<10112xf32, #tpu.memory_space<hbm>>) target(%arg12 : memref<10112xf32, #tpu.memory_space<vmem>>) target_semaphore(%arg20 : memref<!tpu.dma_semaphore, #tpu.memory_space<semaphore_mem>>)
    %add3A_116 = arith.constant 3 : i32
    %add3A_117 = arith.addi %mul3A_8, %add3A_116 : i32
    %mul3A_118 = arith.constant 10112 : i32
    %mul3A_119 = arith.muli %add3A_117, %mul3A_118 : i32
    %dma_start3A_120 = tpu.memref_slice %arg2[%mul3A_119] : memref<161792xf32, #tpu.memory_space<hbm>> -> memref<10112xf32, #tpu.memory_space<hbm>>
    %dma_start3A_121 = tpu.memref_slice %arg2[%mul3A_119] : memref<161792xf32, #tpu.memory_space<hbm>> -> memref<10112xf32, #tpu.memory_space<hbm>>
    tpu.enqueue_dma source(%dma_start3A_121 : memref<10112xf32, #tpu.memory_space<hbm>>) target(%arg13 : memref<10112xf32, #tpu.memory_space<vmem>>) target_semaphore(%arg20 : memref<!tpu.dma_semaphore, #tpu.memory_space<semaphore_mem>>)
    %scan3A = arith.constant 0 : i32
    %scan3A_122 = arith.constant 632 : i32
    %scan3A_123 = arith.addi %scan3A, %scan3A_122 : i32
    %scan3A_124 = arith.constant 1 : i32
    scf.for %scan3A_232 = %scan3A to %scan3A_123 step %scan3A_124  : i32 {
      %mul3A_233 = arith.constant 1 : i32
      %mul3A_234 = arith.muli %scan3A_232, %mul3A_233 : i32
      %add3A_235 = arith.constant 0 : i32
      %add3A_236 = arith.addi %add3A_235, %mul3A_234 : i32
      %broadcast_in_dim3A = arith.constant 0.000000e+00 : f32
      %broadcast_in_dim3A_237 = vector.broadcast %broadcast_in_dim3A : f32 to vector<16xf32>
      %mul3A_238 = arith.constant 16 : i32
      %mul3A_239 = arith.muli %add3A_236, %mul3A_238 : i32
      %swap3A = arith.index_cast %mul3A_239 : i32 to index
      %swap3A_240 = tpu.vector_load %arg14[%swap3A] {strides = array<i32>} : memref<10112xf32, #tpu.memory_space<vmem>>, vector<16xf32>,
      tpu.vector_store %arg14[%swap3A], %broadcast_in_dim3A_237 {strides = array<i32>} : memref<10112xf32, #tpu.memory_space<vmem>>, vector<16xf32>,
      %broadcast_in_dim3A_241 = arith.constant 0.000000e+00 : f32
      %broadcast_in_dim3A_242 = vector.broadcast %broadcast_in_dim3A_241 : f32 to vector<16xf32>
      %mul3A_243 = arith.constant 16 : i32
      %mul3A_244 = arith.muli %add3A_236, %mul3A_243 : i32
      %swap3A_245 = arith.index_cast %mul3A_244 : i32 to index
      %swap3A_246 = tpu.vector_load %arg15[%swap3A_245] {strides = array<i32>} : memref<10112xf32, #tpu.memory_space<vmem>>, vector<16xf32>,
      tpu.vector_store %arg15[%swap3A_245], %broadcast_in_dim3A_242 {strides = array<i32>} : memref<10112xf32, #tpu.memory_space<vmem>>, vector<16xf32>,
      %broadcast_in_dim3A_247 = arith.constant 0.000000e+00 : f32
      %broadcast_in_dim3A_248 = vector.broadcast %broadcast_in_dim3A_247 : f32 to vector<16xf32>
      %mul3A_249 = arith.constant 16 : i32
      %mul3A_250 = arith.muli %add3A_236, %mul3A_249 : i32
      %swap3A_251 = arith.index_cast %mul3A_250 : i32 to index
      %swap3A_252 = tpu.vector_load %arg16[%swap3A_251] {strides = array<i32>} : memref<10112xf32, #tpu.memory_space<vmem>>, vector<16xf32>,
      tpu.vector_store %arg16[%swap3A_251], %broadcast_in_dim3A_248 {strides = array<i32>} : memref<10112xf32, #tpu.memory_space<vmem>>, vector<16xf32>,
      %broadcast_in_dim3A_253 = arith.constant 0.000000e+00 : f32
      %broadcast_in_dim3A_254 = vector.broadcast %broadcast_in_dim3A_253 : f32 to vector<16xf32>
      %mul3A_255 = arith.constant 16 : i32
      %mul3A_256 = arith.muli %add3A_236, %mul3A_255 : i32
      %swap3A_257 = arith.index_cast %mul3A_256 : i32 to index
      %swap3A_258 = tpu.vector_load %arg17[%swap3A_257] {strides = array<i32>} : memref<10112xf32, #tpu.memory_space<vmem>>, vector<16xf32>,
      tpu.vector_store %arg17[%swap3A_257], %broadcast_in_dim3A_254 {strides = array<i32>} : memref<10112xf32, #tpu.memory_space<vmem>>, vector<16xf32>,
    }
    %scan3A_125 = arith.constant 632 : i32
    %add3A_126 = arith.constant 0 : i32
    %add3A_127 = arith.addi %mul3A_8, %add3A_126 : i32
    %mul3A_128 = arith.constant 10112 : i32
    %mul3A_129 = arith.muli %add3A_127, %mul3A_128 : i32
    %dma_wait3A = tpu.memref_slice %arg2[%mul3A_129] : memref<161792xf32, #tpu.memory_space<hbm>> -> memref<10112xf32, #tpu.memory_space<hbm>>
    %dma_wait3A_130 = tpu.memref_slice %arg2[%mul3A_129] : memref<161792xf32, #tpu.memory_space<hbm>> -> memref<10112xf32, #tpu.memory_space<hbm>>
    tpu.wait_dma2 semaphore(%arg20 : memref<!tpu.dma_semaphore, #tpu.memory_space<semaphore_mem>>) src(%dma_wait3A_130 : memref<10112xf32, #tpu.memory_space<hbm>>) dst(%arg10 : memref<10112xf32, #tpu.memory_space<vmem>>)
    %add3A_131 = arith.constant 1 : i32
    %add3A_132 = arith.addi %mul3A_8, %add3A_131 : i32
    %mul3A_133 = arith.constant 10112 : i32
    %mul3A_134 = arith.muli %add3A_132, %mul3A_133 : i32
    %dma_wait3A_135 = tpu.memref_slice %arg2[%mul3A_134] : memref<161792xf32, #tpu.memory_space<hbm>> -> memref<10112xf32, #tpu.memory_space<hbm>>
    %dma_wait3A_136 = tpu.memref_slice %arg2[%mul3A_134] : memref<161792xf32, #tpu.memory_space<hbm>> -> memref<10112xf32, #tpu.memory_space<hbm>>
    tpu.wait_dma2 semaphore(%arg20 : memref<!tpu.dma_semaphore, #tpu.memory_space<semaphore_mem>>) src(%dma_wait3A_136 : memref<10112xf32, #tpu.memory_space<hbm>>) dst(%arg11 : memref<10112xf32, #tpu.memory_space<vmem>>)
    %add3A_137 = arith.constant 2 : i32
    %add3A_138 = arith.addi %mul3A_8, %add3A_137 : i32
    %mul3A_139 = arith.constant 10112 : i32
    %mul3A_140 = arith.muli %add3A_138, %mul3A_139 : i32
    %dma_wait3A_141 = tpu.memref_slice %arg2[%mul3A_140] : memref<161792xf32, #tpu.memory_space<hbm>> -> memref<10112xf32, #tpu.memory_space<hbm>>
    %dma_wait3A_142 = tpu.memref_slice %arg2[%mul3A_140] : memref<161792xf32, #tpu.memory_space<hbm>> -> memref<10112xf32, #tpu.memory_space<hbm>>
    tpu.wait_dma2 semaphore(%arg20 : memref<!tpu.dma_semaphore, #tpu.memory_space<semaphore_mem>>) src(%dma_wait3A_142 : memref<10112xf32, #tpu.memory_space<hbm>>) dst(%arg12 : memref<10112xf32, #tpu.memory_space<vmem>>)
    %add3A_143 = arith.constant 3 : i32
    %add3A_144 = arith.addi %mul3A_8, %add3A_143 : i32
    %mul3A_145 = arith.constant 10112 : i32
    %mul3A_146 = arith.muli %add3A_144, %mul3A_145 : i32
    %dma_wait3A_147 = tpu.memref_slice %arg2[%mul3A_146] : memref<161792xf32, #tpu.memory_space<hbm>> -> memref<10112xf32, #tpu.memory_space<hbm>>
    %dma_wait3A_148 = tpu.memref_slice %arg2[%mul3A_146] : memref<161792xf32, #tpu.memory_space<hbm>> -> memref<10112xf32, #tpu.memory_space<hbm>>
    tpu.wait_dma2 semaphore(%arg20 : memref<!tpu.dma_semaphore, #tpu.memory_space<semaphore_mem>>) src(%dma_wait3A_148 : memref<10112xf32, #tpu.memory_space<hbm>>) dst(%arg13 : memref<10112xf32, #tpu.memory_space<vmem>>)
    %jit3A_149 = arith.constant 2 : i32
    %div3A_150 = arith.divsi %select_n3A_37, %jit3A_149 : i32
    %sign3A_151 = arith.constant 0 : i32
    %sign3A_152 = arith.cmpi sgt, %select_n3A_37, %sign3A_151 : i32
    %sign3A_153 = arith.extui %sign3A_152 : i1 to i32
    %sign3A_154 = arith.constant 0 : i32
    %sign3A_155 = arith.cmpi slt, %select_n3A_37, %sign3A_154 : i32
    %sign3A_156 = arith.extui %sign3A_155 : i1 to i32
    %sign3A_157 = arith.subi %sign3A_153, %sign3A_156 : i32
    %sign3A_158 = arith.constant 0 : i32
    %sign3A_159 = arith.cmpi sgt, %jit3A_149, %sign3A_158 : i32
    %sign3A_160 = arith.extui %sign3A_159 : i1 to i32
    %sign3A_161 = arith.constant 0 : i32
    %sign3A_162 = arith.cmpi slt, %jit3A_149, %sign3A_161 : i32
    %sign3A_163 = arith.extui %sign3A_162 : i1 to i32
    %sign3A_164 = arith.subi %sign3A_160, %sign3A_163 : i32
    %ne3A_165 = arith.cmpi ne, %sign3A_157, %sign3A_164 : i32
    %rem3A_166 = arith.remsi %select_n3A_37, %jit3A_149 : i32
    %ne3A_167 = arith.constant 0 : i32
    %ne3A_168 = arith.cmpi ne, %rem3A_166, %ne3A_167 : i32
    %and3A_169 = arith.andi %ne3A_165, %ne3A_168 : i1
    %sub3A_170 = arith.constant 1 : i32
    %sub3A_171 = arith.subi %div3A_150, %sub3A_170 : i32
    %select_n3A_172 = arith.select %and3A_169, %sub3A_171, %div3A_150 : i32
    %sub3A_173 = arith.constant 0 : i32
    %sub3A_174 = arith.subi %select_n3A_172, %sub3A_173 : i32
    %sub3A_175 = arith.constant 1 : i32
    %sub3A_176 = arith.constant 1 : i32
    %sub3A_177 = arith.subi %sub3A_175, %sub3A_176 : i32
    %add3A_178 = arith.addi %sub3A_174, %sub3A_177 : i32
    %div3A_179 = arith.constant 1 : i32
    %div3A_180 = arith.divsi %add3A_178, %div3A_179 : i32
    %while3A = arith.constant 1 : i32
    %while3A_181 = arith.constant 0 : i32
    %while3A_182 = arith.constant 0 : i32
    %while3A_183 = arith.subi %div3A_180, %while3A_182 : i32
    %while3A_184 = arith.addi %while3A_182, %while3A_183 : i32
    %while3A_185 = arith.constant 1 : i32
    %while3A_186 = arith.divsi %while3A_183, %while3A_185 : i32
    %while3A_187 = arith.muli %while3A_186, %while3A_185 : i32
    %while3A_188 = arith.addi %while3A_182, %while3A_187 : i32
    %while3A_189 = arith.constant 1 : i32
    scf.for %while3A_232 = %while3A_182 to %while3A_188 step %while3A_189  : i32 {
      %mul3A_233 = arith.muli %while3A_232, %while3A : i32
      %add3A_234 = arith.addi %while3A_181, %mul3A_233 : i32
      %mul3A_235 = arith.constant 2 : i32
      %mul3A_236 = arith.muli %mul3A_235, %add3A_234 : i32
      %add3A_237 = arith.constant 1 : i32
      %add3A_238 = arith.addi %mul3A_236, %add3A_237 : i32
      %mul3A_239 = arith.constant 4096 : i32
      %mul3A_240 = arith.muli %add3A_238, %mul3A_239 : i32
      %add3A_241 = arith.addi %select_n3A_92, %mul3A_240 : i32
      %dma_start3A_242 = tpu.memref_slice %arg3[%add3A_241] : memref<327680xi32, #tpu.memory_space<hbm>> -> memref<4096xi32, #tpu.memory_space<hbm>>
      %dma_start3A_243 = tpu.memref_slice %arg3[%add3A_241] : memref<327680xi32, #tpu.memory_space<hbm>> -> memref<4096xi32, #tpu.memory_space<hbm>>
      tpu.enqueue_dma source(%dma_start3A_243 : memref<4096xi32, #tpu.memory_space<hbm>>) target(%arg8 : memref<4096xi32, #tpu.memory_space<vmem>>) target_semaphore(%arg19 : memref<!tpu.dma_semaphore, #tpu.memory_space<semaphore_mem>>)
      %dma_start3A_244 = tpu.memref_slice %arg4[%add3A_241] : memref<327680xi32, #tpu.memory_space<hbm>> -> memref<4096xi32, #tpu.memory_space<hbm>>
      %dma_start3A_245 = tpu.memref_slice %arg4[%add3A_241] : memref<327680xi32, #tpu.memory_space<hbm>> -> memref<4096xi32, #tpu.memory_space<hbm>>
      tpu.enqueue_dma source(%dma_start3A_245 : memref<4096xi32, #tpu.memory_space<hbm>>) target(%arg9 : memref<4096xi32, #tpu.memory_space<vmem>>) target_semaphore(%arg19 : memref<!tpu.dma_semaphore, #tpu.memory_space<semaphore_mem>>)
      %dma_wait3A_246 = tpu.memref_slice %arg3[%select_n3A_92] : memref<327680xi32, #tpu.memory_space<hbm>> -> memref<4096xi32, #tpu.memory_space<hbm>>
      %dma_wait3A_247 = tpu.memref_slice %arg3[%select_n3A_92] : memref<327680xi32, #tpu.memory_space<hbm>> -> memref<4096xi32, #tpu.memory_space<hbm>>
      tpu.wait_dma2 semaphore(%arg18 : memref<!tpu.dma_semaphore, #tpu.memory_space<semaphore_mem>>) src(%dma_wait3A_247 : memref<4096xi32, #tpu.memory_space<hbm>>) dst(%arg6 : memref<4096xi32, #tpu.memory_space<vmem>>)
      %dma_wait3A_248 = tpu.memref_slice %arg4[%select_n3A_92] : memref<327680xi32, #tpu.memory_space<hbm>> -> memref<4096xi32, #tpu.memory_space<hbm>>
      %dma_wait3A_249 = tpu.memref_slice %arg4[%select_n3A_92] : memref<327680xi32, #tpu.memory_space<hbm>> -> memref<4096xi32, #tpu.memory_space<hbm>>
      tpu.wait_dma2 semaphore(%arg18 : memref<!tpu.dma_semaphore, #tpu.memory_space<semaphore_mem>>) src(%dma_wait3A_249 : memref<4096xi32, #tpu.memory_space<hbm>>) dst(%arg7 : memref<4096xi32, #tpu.memory_space<vmem>>)
      %scan3A_250 = arith.constant 0 : i32
      %scan3A_251 = arith.constant 64 : i32
      %scan3A_252 = arith.addi %scan3A_250, %scan3A_251 : i32
      %scan3A_253 = arith.constant 1 : i32
      scf.for %scan3A_276 = %scan3A_250 to %scan3A_252 step %scan3A_253  : i32 {
        %mul3A_277 = arith.constant 4 : i32
        %mul3A_278 = arith.muli %scan3A_276, %mul3A_277 : i32
        %add3A_279 = arith.constant 0 : i32
        %add3A_280 = arith.addi %add3A_279, %mul3A_278 : i32
        %add3A_281 = arith.constant 0 : i32
        %add3A_282 = arith.addi %add3A_280, %add3A_281 : i32
        %mul3A_283 = arith.constant 16 : i32
        %mul3A_284 = arith.muli %add3A_282, %mul3A_283 : i32
        %get3A = arith.index_cast %mul3A_284 : i32 to index
        %get3A_285 = tpu.vector_load %arg6[%get3A] {strides = array<i32>} : memref<4096xi32, #tpu.memory_space<vmem>>, vector<16xi32>,
        %add3A_286 = arith.constant 1 : i32
        %add3A_287 = arith.addi %add3A_280, %add3A_286 : i32
        %mul3A_288 = arith.constant 16 : i32
        %mul3A_289 = arith.muli %add3A_287, %mul3A_288 : i32
        %get3A_290 = arith.index_cast %mul3A_289 : i32 to index
        %get3A_291 = tpu.vector_load %arg6[%get3A_290] {strides = array<i32>} : memref<4096xi32, #tpu.memory_space<vmem>>, vector<16xi32>,
        %add3A_292 = arith.constant 2 : i32
        %add3A_293 = arith.addi %add3A_280, %add3A_292 : i32
        %mul3A_294 = arith.constant 16 : i32
        %mul3A_295 = arith.muli %add3A_293, %mul3A_294 : i32
        %get3A_296 = arith.index_cast %mul3A_295 : i32 to index
        %get3A_297 = tpu.vector_load %arg6[%get3A_296] {strides = array<i32>} : memref<4096xi32, #tpu.memory_space<vmem>>, vector<16xi32>,
        %add3A_298 = arith.constant 3 : i32
        %add3A_299 = arith.addi %add3A_280, %add3A_298 : i32
        %mul3A_300 = arith.constant 16 : i32
        %mul3A_301 = arith.muli %add3A_299, %mul3A_300 : i32
        %get3A_302 = arith.index_cast %mul3A_301 : i32 to index
        %get3A_303 = tpu.vector_load %arg6[%get3A_302] {strides = array<i32>} : memref<4096xi32, #tpu.memory_space<vmem>>, vector<16xi32>,
        %add3A_304 = arith.constant 0 : i32
        %add3A_305 = arith.addi %add3A_280, %add3A_304 : i32
        %mul3A_306 = arith.constant 16 : i32
        %mul3A_307 = arith.muli %add3A_305, %mul3A_306 : i32
        %get3A_308 = arith.index_cast %mul3A_307 : i32 to index
        %get3A_309 = tpu.vector_load %arg7[%get3A_308] {strides = array<i32>} : memref<4096xi32, #tpu.memory_space<vmem>>, vector<16xi32>,
        %add3A_310 = arith.constant 1 : i32
        %add3A_311 = arith.addi %add3A_280, %add3A_310 : i32
        %mul3A_312 = arith.constant 16 : i32
        %mul3A_313 = arith.muli %add3A_311, %mul3A_312 : i32
        %get3A_314 = arith.index_cast %mul3A_313 : i32 to index
        %get3A_315 = tpu.vector_load %arg7[%get3A_314] {strides = array<i32>} : memref<4096xi32, #tpu.memory_space<vmem>>, vector<16xi32>,
        %add3A_316 = arith.constant 2 : i32
        %add3A_317 = arith.addi %add3A_280, %add3A_316 : i32
        %mul3A_318 = arith.constant 16 : i32
        %mul3A_319 = arith.muli %add3A_317, %mul3A_318 : i32
        %get3A_320 = arith.index_cast %mul3A_319 : i32 to index
        %get3A_321 = tpu.vector_load %arg7[%get3A_320] {strides = array<i32>} : memref<4096xi32, #tpu.memory_space<vmem>>, vector<16xi32>,
        %add3A_322 = arith.constant 3 : i32
        %add3A_323 = arith.addi %add3A_280, %add3A_322 : i32
        %mul3A_324 = arith.constant 16 : i32
        %mul3A_325 = arith.muli %add3A_323, %mul3A_324 : i32
        %get3A_326 = arith.index_cast %mul3A_325 : i32 to index
        %get3A_327 = tpu.vector_load %arg7[%get3A_326] {strides = array<i32>} : memref<4096xi32, #tpu.memory_space<vmem>>, vector<16xi32>,
        %gather3A = tpu.vector_load_idx %arg10[%get3A_285] : memref<10112xf32, #tpu.memory_space<vmem>>[vector<16xi32>], vector<16xf32>,
        %gather3A_328 = tpu.vector_load_idx %arg11[%get3A_285] : memref<10112xf32, #tpu.memory_space<vmem>>[vector<16xi32>], vector<16xf32>,
        %gather3A_329 = tpu.vector_load_idx %arg12[%get3A_285] : memref<10112xf32, #tpu.memory_space<vmem>>[vector<16xi32>], vector<16xf32>,
        %gather3A_330 = tpu.vector_load_idx %arg13[%get3A_285] : memref<10112xf32, #tpu.memory_space<vmem>>[vector<16xi32>], vector<16xf32>,
        %gather3A_331 = tpu.vector_load_idx %arg10[%get3A_291] : memref<10112xf32, #tpu.memory_space<vmem>>[vector<16xi32>], vector<16xf32>,
        %gather3A_332 = tpu.vector_load_idx %arg11[%get3A_291] : memref<10112xf32, #tpu.memory_space<vmem>>[vector<16xi32>], vector<16xf32>,
        %gather3A_333 = tpu.vector_load_idx %arg12[%get3A_291] : memref<10112xf32, #tpu.memory_space<vmem>>[vector<16xi32>], vector<16xf32>,
        %gather3A_334 = tpu.vector_load_idx %arg13[%get3A_291] : memref<10112xf32, #tpu.memory_space<vmem>>[vector<16xi32>], vector<16xf32>,
        %gather3A_335 = tpu.vector_load_idx %arg10[%get3A_297] : memref<10112xf32, #tpu.memory_space<vmem>>[vector<16xi32>], vector<16xf32>,
        %gather3A_336 = tpu.vector_load_idx %arg11[%get3A_297] : memref<10112xf32, #tpu.memory_space<vmem>>[vector<16xi32>], vector<16xf32>,
        %gather3A_337 = tpu.vector_load_idx %arg12[%get3A_297] : memref<10112xf32, #tpu.memory_space<vmem>>[vector<16xi32>], vector<16xf32>,
        %gather3A_338 = tpu.vector_load_idx %arg13[%get3A_297] : memref<10112xf32, #tpu.memory_space<vmem>>[vector<16xi32>], vector<16xf32>,
        %gather3A_339 = tpu.vector_load_idx %arg10[%get3A_303] : memref<10112xf32, #tpu.memory_space<vmem>>[vector<16xi32>], vector<16xf32>,
        %gather3A_340 = tpu.vector_load_idx %arg11[%get3A_303] : memref<10112xf32, #tpu.memory_space<vmem>>[vector<16xi32>], vector<16xf32>,
        %gather3A_341 = tpu.vector_load_idx %arg12[%get3A_303] : memref<10112xf32, #tpu.memory_space<vmem>>[vector<16xi32>], vector<16xf32>,
        %gather3A_342 = tpu.vector_load_idx %arg13[%get3A_303] : memref<10112xf32, #tpu.memory_space<vmem>>[vector<16xi32>], vector<16xf32>,
        tpu.vector_store_idx %arg14[%get3A_309], %gather3A {add = true} : memref<10112xf32, #tpu.memory_space<vmem>>[vector<16xi32>], vector<16xf32>,
        tpu.vector_store_idx %arg15[%get3A_309], %gather3A_328 {add = true} : memref<10112xf32, #tpu.memory_space<vmem>>[vector<16xi32>], vector<16xf32>,
        tpu.vector_store_idx %arg16[%get3A_309], %gather3A_329 {add = true} : memref<10112xf32, #tpu.memory_space<vmem>>[vector<16xi32>], vector<16xf32>,
        tpu.vector_store_idx %arg17[%get3A_309], %gather3A_330 {add = true} : memref<10112xf32, #tpu.memory_space<vmem>>[vector<16xi32>], vector<16xf32>,
        tpu.vector_store_idx %arg14[%get3A_315], %gather3A_331 {add = true} : memref<10112xf32, #tpu.memory_space<vmem>>[vector<16xi32>], vector<16xf32>,
        tpu.vector_store_idx %arg15[%get3A_315], %gather3A_332 {add = true} : memref<10112xf32, #tpu.memory_space<vmem>>[vector<16xi32>], vector<16xf32>,
        tpu.vector_store_idx %arg16[%get3A_315], %gather3A_333 {add = true} : memref<10112xf32, #tpu.memory_space<vmem>>[vector<16xi32>], vector<16xf32>,
        tpu.vector_store_idx %arg17[%get3A_315], %gather3A_334 {add = true} : memref<10112xf32, #tpu.memory_space<vmem>>[vector<16xi32>], vector<16xf32>,
        tpu.vector_store_idx %arg14[%get3A_321], %gather3A_335 {add = true} : memref<10112xf32, #tpu.memory_space<vmem>>[vector<16xi32>], vector<16xf32>,
        tpu.vector_store_idx %arg15[%get3A_321], %gather3A_336 {add = true} : memref<10112xf32, #tpu.memory_space<vmem>>[vector<16xi32>], vector<16xf32>,
        tpu.vector_store_idx %arg16[%get3A_321], %gather3A_337 {add = true} : memref<10112xf32, #tpu.memory_space<vmem>>[vector<16xi32>], vector<16xf32>,
        tpu.vector_store_idx %arg17[%get3A_321], %gather3A_338 {add = true} : memref<10112xf32, #tpu.memory_space<vmem>>[vector<16xi32>], vector<16xf32>,
        tpu.vector_store_idx %arg14[%get3A_327], %gather3A_339 {add = true} : memref<10112xf32, #tpu.memory_space<vmem>>[vector<16xi32>], vector<16xf32>,
        tpu.vector_store_idx %arg15[%get3A_327], %gather3A_340 {add = true} : memref<10112xf32, #tpu.memory_space<vmem>>[vector<16xi32>], vector<16xf32>,
        tpu.vector_store_idx %arg16[%get3A_327], %gather3A_341 {add = true} : memref<10112xf32, #tpu.memory_space<vmem>>[vector<16xi32>], vector<16xf32>,
        tpu.vector_store_idx %arg17[%get3A_327], %gather3A_342 {add = true} : memref<10112xf32, #tpu.memory_space<vmem>>[vector<16xi32>], vector<16xf32>,
      }
      %scan3A_254 = arith.constant 64 : i32
      %mul3A_255 = arith.constant 2 : i32
      %mul3A_256 = arith.muli %mul3A_255, %add3A_234 : i32
      %add3A_257 = arith.constant 2 : i32
      %add3A_258 = arith.addi %mul3A_256, %add3A_257 : i32
      %rem3A_259 = arith.remsi %add3A_258, %select_n3A_37 : i32
      %mul3A_260 = arith.constant 4096 : i32
      %mul3A_261 = arith.muli %rem3A_259, %mul3A_260 : i32
      %add3A_262 = arith.addi %select_n3A_92, %mul3A_261 : i32
      %dma_start3A_263 = tpu.memref_slice %arg3[%add3A_262] : memref<327680xi32, #tpu.memory_space<hbm>> -> memref<4096xi32, #tpu.memory_space<hbm>>
      %dma_start3A_264 = tpu.memref_slice %arg3[%add3A_262] : memref<327680xi32, #tpu.memory_space<hbm>> -> memref<4096xi32, #tpu.memory_space<hbm>>
      tpu.enqueue_dma source(%dma_start3A_264 : memref<4096xi32, #tpu.memory_space<hbm>>) target(%arg6 : memref<4096xi32, #tpu.memory_space<vmem>>) target_semaphore(%arg18 : memref<!tpu.dma_semaphore, #tpu.memory_space<semaphore_mem>>)
      %dma_start3A_265 = tpu.memref_slice %arg4[%add3A_262] : memref<327680xi32, #tpu.memory_space<hbm>> -> memref<4096xi32, #tpu.memory_space<hbm>>
      %dma_start3A_266 = tpu.memref_slice %arg4[%add3A_262] : memref<327680xi32, #tpu.memory_space<hbm>> -> memref<4096xi32, #tpu.memory_space<hbm>>
      tpu.enqueue_dma source(%dma_start3A_266 : memref<4096xi32, #tpu.memory_space<hbm>>) target(%arg7 : memref<4096xi32, #tpu.memory_space<vmem>>) target_semaphore(%arg18 : memref<!tpu.dma_semaphore, #tpu.memory_space<semaphore_mem>>)
      %dma_wait3A_267 = tpu.memref_slice %arg3[%select_n3A_92] : memref<327680xi32, #tpu.memory_space<hbm>> -> memref<4096xi32, #tpu.memory_space<hbm>>
      %dma_wait3A_268 = tpu.memref_slice %arg3[%select_n3A_92] : memref<327680xi32, #tpu.memory_space<hbm>> -> memref<4096xi32, #tpu.memory_space<hbm>>
      tpu.wait_dma2 semaphore(%arg19 : memref<!tpu.dma_semaphore, #tpu.memory_space<semaphore_mem>>) src(%dma_wait3A_268 : memref<4096xi32, #tpu.memory_space<hbm>>) dst(%arg8 : memref<4096xi32, #tpu.memory_space<vmem>>)
      %dma_wait3A_269 = tpu.memref_slice %arg4[%select_n3A_92] : memref<327680xi32, #tpu.memory_space<hbm>> -> memref<4096xi32, #tpu.memory_space<hbm>>
      %dma_wait3A_270 = tpu.memref_slice %arg4[%select_n3A_92] : memref<327680xi32, #tpu.memory_space<hbm>> -> memref<4096xi32, #tpu.memory_space<hbm>>
      tpu.wait_dma2 semaphore(%arg19 : memref<!tpu.dma_semaphore, #tpu.memory_space<semaphore_mem>>) src(%dma_wait3A_270 : memref<4096xi32, #tpu.memory_space<hbm>>) dst(%arg9 : memref<4096xi32, #tpu.memory_space<vmem>>)
      %scan3A_271 = arith.constant 0 : i32
      %scan3A_272 = arith.constant 64 : i32
      %scan3A_273 = arith.addi %scan3A_271, %scan3A_272 : i32
      %scan3A_274 = arith.constant 1 : i32
      scf.for %scan3A_276 = %scan3A_271 to %scan3A_273 step %scan3A_274  : i32 {
        %mul3A_277 = arith.constant 4 : i32
        %mul3A_278 = arith.muli %scan3A_276, %mul3A_277 : i32
        %add3A_279 = arith.constant 0 : i32
        %add3A_280 = arith.addi %add3A_279, %mul3A_278 : i32
        %add3A_281 = arith.constant 0 : i32
        %add3A_282 = arith.addi %add3A_280, %add3A_281 : i32
        %mul3A_283 = arith.constant 16 : i32
        %mul3A_284 = arith.muli %add3A_282, %mul3A_283 : i32
        %get3A = arith.index_cast %mul3A_284 : i32 to index
        %get3A_285 = tpu.vector_load %arg8[%get3A] {strides = array<i32>} : memref<4096xi32, #tpu.memory_space<vmem>>, vector<16xi32>,
        %add3A_286 = arith.constant 1 : i32
        %add3A_287 = arith.addi %add3A_280, %add3A_286 : i32
        %mul3A_288 = arith.constant 16 : i32
        %mul3A_289 = arith.muli %add3A_287, %mul3A_288 : i32
        %get3A_290 = arith.index_cast %mul3A_289 : i32 to index
        %get3A_291 = tpu.vector_load %arg8[%get3A_290] {strides = array<i32>} : memref<4096xi32, #tpu.memory_space<vmem>>, vector<16xi32>,
        %add3A_292 = arith.constant 2 : i32
        %add3A_293 = arith.addi %add3A_280, %add3A_292 : i32
        %mul3A_294 = arith.constant 16 : i32
        %mul3A_295 = arith.muli %add3A_293, %mul3A_294 : i32
        %get3A_296 = arith.index_cast %mul3A_295 : i32 to index
        %get3A_297 = tpu.vector_load %arg8[%get3A_296] {strides = array<i32>} : memref<4096xi32, #tpu.memory_space<vmem>>, vector<16xi32>,
        %add3A_298 = arith.constant 3 : i32
        %add3A_299 = arith.addi %add3A_280, %add3A_298 : i32
        %mul3A_300 = arith.constant 16 : i32
        %mul3A_301 = arith.muli %add3A_299, %mul3A_300 : i32
        %get3A_302 = arith.index_cast %mul3A_301 : i32 to index
        %get3A_303 = tpu.vector_load %arg8[%get3A_302] {strides = array<i32>} : memref<4096xi32, #tpu.memory_space<vmem>>, vector<16xi32>,
        %add3A_304 = arith.constant 0 : i32
        %add3A_305 = arith.addi %add3A_280, %add3A_304 : i32
        %mul3A_306 = arith.constant 16 : i32
        %mul3A_307 = arith.muli %add3A_305, %mul3A_306 : i32
        %get3A_308 = arith.index_cast %mul3A_307 : i32 to index
        %get3A_309 = tpu.vector_load %arg9[%get3A_308] {strides = array<i32>} : memref<4096xi32, #tpu.memory_space<vmem>>, vector<16xi32>,
        %add3A_310 = arith.constant 1 : i32
        %add3A_311 = arith.addi %add3A_280, %add3A_310 : i32
        %mul3A_312 = arith.constant 16 : i32
        %mul3A_313 = arith.muli %add3A_311, %mul3A_312 : i32
        %get3A_314 = arith.index_cast %mul3A_313 : i32 to index
        %get3A_315 = tpu.vector_load %arg9[%get3A_314] {strides = array<i32>} : memref<4096xi32, #tpu.memory_space<vmem>>, vector<16xi32>,
        %add3A_316 = arith.constant 2 : i32
        %add3A_317 = arith.addi %add3A_280, %add3A_316 : i32
        %mul3A_318 = arith.constant 16 : i32
        %mul3A_319 = arith.muli %add3A_317, %mul3A_318 : i32
        %get3A_320 = arith.index_cast %mul3A_319 : i32 to index
        %get3A_321 = tpu.vector_load %arg9[%get3A_320] {strides = array<i32>} : memref<4096xi32, #tpu.memory_space<vmem>>, vector<16xi32>,
        %add3A_322 = arith.constant 3 : i32
        %add3A_323 = arith.addi %add3A_280, %add3A_322 : i32
        %mul3A_324 = arith.constant 16 : i32
        %mul3A_325 = arith.muli %add3A_323, %mul3A_324 : i32
        %get3A_326 = arith.index_cast %mul3A_325 : i32 to index
        %get3A_327 = tpu.vector_load %arg9[%get3A_326] {strides = array<i32>} : memref<4096xi32, #tpu.memory_space<vmem>>, vector<16xi32>,
        %gather3A = tpu.vector_load_idx %arg10[%get3A_285] : memref<10112xf32, #tpu.memory_space<vmem>>[vector<16xi32>], vector<16xf32>,
        %gather3A_328 = tpu.vector_load_idx %arg11[%get3A_285] : memref<10112xf32, #tpu.memory_space<vmem>>[vector<16xi32>], vector<16xf32>,
        %gather3A_329 = tpu.vector_load_idx %arg12[%get3A_285] : memref<10112xf32, #tpu.memory_space<vmem>>[vector<16xi32>], vector<16xf32>,
        %gather3A_330 = tpu.vector_load_idx %arg13[%get3A_285] : memref<10112xf32, #tpu.memory_space<vmem>>[vector<16xi32>], vector<16xf32>,
        %gather3A_331 = tpu.vector_load_idx %arg10[%get3A_291] : memref<10112xf32, #tpu.memory_space<vmem>>[vector<16xi32>], vector<16xf32>,
        %gather3A_332 = tpu.vector_load_idx %arg11[%get3A_291] : memref<10112xf32, #tpu.memory_space<vmem>>[vector<16xi32>], vector<16xf32>,
        %gather3A_333 = tpu.vector_load_idx %arg12[%get3A_291] : memref<10112xf32, #tpu.memory_space<vmem>>[vector<16xi32>], vector<16xf32>,
        %gather3A_334 = tpu.vector_load_idx %arg13[%get3A_291] : memref<10112xf32, #tpu.memory_space<vmem>>[vector<16xi32>], vector<16xf32>,
        %gather3A_335 = tpu.vector_load_idx %arg10[%get3A_297] : memref<10112xf32, #tpu.memory_space<vmem>>[vector<16xi32>], vector<16xf32>,
        %gather3A_336 = tpu.vector_load_idx %arg11[%get3A_297] : memref<10112xf32, #tpu.memory_space<vmem>>[vector<16xi32>], vector<16xf32>,
        %gather3A_337 = tpu.vector_load_idx %arg12[%get3A_297] : memref<10112xf32, #tpu.memory_space<vmem>>[vector<16xi32>], vector<16xf32>,
        %gather3A_338 = tpu.vector_load_idx %arg13[%get3A_297] : memref<10112xf32, #tpu.memory_space<vmem>>[vector<16xi32>], vector<16xf32>,
        %gather3A_339 = tpu.vector_load_idx %arg10[%get3A_303] : memref<10112xf32, #tpu.memory_space<vmem>>[vector<16xi32>], vector<16xf32>,
        %gather3A_340 = tpu.vector_load_idx %arg11[%get3A_303] : memref<10112xf32, #tpu.memory_space<vmem>>[vector<16xi32>], vector<16xf32>,
        %gather3A_341 = tpu.vector_load_idx %arg12[%get3A_303] : memref<10112xf32, #tpu.memory_space<vmem>>[vector<16xi32>], vector<16xf32>,
        %gather3A_342 = tpu.vector_load_idx %arg13[%get3A_303] : memref<10112xf32, #tpu.memory_space<vmem>>[vector<16xi32>], vector<16xf32>,
        tpu.vector_store_idx %arg14[%get3A_309], %gather3A {add = true} : memref<10112xf32, #tpu.memory_space<vmem>>[vector<16xi32>], vector<16xf32>,
        tpu.vector_store_idx %arg15[%get3A_309], %gather3A_328 {add = true} : memref<10112xf32, #tpu.memory_space<vmem>>[vector<16xi32>], vector<16xf32>,
        tpu.vector_store_idx %arg16[%get3A_309], %gather3A_329 {add = true} : memref<10112xf32, #tpu.memory_space<vmem>>[vector<16xi32>], vector<16xf32>,
        tpu.vector_store_idx %arg17[%get3A_309], %gather3A_330 {add = true} : memref<10112xf32, #tpu.memory_space<vmem>>[vector<16xi32>], vector<16xf32>,
        tpu.vector_store_idx %arg14[%get3A_315], %gather3A_331 {add = true} : memref<10112xf32, #tpu.memory_space<vmem>>[vector<16xi32>], vector<16xf32>,
        tpu.vector_store_idx %arg15[%get3A_315], %gather3A_332 {add = true} : memref<10112xf32, #tpu.memory_space<vmem>>[vector<16xi32>], vector<16xf32>,
        tpu.vector_store_idx %arg16[%get3A_315], %gather3A_333 {add = true} : memref<10112xf32, #tpu.memory_space<vmem>>[vector<16xi32>], vector<16xf32>,
        tpu.vector_store_idx %arg17[%get3A_315], %gather3A_334 {add = true} : memref<10112xf32, #tpu.memory_space<vmem>>[vector<16xi32>], vector<16xf32>,
        tpu.vector_store_idx %arg14[%get3A_321], %gather3A_335 {add = true} : memref<10112xf32, #tpu.memory_space<vmem>>[vector<16xi32>], vector<16xf32>,
        tpu.vector_store_idx %arg15[%get3A_321], %gather3A_336 {add = true} : memref<10112xf32, #tpu.memory_space<vmem>>[vector<16xi32>], vector<16xf32>,
        tpu.vector_store_idx %arg16[%get3A_321], %gather3A_337 {add = true} : memref<10112xf32, #tpu.memory_space<vmem>>[vector<16xi32>], vector<16xf32>,
        tpu.vector_store_idx %arg17[%get3A_321], %gather3A_338 {add = true} : memref<10112xf32, #tpu.memory_space<vmem>>[vector<16xi32>], vector<16xf32>,
        tpu.vector_store_idx %arg14[%get3A_327], %gather3A_339 {add = true} : memref<10112xf32, #tpu.memory_space<vmem>>[vector<16xi32>], vector<16xf32>,
        tpu.vector_store_idx %arg15[%get3A_327], %gather3A_340 {add = true} : memref<10112xf32, #tpu.memory_space<vmem>>[vector<16xi32>], vector<16xf32>,
        tpu.vector_store_idx %arg16[%get3A_327], %gather3A_341 {add = true} : memref<10112xf32, #tpu.memory_space<vmem>>[vector<16xi32>], vector<16xf32>,
        tpu.vector_store_idx %arg17[%get3A_327], %gather3A_342 {add = true} : memref<10112xf32, #tpu.memory_space<vmem>>[vector<16xi32>], vector<16xf32>,
      }
      %scan3A_275 = arith.constant 64 : i32
    }
    %while3A_190 = arith.constant 1 : i32
    scf.for %while3A_232 = %while3A_188 to %while3A_184 step %while3A_190  : i32 {
      %mul3A_233 = arith.muli %while3A_232, %while3A : i32
      %add3A_234 = arith.addi %while3A_181, %mul3A_233 : i32
      %mul3A_235 = arith.constant 2 : i32
      %mul3A_236 = arith.muli %mul3A_235, %add3A_234 : i32
      %add3A_237 = arith.constant 1 : i32
      %add3A_238 = arith.addi %mul3A_236, %add3A_237 : i32
      %mul3A_239 = arith.constant 4096 : i32
      %mul3A_240 = arith.muli %add3A_238, %mul3A_239 : i32
      %add3A_241 = arith.addi %select_n3A_92, %mul3A_240 : i32
      %dma_start3A_242 = tpu.memref_slice %arg3[%add3A_241] : memref<327680xi32, #tpu.memory_space<hbm>> -> memref<4096xi32, #tpu.memory_space<hbm>>
      %dma_start3A_243 = tpu.memref_slice %arg3[%add3A_241] : memref<327680xi32, #tpu.memory_space<hbm>> -> memref<4096xi32, #tpu.memory_space<hbm>>
      tpu.enqueue_dma source(%dma_start3A_243 : memref<4096xi32, #tpu.memory_space<hbm>>) target(%arg8 : memref<4096xi32, #tpu.memory_space<vmem>>) target_semaphore(%arg19 : memref<!tpu.dma_semaphore, #tpu.memory_space<semaphore_mem>>)
      %dma_start3A_244 = tpu.memref_slice %arg4[%add3A_241] : memref<327680xi32, #tpu.memory_space<hbm>> -> memref<4096xi32, #tpu.memory_space<hbm>>
      %dma_start3A_245 = tpu.memref_slice %arg4[%add3A_241] : memref<327680xi32, #tpu.memory_space<hbm>> -> memref<4096xi32, #tpu.memory_space<hbm>>
      tpu.enqueue_dma source(%dma_start3A_245 : memref<4096xi32, #tpu.memory_space<hbm>>) target(%arg9 : memref<4096xi32, #tpu.memory_space<vmem>>) target_semaphore(%arg19 : memref<!tpu.dma_semaphore, #tpu.memory_space<semaphore_mem>>)
      %dma_wait3A_246 = tpu.memref_slice %arg3[%select_n3A_92] : memref<327680xi32, #tpu.memory_space<hbm>> -> memref<4096xi32, #tpu.memory_space<hbm>>
      %dma_wait3A_247 = tpu.memref_slice %arg3[%select_n3A_92] : memref<327680xi32, #tpu.memory_space<hbm>> -> memref<4096xi32, #tpu.memory_space<hbm>>
      tpu.wait_dma2 semaphore(%arg18 : memref<!tpu.dma_semaphore, #tpu.memory_space<semaphore_mem>>) src(%dma_wait3A_247 : memref<4096xi32, #tpu.memory_space<hbm>>) dst(%arg6 : memref<4096xi32, #tpu.memory_space<vmem>>)
      %dma_wait3A_248 = tpu.memref_slice %arg4[%select_n3A_92] : memref<327680xi32, #tpu.memory_space<hbm>> -> memref<4096xi32, #tpu.memory_space<hbm>>
      %dma_wait3A_249 = tpu.memref_slice %arg4[%select_n3A_92] : memref<327680xi32, #tpu.memory_space<hbm>> -> memref<4096xi32, #tpu.memory_space<hbm>>
      tpu.wait_dma2 semaphore(%arg18 : memref<!tpu.dma_semaphore, #tpu.memory_space<semaphore_mem>>) src(%dma_wait3A_249 : memref<4096xi32, #tpu.memory_space<hbm>>) dst(%arg7 : memref<4096xi32, #tpu.memory_space<vmem>>)
      %scan3A_250 = arith.constant 0 : i32
      %scan3A_251 = arith.constant 64 : i32
      %scan3A_252 = arith.addi %scan3A_250, %scan3A_251 : i32
      %scan3A_253 = arith.constant 1 : i32
      scf.for %scan3A_276 = %scan3A_250 to %scan3A_252 step %scan3A_253  : i32 {
        %mul3A_277 = arith.constant 4 : i32
        %mul3A_278 = arith.muli %scan3A_276, %mul3A_277 : i32
        %add3A_279 = arith.constant 0 : i32
        %add3A_280 = arith.addi %add3A_279, %mul3A_278 : i32
        %add3A_281 = arith.constant 0 : i32
        %add3A_282 = arith.addi %add3A_280, %add3A_281 : i32
        %mul3A_283 = arith.constant 16 : i32
        %mul3A_284 = arith.muli %add3A_282, %mul3A_283 : i32
        %get3A = arith.index_cast %mul3A_284 : i32 to index
        %get3A_285 = tpu.vector_load %arg6[%get3A] {strides = array<i32>} : memref<4096xi32, #tpu.memory_space<vmem>>, vector<16xi32>,
        %add3A_286 = arith.constant 1 : i32
        %add3A_287 = arith.addi %add3A_280, %add3A_286 : i32
        %mul3A_288 = arith.constant 16 : i32
        %mul3A_289 = arith.muli %add3A_287, %mul3A_288 : i32
        %get3A_290 = arith.index_cast %mul3A_289 : i32 to index
        %get3A_291 = tpu.vector_load %arg6[%get3A_290] {strides = array<i32>} : memref<4096xi32, #tpu.memory_space<vmem>>, vector<16xi32>,
        %add3A_292 = arith.constant 2 : i32
        %add3A_293 = arith.addi %add3A_280, %add3A_292 : i32
        %mul3A_294 = arith.constant 16 : i32
        %mul3A_295 = arith.muli %add3A_293, %mul3A_294 : i32
        %get3A_296 = arith.index_cast %mul3A_295 : i32 to index
        %get3A_297 = tpu.vector_load %arg6[%get3A_296] {strides = array<i32>} : memref<4096xi32, #tpu.memory_space<vmem>>, vector<16xi32>,
        %add3A_298 = arith.constant 3 : i32
        %add3A_299 = arith.addi %add3A_280, %add3A_298 : i32
        %mul3A_300 = arith.constant 16 : i32
        %mul3A_301 = arith.muli %add3A_299, %mul3A_300 : i32
        %get3A_302 = arith.index_cast %mul3A_301 : i32 to index
        %get3A_303 = tpu.vector_load %arg6[%get3A_302] {strides = array<i32>} : memref<4096xi32, #tpu.memory_space<vmem>>, vector<16xi32>,
        %add3A_304 = arith.constant 0 : i32
        %add3A_305 = arith.addi %add3A_280, %add3A_304 : i32
        %mul3A_306 = arith.constant 16 : i32
        %mul3A_307 = arith.muli %add3A_305, %mul3A_306 : i32
        %get3A_308 = arith.index_cast %mul3A_307 : i32 to index
        %get3A_309 = tpu.vector_load %arg7[%get3A_308] {strides = array<i32>} : memref<4096xi32, #tpu.memory_space<vmem>>, vector<16xi32>,
        %add3A_310 = arith.constant 1 : i32
        %add3A_311 = arith.addi %add3A_280, %add3A_310 : i32
        %mul3A_312 = arith.constant 16 : i32
        %mul3A_313 = arith.muli %add3A_311, %mul3A_312 : i32
        %get3A_314 = arith.index_cast %mul3A_313 : i32 to index
        %get3A_315 = tpu.vector_load %arg7[%get3A_314] {strides = array<i32>} : memref<4096xi32, #tpu.memory_space<vmem>>, vector<16xi32>,
        %add3A_316 = arith.constant 2 : i32
        %add3A_317 = arith.addi %add3A_280, %add3A_316 : i32
        %mul3A_318 = arith.constant 16 : i32
        %mul3A_319 = arith.muli %add3A_317, %mul3A_318 : i32
        %get3A_320 = arith.index_cast %mul3A_319 : i32 to index
        %get3A_321 = tpu.vector_load %arg7[%get3A_320] {strides = array<i32>} : memref<4096xi32, #tpu.memory_space<vmem>>, vector<16xi32>,
        %add3A_322 = arith.constant 3 : i32
        %add3A_323 = arith.addi %add3A_280, %add3A_322 : i32
        %mul3A_324 = arith.constant 16 : i32
        %mul3A_325 = arith.muli %add3A_323, %mul3A_324 : i32
        %get3A_326 = arith.index_cast %mul3A_325 : i32 to index
        %get3A_327 = tpu.vector_load %arg7[%get3A_326] {strides = array<i32>} : memref<4096xi32, #tpu.memory_space<vmem>>, vector<16xi32>,
        %gather3A = tpu.vector_load_idx %arg10[%get3A_285] : memref<10112xf32, #tpu.memory_space<vmem>>[vector<16xi32>], vector<16xf32>,
        %gather3A_328 = tpu.vector_load_idx %arg11[%get3A_285] : memref<10112xf32, #tpu.memory_space<vmem>>[vector<16xi32>], vector<16xf32>,
        %gather3A_329 = tpu.vector_load_idx %arg12[%get3A_285] : memref<10112xf32, #tpu.memory_space<vmem>>[vector<16xi32>], vector<16xf32>,
        %gather3A_330 = tpu.vector_load_idx %arg13[%get3A_285] : memref<10112xf32, #tpu.memory_space<vmem>>[vector<16xi32>], vector<16xf32>,
        %gather3A_331 = tpu.vector_load_idx %arg10[%get3A_291] : memref<10112xf32, #tpu.memory_space<vmem>>[vector<16xi32>], vector<16xf32>,
        %gather3A_332 = tpu.vector_load_idx %arg11[%get3A_291] : memref<10112xf32, #tpu.memory_space<vmem>>[vector<16xi32>], vector<16xf32>,
        %gather3A_333 = tpu.vector_load_idx %arg12[%get3A_291] : memref<10112xf32, #tpu.memory_space<vmem>>[vector<16xi32>], vector<16xf32>,
        %gather3A_334 = tpu.vector_load_idx %arg13[%get3A_291] : memref<10112xf32, #tpu.memory_space<vmem>>[vector<16xi32>], vector<16xf32>,
        %gather3A_335 = tpu.vector_load_idx %arg10[%get3A_297] : memref<10112xf32, #tpu.memory_space<vmem>>[vector<16xi32>], vector<16xf32>,
        %gather3A_336 = tpu.vector_load_idx %arg11[%get3A_297] : memref<10112xf32, #tpu.memory_space<vmem>>[vector<16xi32>], vector<16xf32>,
        %gather3A_337 = tpu.vector_load_idx %arg12[%get3A_297] : memref<10112xf32, #tpu.memory_space<vmem>>[vector<16xi32>], vector<16xf32>,
        %gather3A_338 = tpu.vector_load_idx %arg13[%get3A_297] : memref<10112xf32, #tpu.memory_space<vmem>>[vector<16xi32>], vector<16xf32>,
        %gather3A_339 = tpu.vector_load_idx %arg10[%get3A_303] : memref<10112xf32, #tpu.memory_space<vmem>>[vector<16xi32>], vector<16xf32>,
        %gather3A_340 = tpu.vector_load_idx %arg11[%get3A_303] : memref<10112xf32, #tpu.memory_space<vmem>>[vector<16xi32>], vector<16xf32>,
        %gather3A_341 = tpu.vector_load_idx %arg12[%get3A_303] : memref<10112xf32, #tpu.memory_space<vmem>>[vector<16xi32>], vector<16xf32>,
        %gather3A_342 = tpu.vector_load_idx %arg13[%get3A_303] : memref<10112xf32, #tpu.memory_space<vmem>>[vector<16xi32>], vector<16xf32>,
        tpu.vector_store_idx %arg14[%get3A_309], %gather3A {add = true} : memref<10112xf32, #tpu.memory_space<vmem>>[vector<16xi32>], vector<16xf32>,
        tpu.vector_store_idx %arg15[%get3A_309], %gather3A_328 {add = true} : memref<10112xf32, #tpu.memory_space<vmem>>[vector<16xi32>], vector<16xf32>,
        tpu.vector_store_idx %arg16[%get3A_309], %gather3A_329 {add = true} : memref<10112xf32, #tpu.memory_space<vmem>>[vector<16xi32>], vector<16xf32>,
        tpu.vector_store_idx %arg17[%get3A_309], %gather3A_330 {add = true} : memref<10112xf32, #tpu.memory_space<vmem>>[vector<16xi32>], vector<16xf32>,
        tpu.vector_store_idx %arg14[%get3A_315], %gather3A_331 {add = true} : memref<10112xf32, #tpu.memory_space<vmem>>[vector<16xi32>], vector<16xf32>,
        tpu.vector_store_idx %arg15[%get3A_315], %gather3A_332 {add = true} : memref<10112xf32, #tpu.memory_space<vmem>>[vector<16xi32>], vector<16xf32>,
        tpu.vector_store_idx %arg16[%get3A_315], %gather3A_333 {add = true} : memref<10112xf32, #tpu.memory_space<vmem>>[vector<16xi32>], vector<16xf32>,
        tpu.vector_store_idx %arg17[%get3A_315], %gather3A_334 {add = true} : memref<10112xf32, #tpu.memory_space<vmem>>[vector<16xi32>], vector<16xf32>,
        tpu.vector_store_idx %arg14[%get3A_321], %gather3A_335 {add = true} : memref<10112xf32, #tpu.memory_space<vmem>>[vector<16xi32>], vector<16xf32>,
        tpu.vector_store_idx %arg15[%get3A_321], %gather3A_336 {add = true} : memref<10112xf32, #tpu.memory_space<vmem>>[vector<16xi32>], vector<16xf32>,
        tpu.vector_store_idx %arg16[%get3A_321], %gather3A_337 {add = true} : memref<10112xf32, #tpu.memory_space<vmem>>[vector<16xi32>], vector<16xf32>,
        tpu.vector_store_idx %arg17[%get3A_321], %gather3A_338 {add = true} : memref<10112xf32, #tpu.memory_space<vmem>>[vector<16xi32>], vector<16xf32>,
        tpu.vector_store_idx %arg14[%get3A_327], %gather3A_339 {add = true} : memref<10112xf32, #tpu.memory_space<vmem>>[vector<16xi32>], vector<16xf32>,
        tpu.vector_store_idx %arg15[%get3A_327], %gather3A_340 {add = true} : memref<10112xf32, #tpu.memory_space<vmem>>[vector<16xi32>], vector<16xf32>,
        tpu.vector_store_idx %arg16[%get3A_327], %gather3A_341 {add = true} : memref<10112xf32, #tpu.memory_space<vmem>>[vector<16xi32>], vector<16xf32>,
        tpu.vector_store_idx %arg17[%get3A_327], %gather3A_342 {add = true} : memref<10112xf32, #tpu.memory_space<vmem>>[vector<16xi32>], vector<16xf32>,
      }
      %scan3A_254 = arith.constant 64 : i32
      %mul3A_255 = arith.constant 2 : i32
      %mul3A_256 = arith.muli %mul3A_255, %add3A_234 : i32
      %add3A_257 = arith.constant 2 : i32
      %add3A_258 = arith.addi %mul3A_256, %add3A_257 : i32
      %rem3A_259 = arith.remsi %add3A_258, %select_n3A_37 : i32
      %mul3A_260 = arith.constant 4096 : i32
      %mul3A_261 = arith.muli %rem3A_259, %mul3A_260 : i32
      %add3A_262 = arith.addi %select_n3A_92, %mul3A_261 : i32
      %dma_start3A_263 = tpu.memref_slice %arg3[%add3A_262] : memref<327680xi32, #tpu.memory_space<hbm>> -> memref<4096xi32, #tpu.memory_space<hbm>>
      %dma_start3A_264 = tpu.memref_slice %arg3[%add3A_262] : memref<327680xi32, #tpu.memory_space<hbm>> -> memref<4096xi32, #tpu.memory_space<hbm>>
      tpu.enqueue_dma source(%dma_start3A_264 : memref<4096xi32, #tpu.memory_space<hbm>>) target(%arg6 : memref<4096xi32, #tpu.memory_space<vmem>>) target_semaphore(%arg18 : memref<!tpu.dma_semaphore, #tpu.memory_space<semaphore_mem>>)
      %dma_start3A_265 = tpu.memref_slice %arg4[%add3A_262] : memref<327680xi32, #tpu.memory_space<hbm>> -> memref<4096xi32, #tpu.memory_space<hbm>>
      %dma_start3A_266 = tpu.memref_slice %arg4[%add3A_262] : memref<327680xi32, #tpu.memory_space<hbm>> -> memref<4096xi32, #tpu.memory_space<hbm>>
      tpu.enqueue_dma source(%dma_start3A_266 : memref<4096xi32, #tpu.memory_space<hbm>>) target(%arg7 : memref<4096xi32, #tpu.memory_space<vmem>>) target_semaphore(%arg18 : memref<!tpu.dma_semaphore, #tpu.memory_space<semaphore_mem>>)
      %dma_wait3A_267 = tpu.memref_slice %arg3[%select_n3A_92] : memref<327680xi32, #tpu.memory_space<hbm>> -> memref<4096xi32, #tpu.memory_space<hbm>>
      %dma_wait3A_268 = tpu.memref_slice %arg3[%select_n3A_92] : memref<327680xi32, #tpu.memory_space<hbm>> -> memref<4096xi32, #tpu.memory_space<hbm>>
      tpu.wait_dma2 semaphore(%arg19 : memref<!tpu.dma_semaphore, #tpu.memory_space<semaphore_mem>>) src(%dma_wait3A_268 : memref<4096xi32, #tpu.memory_space<hbm>>) dst(%arg8 : memref<4096xi32, #tpu.memory_space<vmem>>)
      %dma_wait3A_269 = tpu.memref_slice %arg4[%select_n3A_92] : memref<327680xi32, #tpu.memory_space<hbm>> -> memref<4096xi32, #tpu.memory_space<hbm>>
      %dma_wait3A_270 = tpu.memref_slice %arg4[%select_n3A_92] : memref<327680xi32, #tpu.memory_space<hbm>> -> memref<4096xi32, #tpu.memory_space<hbm>>
      tpu.wait_dma2 semaphore(%arg19 : memref<!tpu.dma_semaphore, #tpu.memory_space<semaphore_mem>>) src(%dma_wait3A_270 : memref<4096xi32, #tpu.memory_space<hbm>>) dst(%arg9 : memref<4096xi32, #tpu.memory_space<vmem>>)
      %scan3A_271 = arith.constant 0 : i32
      %scan3A_272 = arith.constant 64 : i32
      %scan3A_273 = arith.addi %scan3A_271, %scan3A_272 : i32
      %scan3A_274 = arith.constant 1 : i32
      scf.for %scan3A_276 = %scan3A_271 to %scan3A_273 step %scan3A_274  : i32 {
        %mul3A_277 = arith.constant 4 : i32
        %mul3A_278 = arith.muli %scan3A_276, %mul3A_277 : i32
        %add3A_279 = arith.constant 0 : i32
        %add3A_280 = arith.addi %add3A_279, %mul3A_278 : i32
        %add3A_281 = arith.constant 0 : i32
        %add3A_282 = arith.addi %add3A_280, %add3A_281 : i32
        %mul3A_283 = arith.constant 16 : i32
        %mul3A_284 = arith.muli %add3A_282, %mul3A_283 : i32
        %get3A = arith.index_cast %mul3A_284 : i32 to index
        %get3A_285 = tpu.vector_load %arg8[%get3A] {strides = array<i32>} : memref<4096xi32, #tpu.memory_space<vmem>>, vector<16xi32>,
        %add3A_286 = arith.constant 1 : i32
        %add3A_287 = arith.addi %add3A_280, %add3A_286 : i32
        %mul3A_288 = arith.constant 16 : i32
        %mul3A_289 = arith.muli %add3A_287, %mul3A_288 : i32
        %get3A_290 = arith.index_cast %mul3A_289 : i32 to index
        %get3A_291 = tpu.vector_load %arg8[%get3A_290] {strides = array<i32>} : memref<4096xi32, #tpu.memory_space<vmem>>, vector<16xi32>,
        %add3A_292 = arith.constant 2 : i32
        %add3A_293 = arith.addi %add3A_280, %add3A_292 : i32
        %mul3A_294 = arith.constant 16 : i32
        %mul3A_295 = arith.muli %add3A_293, %mul3A_294 : i32
        %get3A_296 = arith.index_cast %mul3A_295 : i32 to index
        %get3A_297 = tpu.vector_load %arg8[%get3A_296] {strides = array<i32>} : memref<4096xi32, #tpu.memory_space<vmem>>, vector<16xi32>,
        %add3A_298 = arith.constant 3 : i32
        %add3A_299 = arith.addi %add3A_280, %add3A_298 : i32
        %mul3A_300 = arith.constant 16 : i32
        %mul3A_301 = arith.muli %add3A_299, %mul3A_300 : i32
        %get3A_302 = arith.index_cast %mul3A_301 : i32 to index
        %get3A_303 = tpu.vector_load %arg8[%get3A_302] {strides = array<i32>} : memref<4096xi32, #tpu.memory_space<vmem>>, vector<16xi32>,
        %add3A_304 = arith.constant 0 : i32
        %add3A_305 = arith.addi %add3A_280, %add3A_304 : i32
        %mul3A_306 = arith.constant 16 : i32
        %mul3A_307 = arith.muli %add3A_305, %mul3A_306 : i32
        %get3A_308 = arith.index_cast %mul3A_307 : i32 to index
        %get3A_309 = tpu.vector_load %arg9[%get3A_308] {strides = array<i32>} : memref<4096xi32, #tpu.memory_space<vmem>>, vector<16xi32>,
        %add3A_310 = arith.constant 1 : i32
        %add3A_311 = arith.addi %add3A_280, %add3A_310 : i32
        %mul3A_312 = arith.constant 16 : i32
        %mul3A_313 = arith.muli %add3A_311, %mul3A_312 : i32
        %get3A_314 = arith.index_cast %mul3A_313 : i32 to index
        %get3A_315 = tpu.vector_load %arg9[%get3A_314] {strides = array<i32>} : memref<4096xi32, #tpu.memory_space<vmem>>, vector<16xi32>,
        %add3A_316 = arith.constant 2 : i32
        %add3A_317 = arith.addi %add3A_280, %add3A_316 : i32
        %mul3A_318 = arith.constant 16 : i32
        %mul3A_319 = arith.muli %add3A_317, %mul3A_318 : i32
        %get3A_320 = arith.index_cast %mul3A_319 : i32 to index
        %get3A_321 = tpu.vector_load %arg9[%get3A_320] {strides = array<i32>} : memref<4096xi32, #tpu.memory_space<vmem>>, vector<16xi32>,
        %add3A_322 = arith.constant 3 : i32
        %add3A_323 = arith.addi %add3A_280, %add3A_322 : i32
        %mul3A_324 = arith.constant 16 : i32
        %mul3A_325 = arith.muli %add3A_323, %mul3A_324 : i32
        %get3A_326 = arith.index_cast %mul3A_325 : i32 to index
        %get3A_327 = tpu.vector_load %arg9[%get3A_326] {strides = array<i32>} : memref<4096xi32, #tpu.memory_space<vmem>>, vector<16xi32>,
        %gather3A = tpu.vector_load_idx %arg10[%get3A_285] : memref<10112xf32, #tpu.memory_space<vmem>>[vector<16xi32>], vector<16xf32>,
        %gather3A_328 = tpu.vector_load_idx %arg11[%get3A_285] : memref<10112xf32, #tpu.memory_space<vmem>>[vector<16xi32>], vector<16xf32>,
        %gather3A_329 = tpu.vector_load_idx %arg12[%get3A_285] : memref<10112xf32, #tpu.memory_space<vmem>>[vector<16xi32>], vector<16xf32>,
        %gather3A_330 = tpu.vector_load_idx %arg13[%get3A_285] : memref<10112xf32, #tpu.memory_space<vmem>>[vector<16xi32>], vector<16xf32>,
        %gather3A_331 = tpu.vector_load_idx %arg10[%get3A_291] : memref<10112xf32, #tpu.memory_space<vmem>>[vector<16xi32>], vector<16xf32>,
        %gather3A_332 = tpu.vector_load_idx %arg11[%get3A_291] : memref<10112xf32, #tpu.memory_space<vmem>>[vector<16xi32>], vector<16xf32>,
        %gather3A_333 = tpu.vector_load_idx %arg12[%get3A_291] : memref<10112xf32, #tpu.memory_space<vmem>>[vector<16xi32>], vector<16xf32>,
        %gather3A_334 = tpu.vector_load_idx %arg13[%get3A_291] : memref<10112xf32, #tpu.memory_space<vmem>>[vector<16xi32>], vector<16xf32>,
        %gather3A_335 = tpu.vector_load_idx %arg10[%get3A_297] : memref<10112xf32, #tpu.memory_space<vmem>>[vector<16xi32>], vector<16xf32>,
        %gather3A_336 = tpu.vector_load_idx %arg11[%get3A_297] : memref<10112xf32, #tpu.memory_space<vmem>>[vector<16xi32>], vector<16xf32>,
        %gather3A_337 = tpu.vector_load_idx %arg12[%get3A_297] : memref<10112xf32, #tpu.memory_space<vmem>>[vector<16xi32>], vector<16xf32>,
        %gather3A_338 = tpu.vector_load_idx %arg13[%get3A_297] : memref<10112xf32, #tpu.memory_space<vmem>>[vector<16xi32>], vector<16xf32>,
        %gather3A_339 = tpu.vector_load_idx %arg10[%get3A_303] : memref<10112xf32, #tpu.memory_space<vmem>>[vector<16xi32>], vector<16xf32>,
        %gather3A_340 = tpu.vector_load_idx %arg11[%get3A_303] : memref<10112xf32, #tpu.memory_space<vmem>>[vector<16xi32>], vector<16xf32>,
        %gather3A_341 = tpu.vector_load_idx %arg12[%get3A_303] : memref<10112xf32, #tpu.memory_space<vmem>>[vector<16xi32>], vector<16xf32>,
        %gather3A_342 = tpu.vector_load_idx %arg13[%get3A_303] : memref<10112xf32, #tpu.memory_space<vmem>>[vector<16xi32>], vector<16xf32>,
        tpu.vector_store_idx %arg14[%get3A_309], %gather3A {add = true} : memref<10112xf32, #tpu.memory_space<vmem>>[vector<16xi32>], vector<16xf32>,
        tpu.vector_store_idx %arg15[%get3A_309], %gather3A_328 {add = true} : memref<10112xf32, #tpu.memory_space<vmem>>[vector<16xi32>], vector<16xf32>,
        tpu.vector_store_idx %arg16[%get3A_309], %gather3A_329 {add = true} : memref<10112xf32, #tpu.memory_space<vmem>>[vector<16xi32>], vector<16xf32>,
        tpu.vector_store_idx %arg17[%get3A_309], %gather3A_330 {add = true} : memref<10112xf32, #tpu.memory_space<vmem>>[vector<16xi32>], vector<16xf32>,
        tpu.vector_store_idx %arg14[%get3A_315], %gather3A_331 {add = true} : memref<10112xf32, #tpu.memory_space<vmem>>[vector<16xi32>], vector<16xf32>,
        tpu.vector_store_idx %arg15[%get3A_315], %gather3A_332 {add = true} : memref<10112xf32, #tpu.memory_space<vmem>>[vector<16xi32>], vector<16xf32>,
        tpu.vector_store_idx %arg16[%get3A_315], %gather3A_333 {add = true} : memref<10112xf32, #tpu.memory_space<vmem>>[vector<16xi32>], vector<16xf32>,
        tpu.vector_store_idx %arg17[%get3A_315], %gather3A_334 {add = true} : memref<10112xf32, #tpu.memory_space<vmem>>[vector<16xi32>], vector<16xf32>,
        tpu.vector_store_idx %arg14[%get3A_321], %gather3A_335 {add = true} : memref<10112xf32, #tpu.memory_space<vmem>>[vector<16xi32>], vector<16xf32>,
        tpu.vector_store_idx %arg15[%get3A_321], %gather3A_336 {add = true} : memref<10112xf32, #tpu.memory_space<vmem>>[vector<16xi32>], vector<16xf32>,
        tpu.vector_store_idx %arg16[%get3A_321], %gather3A_337 {add = true} : memref<10112xf32, #tpu.memory_space<vmem>>[vector<16xi32>], vector<16xf32>,
        tpu.vector_store_idx %arg17[%get3A_321], %gather3A_338 {add = true} : memref<10112xf32, #tpu.memory_space<vmem>>[vector<16xi32>], vector<16xf32>,
        tpu.vector_store_idx %arg14[%get3A_327], %gather3A_339 {add = true} : memref<10112xf32, #tpu.memory_space<vmem>>[vector<16xi32>], vector<16xf32>,
        tpu.vector_store_idx %arg15[%get3A_327], %gather3A_340 {add = true} : memref<10112xf32, #tpu.memory_space<vmem>>[vector<16xi32>], vector<16xf32>,
        tpu.vector_store_idx %arg16[%get3A_327], %gather3A_341 {add = true} : memref<10112xf32, #tpu.memory_space<vmem>>[vector<16xi32>], vector<16xf32>,
        tpu.vector_store_idx %arg17[%get3A_327], %gather3A_342 {add = true} : memref<10112xf32, #tpu.memory_space<vmem>>[vector<16xi32>], vector<16xf32>,
      }
      %scan3A_275 = arith.constant 64 : i32
    }
    %dma_wait3A_191 = tpu.memref_slice %arg3[%select_n3A_92] : memref<327680xi32, #tpu.memory_space<hbm>> -> memref<4096xi32, #tpu.memory_space<hbm>>
    %dma_wait3A_192 = tpu.memref_slice %arg3[%select_n3A_92] : memref<327680xi32, #tpu.memory_space<hbm>> -> memref<4096xi32, #tpu.memory_space<hbm>>
    tpu.wait_dma2 semaphore(%arg18 : memref<!tpu.dma_semaphore, #tpu.memory_space<semaphore_mem>>) src(%dma_wait3A_192 : memref<4096xi32, #tpu.memory_space<hbm>>) dst(%arg6 : memref<4096xi32, #tpu.memory_space<vmem>>)
    %dma_wait3A_193 = tpu.memref_slice %arg4[%select_n3A_92] : memref<327680xi32, #tpu.memory_space<hbm>> -> memref<4096xi32, #tpu.memory_space<hbm>>
    %dma_wait3A_194 = tpu.memref_slice %arg4[%select_n3A_92] : memref<327680xi32, #tpu.memory_space<hbm>> -> memref<4096xi32, #tpu.memory_space<hbm>>
    tpu.wait_dma2 semaphore(%arg18 : memref<!tpu.dma_semaphore, #tpu.memory_space<semaphore_mem>>) src(%dma_wait3A_194 : memref<4096xi32, #tpu.memory_space<hbm>>) dst(%arg7 : memref<4096xi32, #tpu.memory_space<vmem>>)
    %mul3A_195 = arith.constant 16 : i32
    %mul3A_196 = arith.muli %add3A_32, %mul3A_195 : i32
    %add3A_197 = arith.addi %mul3A_196, %mul3A_8 : i32
    %mul3A_198 = arith.constant 10112 : i32
    %mul3A_199 = arith.muli %add3A_197, %mul3A_198 : i32
    %add3A_200 = arith.constant 0 : i32
    %add3A_201 = arith.addi %mul3A_199, %add3A_200 : i32
    %dma_start3A_202 = tpu.memref_slice %arg5[%add3A_201] : memref<1294336xf32, #tpu.memory_space<hbm>> -> memref<10112xf32, #tpu.memory_space<hbm>>
    %dma_start3A_203 = tpu.memref_slice %arg5[%add3A_201] : memref<1294336xf32, #tpu.memory_space<hbm>> -> memref<10112xf32, #tpu.memory_space<hbm>>
    tpu.enqueue_dma source(%arg14 : memref<10112xf32, #tpu.memory_space<vmem>>) target(%dma_start3A_203 : memref<10112xf32, #tpu.memory_space<hbm>>) target_semaphore(%arg20 : memref<!tpu.dma_semaphore, #tpu.memory_space<semaphore_mem>>)
    %add3A_204 = arith.constant 10112 : i32
    %add3A_205 = arith.addi %mul3A_199, %add3A_204 : i32
    %dma_start3A_206 = tpu.memref_slice %arg5[%add3A_205] : memref<1294336xf32, #tpu.memory_space<hbm>> -> memref<10112xf32, #tpu.memory_space<hbm>>
    %dma_start3A_207 = tpu.memref_slice %arg5[%add3A_205] : memref<1294336xf32, #tpu.memory_space<hbm>> -> memref<10112xf32, #tpu.memory_space<hbm>>
    tpu.enqueue_dma source(%arg15 : memref<10112xf32, #tpu.memory_space<vmem>>) target(%dma_start3A_207 : memref<10112xf32, #tpu.memory_space<hbm>>) target_semaphore(%arg20 : memref<!tpu.dma_semaphore, #tpu.memory_space<semaphore_mem>>)
    %add3A_208 = arith.constant 20224 : i32
    %add3A_209 = arith.addi %mul3A_199, %add3A_208 : i32
    %dma_start3A_210 = tpu.memref_slice %arg5[%add3A_209] : memref<1294336xf32, #tpu.memory_space<hbm>> -> memref<10112xf32, #tpu.memory_space<hbm>>
    %dma_start3A_211 = tpu.memref_slice %arg5[%add3A_209] : memref<1294336xf32, #tpu.memory_space<hbm>> -> memref<10112xf32, #tpu.memory_space<hbm>>
    tpu.enqueue_dma source(%arg16 : memref<10112xf32, #tpu.memory_space<vmem>>) target(%dma_start3A_211 : memref<10112xf32, #tpu.memory_space<hbm>>) target_semaphore(%arg20 : memref<!tpu.dma_semaphore, #tpu.memory_space<semaphore_mem>>)
    %add3A_212 = arith.constant 30336 : i32
    %add3A_213 = arith.addi %mul3A_199, %add3A_212 : i32
    %dma_start3A_214 = tpu.memref_slice %arg5[%add3A_213] : memref<1294336xf32, #tpu.memory_space<hbm>> -> memref<10112xf32, #tpu.memory_space<hbm>>
    %dma_start3A_215 = tpu.memref_slice %arg5[%add3A_213] : memref<1294336xf32, #tpu.memory_space<hbm>> -> memref<10112xf32, #tpu.memory_space<hbm>>
    tpu.enqueue_dma source(%arg17 : memref<10112xf32, #tpu.memory_space<vmem>>) target(%dma_start3A_215 : memref<10112xf32, #tpu.memory_space<hbm>>) target_semaphore(%arg20 : memref<!tpu.dma_semaphore, #tpu.memory_space<semaphore_mem>>)
    %add3A_216 = arith.constant 0 : i32
    %add3A_217 = arith.addi %mul3A_199, %add3A_216 : i32
    %dma_wait3A_218 = tpu.memref_slice %arg5[%add3A_217] : memref<1294336xf32, #tpu.memory_space<hbm>> -> memref<10112xf32, #tpu.memory_space<hbm>>
    %dma_wait3A_219 = tpu.memref_slice %arg5[%add3A_217] : memref<1294336xf32, #tpu.memory_space<hbm>> -> memref<10112xf32, #tpu.memory_space<hbm>>
    tpu.wait_dma2 semaphore(%arg20 : memref<!tpu.dma_semaphore, #tpu.memory_space<semaphore_mem>>) src(%arg14 : memref<10112xf32, #tpu.memory_space<vmem>>) dst(%dma_wait3A_219 : memref<10112xf32, #tpu.memory_space<hbm>>)
    %add3A_220 = arith.constant 10112 : i32
    %add3A_221 = arith.addi %mul3A_199, %add3A_220 : i32
    %dma_wait3A_222 = tpu.memref_slice %arg5[%add3A_221] : memref<1294336xf32, #tpu.memory_space<hbm>> -> memref<10112xf32, #tpu.memory_space<hbm>>
    %dma_wait3A_223 = tpu.memref_slice %arg5[%add3A_221] : memref<1294336xf32, #tpu.memory_space<hbm>> -> memref<10112xf32, #tpu.memory_space<hbm>>
    tpu.wait_dma2 semaphore(%arg20 : memref<!tpu.dma_semaphore, #tpu.memory_space<semaphore_mem>>) src(%arg15 : memref<10112xf32, #tpu.memory_space<vmem>>) dst(%dma_wait3A_223 : memref<10112xf32, #tpu.memory_space<hbm>>)
    %add3A_224 = arith.constant 20224 : i32
    %add3A_225 = arith.addi %mul3A_199, %add3A_224 : i32
    %dma_wait3A_226 = tpu.memref_slice %arg5[%add3A_225] : memref<1294336xf32, #tpu.memory_space<hbm>> -> memref<10112xf32, #tpu.memory_space<hbm>>
    %dma_wait3A_227 = tpu.memref_slice %arg5[%add3A_225] : memref<1294336xf32, #tpu.memory_space<hbm>> -> memref<10112xf32, #tpu.memory_space<hbm>>
    tpu.wait_dma2 semaphore(%arg20 : memref<!tpu.dma_semaphore, #tpu.memory_space<semaphore_mem>>) src(%arg16 : memref<10112xf32, #tpu.memory_space<vmem>>) dst(%dma_wait3A_227 : memref<10112xf32, #tpu.memory_space<hbm>>)
    %add3A_228 = arith.constant 30336 : i32
    %add3A_229 = arith.addi %mul3A_199, %add3A_228 : i32
    %dma_wait3A_230 = tpu.memref_slice %arg5[%add3A_229] : memref<1294336xf32, #tpu.memory_space<hbm>> -> memref<10112xf32, #tpu.memory_space<hbm>>
    %dma_wait3A_231 = tpu.memref_slice %arg5[%add3A_229] : memref<1294336xf32, #tpu.memory_space<hbm>> -> memref<10112xf32, #tpu.memory_space<hbm>>
    tpu.wait_dma2 semaphore(%arg20 : memref<!tpu.dma_semaphore, #tpu.memory_space<semaphore_mem>>) src(%arg17 : memref<10112xf32, #tpu.memory_space<vmem>>) dst(%dma_wait3A_231 : memref<10112xf32, #tpu.memory_space<hbm>>)
    return
  }
}

module attributes {stable_mosaic.version = 14 : i64} {
  func.func @body(%arg0: memref<16x128xf32, #tpu.memory_space<vmem>>, %arg1: memref<128x10112xf32, #tpu.memory_space<vmem>>, %arg2: memref<16x10112xf32, #tpu.memory_space<vmem>>) attributes {dimension_semantics = [], scalar_prefetch = 0 : i64, scratch_operands = 0 : i64, tpu.core_type = #tpu.core_type<tc>} {
    %get3A = arith.constant 0 : index
    %get3A_0 = arith.constant 0 : index
    %get3A_1 = vector.load %arg0[%get3A, %get3A_0] : memref<16x128xf32, #tpu.memory_space<vmem>>, vector<16x128xf32>
    %get3A_2 = arith.constant 0 : index
    %get3A_3 = arith.constant 0 : index
    %get3A_4 = vector.load %arg1[%get3A_2, %get3A_3] : memref<128x10112xf32, #tpu.memory_space<vmem>>, vector<128x10112xf32>
    %dot_general3A = arith.constant dense<0.000000e+00> : vector<16x10112xf32>
    %dot_general3A_5 = tpu.matmul %get3A_1, %get3A_4, %dot_general3A {dimension_numbers = #tpu.dot_dimension_numbers<[1], [0], [0], [1], [0, 0, 1, 1], [], []>, transpose_lhs_hint = false} : vector<16x128xf32>, vector<128x10112xf32>, vector<16x10112xf32> -> vector<16x10112xf32>
    %swap3A = arith.constant 0 : index
    %swap3A_6 = arith.constant 0 : index
    %swap3A_7 = vector.load %arg2[%swap3A, %swap3A_6] : memref<16x10112xf32, #tpu.memory_space<vmem>>, vector<16x10112xf32>
    tpu.vector_store %arg2[%swap3A, %swap3A_6], %dot_general3A_5 {strides = array<i32>} : memref<16x10112xf32, #tpu.memory_space<vmem>>, vector<16x10112xf32>,
    return
  }
}

module attributes {stable_mosaic.version = 14 : i64} {
  func.func @body(%arg0: memref<32x10112xf32, #tpu.memory_space<vmem>>, %arg1: memref<16x10112xf32, #tpu.memory_space<vmem>>, %arg2: memref<16x10112xf32, #tpu.memory_space<vmem>>, %arg3: memref<1x10112xf32, #tpu.memory_space<vmem>>) attributes {dimension_semantics = [], scalar_prefetch = 0 : i64, scratch_operands = 0 : i64, tpu.core_type = #tpu.core_type<tc>} {
    %get3A = arith.constant 0 : index
    %get3A_0 = arith.constant 0 : index
    %get3A_1 = vector.load %arg0[%get3A, %get3A_0] : memref<32x10112xf32, #tpu.memory_space<vmem>>, vector<32x10112xf32>
    %reduce_sum3A = arith.constant dense<0.000000e+00> : vector<10112xf32>
    %reduce_sum3A_2 = vector.multi_reduction <add>, %get3A_1, %reduce_sum3A [0] : vector<32x10112xf32> to vector<10112xf32>
    %broadcast_in_dim3A = vector.shape_cast %reduce_sum3A_2 : vector<10112xf32> to vector<1x10112xf32>
    %add3A = arith.constant 1.000000e+00 : f32
    %add3A_3 = vector.broadcast %add3A : f32 to vector<1x10112xf32>
    %add3A_4 = arith.addf %broadcast_in_dim3A, %add3A_3 : vector<1x10112xf32>
    %rsqrt3A = math.rsqrt %add3A_4 : vector<1x10112xf32>
    %swap3A = arith.constant 0 : index
    %swap3A_5 = arith.constant 0 : index
    %swap3A_6 = vector.load %arg3[%swap3A, %swap3A_5] : memref<1x10112xf32, #tpu.memory_space<vmem>>, vector<1x10112xf32>
    tpu.vector_store %arg3[%swap3A, %swap3A_5], %rsqrt3A {strides = array<i32>} : memref<1x10112xf32, #tpu.memory_space<vmem>>, vector<1x10112xf32>,
    %get3A_7 = arith.constant 0 : index
    %get3A_8 = arith.constant 0 : index
    %get3A_9 = vector.load %arg1[%get3A_7, %get3A_8] : memref<16x10112xf32, #tpu.memory_space<vmem>>, vector<16x10112xf32>
    %mul3A = vector.broadcast %rsqrt3A : vector<1x10112xf32> to vector<16x10112xf32>
    %mul3A_10 = arith.mulf %mul3A, %get3A_9 : vector<16x10112xf32>
    %swap3A_11 = arith.constant 0 : index
    %swap3A_12 = arith.constant 0 : index
    %swap3A_13 = vector.load %arg2[%swap3A_11, %swap3A_12] : memref<16x10112xf32, #tpu.memory_space<vmem>>, vector<16x10112xf32>
    tpu.vector_store %arg2[%swap3A_11, %swap3A_12], %mul3A_10 {strides = array<i32>} : memref<16x10112xf32, #tpu.memory_space<vmem>>, vector<16x10112xf32>,
    return
  }
}

module attributes {stable_mosaic.version = 14 : i64} {
  func.func @body(%arg0: memref<8x16x10112xf32, #tpu.memory_space<vmem>>, %arg1: memref<16x10112xf32, #tpu.memory_space<vmem>>, %arg2: memref<1x10112xf32, #tpu.memory_space<vmem>>, %arg3: memref<16xf32, #tpu.memory_space<vmem>>, %arg4: memref<16x10112xf32, #tpu.memory_space<vmem>>) attributes {dimension_semantics = [], scalar_prefetch = 0 : i64, scratch_operands = 0 : i64, tpu.core_type = #tpu.core_type<tc>} {
    %get3A = arith.constant 0 : index
    %get3A_0 = arith.constant 0 : index
    %get3A_1 = arith.constant 0 : index
    %get3A_2 = vector.load %arg0[%get3A, %get3A_0, %get3A_1] : memref<8x16x10112xf32, #tpu.memory_space<vmem>>, vector<8x16x10112xf32>
    %reduce_sum3A = arith.constant dense<0.000000e+00> : vector<16x10112xf32>
    %reduce_sum3A_3 = vector.multi_reduction <add>, %get3A_2, %reduce_sum3A [0] : vector<8x16x10112xf32> to vector<16x10112xf32>
    %get3A_4 = arith.constant 0 : index
    %get3A_5 = arith.constant 0 : index
    %get3A_6 = vector.load %arg2[%get3A_4, %get3A_5] : memref<1x10112xf32, #tpu.memory_space<vmem>>, vector<1x10112xf32>
    %get3A_7 = arith.constant 0 : index
    %get3A_8 = arith.constant 0 : index
    %get3A_9 = vector.load %arg1[%get3A_7, %get3A_8] : memref<16x10112xf32, #tpu.memory_space<vmem>>, vector<16x10112xf32>
    %add3A = arith.addf %reduce_sum3A_3, %get3A_9 : vector<16x10112xf32>
    %mul3A = vector.broadcast %get3A_6 : vector<1x10112xf32> to vector<16x10112xf32>
    %mul3A_10 = arith.mulf %mul3A, %add3A : vector<16x10112xf32>
    %get3A_11 = arith.constant 0 : index
    %get3A_12 = vector.load %arg3[%get3A_11] : memref<16xf32, #tpu.memory_space<vmem>>, vector<16xf32>
    %broadcast_in_dim3A = vector.shape_cast %get3A_12 : vector<16xf32> to vector<16x1xf32>
    %add3A_13 = vector.broadcast %broadcast_in_dim3A : vector<16x1xf32> to vector<16x10112xf32>
    %add3A_14 = arith.addf %mul3A_10, %add3A_13 : vector<16x10112xf32>
    %get3A_15 = arith.constant 0 : index
    %get3A_16 = arith.constant 0 : index
    %get3A_17 = vector.load %arg2[%get3A_15, %get3A_16] : memref<1x10112xf32, #tpu.memory_space<vmem>>, vector<1x10112xf32>
    %max3A = arith.constant 0.000000e+00 : f32
    %max3A_18 = vector.broadcast %max3A : f32 to vector<16x10112xf32>
    %max3A_19 = arith.maximumf %add3A_14, %max3A_18 : vector<16x10112xf32>
    %mul3A_20 = vector.broadcast %get3A_17 : vector<1x10112xf32> to vector<16x10112xf32>
    %mul3A_21 = arith.mulf %mul3A_20, %max3A_19 : vector<16x10112xf32>
    %swap3A = arith.constant 0 : index
    %swap3A_22 = arith.constant 0 : index
    %swap3A_23 = vector.load %arg4[%swap3A, %swap3A_22] : memref<16x10112xf32, #tpu.memory_space<vmem>>, vector<16x10112xf32>
    tpu.vector_store %arg4[%swap3A, %swap3A_22], %mul3A_21 {strides = array<i32>} : memref<16x10112xf32, #tpu.memory_space<vmem>>, vector<16x10112xf32>,
    return
  }
}

module attributes {stable_mosaic.version = 14 : i64} {
  func.func @body(%arg0: memref<8x16x10112xf32, #tpu.memory_space<vmem>>, %arg1: memref<16x10112xf32, #tpu.memory_space<vmem>>, %arg2: memref<1x10112xf32, #tpu.memory_space<vmem>>, %arg3: memref<16x40xf32, #tpu.memory_space<vmem>>, %arg4: memref<40xf32, #tpu.memory_space<vmem>>, %arg5: memref<10000x40xf32, #tpu.memory_space<vmem>>) attributes {dimension_semantics = [], scalar_prefetch = 0 : i64, scratch_operands = 0 : i64, tpu.core_type = #tpu.core_type<tc>} {
    %get3A = arith.constant 0 : index
    %get3A_0 = arith.constant 0 : index
    %get3A_1 = arith.constant 0 : index
    %get3A_2 = vector.load %arg0[%get3A, %get3A_0, %get3A_1] : memref<8x16x10112xf32, #tpu.memory_space<vmem>>, vector<8x16x10112xf32>
    %reduce_sum3A = arith.constant dense<0.000000e+00> : vector<16x10112xf32>
    %reduce_sum3A_3 = vector.multi_reduction <add>, %get3A_2, %reduce_sum3A [0] : vector<8x16x10112xf32> to vector<16x10112xf32>
    %get3A_4 = arith.constant 0 : index
    %get3A_5 = arith.constant 0 : index
    %get3A_6 = vector.load %arg2[%get3A_4, %get3A_5] : memref<1x10112xf32, #tpu.memory_space<vmem>>, vector<1x10112xf32>
    %get3A_7 = arith.constant 0 : index
    %get3A_8 = arith.constant 0 : index
    %get3A_9 = vector.load %arg1[%get3A_7, %get3A_8] : memref<16x10112xf32, #tpu.memory_space<vmem>>, vector<16x10112xf32>
    %add3A = arith.addf %reduce_sum3A_3, %get3A_9 : vector<16x10112xf32>
    %mul3A = vector.broadcast %get3A_6 : vector<1x10112xf32> to vector<16x10112xf32>
    %mul3A_10 = arith.mulf %mul3A, %add3A : vector<16x10112xf32>
    %get3A_11 = arith.constant 0 : index
    %get3A_12 = arith.constant 0 : index
    %get3A_13 = vector.load %arg3[%get3A_11, %get3A_12] : memref<16x40xf32, #tpu.memory_space<vmem>>, vector<16x40xf32>
    %dot_general3A = arith.constant dense<0.000000e+00> : vector<10112x40xf32>
    %dot_general3A_14 = tpu.matmul %mul3A_10, %get3A_13, %dot_general3A {dimension_numbers = #tpu.dot_dimension_numbers<[0], [0], [1], [1], [0, 1, 1, 1], [], []>, transpose_lhs_hint = false} : vector<16x10112xf32>, vector<16x40xf32>, vector<10112x40xf32> -> vector<10112x40xf32>
    %slice3A = vector.extract_strided_slice %dot_general3A_14 {offsets = [0, 0], sizes = [10000, 40], strides = [1, 1]} : vector<10112x40xf32> to vector<10000x40xf32>
    %get3A_15 = arith.constant 0 : index
    %get3A_16 = vector.load %arg4[%get3A_15] : memref<40xf32, #tpu.memory_space<vmem>>, vector<40xf32>
    %broadcast_in_dim3A = vector.shape_cast %get3A_16 : vector<40xf32> to vector<1x40xf32>
    %add3A_17 = vector.broadcast %broadcast_in_dim3A : vector<1x40xf32> to vector<10000x40xf32>
    %add3A_18 = arith.addf %slice3A, %add3A_17 : vector<10000x40xf32>
    %swap3A = arith.constant 0 : index
    %swap3A_19 = arith.constant 0 : index
    %swap3A_20 = vector.load %arg5[%swap3A, %swap3A_19] : memref<10000x40xf32, #tpu.memory_space<vmem>>, vector<10000x40xf32>
    tpu.vector_store %arg5[%swap3A, %swap3A_19], %add3A_18 {strides = array<i32>} : memref<10000x40xf32, #tpu.memory_space<vmem>>, vector<10000x40xf32>,
    return
  }
}

</mosaic_0001>

<sc_bundles>
// kernel: kernel.12.cloned.1.call-start
scs
__scs_entry_jumppad:
0x0: {  	(pc) =	sbr.rel $0x88, $3  }
0x1: {  	(tag) =	ssettag $0x0;
	lr =	simm.s32 $0x1  }
0x2: {  	[smem:$0x3F9B] =	sst lr;
	_ =	strace $0xD0000000  }
0x3: {  	_ = 	snop  }
0x4: {  	_ = 	snop  }
0x5: {  	_ = 	snop  }
0x6: {  	_ = 	snop  }
0x7: {  	_ = 	snop  }
__scs_overlays_trampoline_lowered:
0x8: {  	[smem:$0x3FAA] =	sst s0  }
0x9: {  	[smem:$0x3FAB] =	sst s1  }
0xa: {  	[smem:$0x3FAC] =	sst s2  }
0xb: {  	[smem:$0x3FAD] =	sst s3  }
0xc: {  	[smem:$0x3FAE] =	sst s4  }
0xd: {  	[smem:$0x3FAF] =	sst s5  }
0xe: {  	[smem:$0x3FB0] =	sst s6  }
0xf: {  	[smem:$0x3FB1] =	sst s7  }
0x10: {  	[smem:$0x3FB2] =	sst s8  }
0x11: {  	[smem:$0x3FB3] =	sst s9;
	s0 =	simm.s32 @!p0 $0x0  }
0x12: {  	s1 =	sld [smem:$0x3F99];
	s0 =	simm.s32 @p0 $0x1  }
0x13: {  	[smem:$0x3FB4] =	sst s0;
	s0 =	simm.s32 @!p1 $0x0  }
0x14: {  	s2 =	sld [smem:$0x3F98];
	s0 =	simm.s32 @p1 $0x1  }
0x15: {  	[smem:$0x3FB5] =	sst s0;
	s0 =	simm.s32 @!p2 $0x0  }
0x16: {  	s3 =	sld [smem:$0x3FDB];
	s0 =	simm.s32 @p2 $0x1  }
0x17: {  	s4 =	simm.s32 $0x1BF5;
	[smem:$0x3FB7] =	sst s0  }
0x18: {  	s0 =	sld [smem:$0x3F9A];
	_ =	swait.ge [sflag:s4], $0x0  }
0x19: {  	s7 =	sld [smem:$0x3F9B]  }
0x1a: {  	s8 =	sadd.s32 $0xFFFFE003, lr  }
0x1b: {  	s9 =	sadd.s32 $0xFFFFFEF7, lr;
	s5 =	simm.s32 $0xFFFFFFFF;
	p2 =	slt.u32 s8, $0xFFFFF086  }
0x1c: {  	p1 =	slt.u32 s9, $0xF7A;
	s5 =	simm.s32 @!p2 $0x0  }
0x1d: {  	s5 =	simm.s32 @p1 $0x1;
	p0 =	seq.s32 s7, s2  }
0x1e: {  	s7 =	smul.u32 @!p0 $0xF7A, s2;
	p2 =	seq.s32 @!p0 s5, $0x0  }
0x1f: {  	s9 =	smul.u32 $0xF7A, s1;
	s8 =	simm.s32 @!p0 $0x1BF5;
	p2 =	por !p2, p0  }
0x20: {  	[sflag:s8] =	ssyncset.s32 @!p0 $0xFFFFF086;
	s6 =	sadd.s32 @!p0 s3, s7;
	s7 =	simm.s32 @!p0 $0x108  }
0x21: {  	s3 =	sadd.s32 s3, s9;
	s6 =	sadd.s32 @!p0 $0x88, s6;
	s7 =	simm.s32 @p2 $0x1082  }
0x22: {  	[simem:s7], [sflag:s8] =	dma.local @!p0 [hbm:s6], $0xF7A  }
0x23: {  	s9 =	sor.u32 $0xD0000000, s2;
	s6 =	simm.s32 $0x108;
	_ =	swait.ge @!p0 [sflag:s8], $0x0  }
0x24: {  	s3 =	sadd.s32 $0x88, s3;
	s6 =	simm.s32 @!p1 $0x1082;
	[sflag:s4] =	ssyncset.s32 $0xFFFFF086  }
0x25: {  	[simem:s6], [sflag:s4] =	dma.local [hbm:s3], $0xF7A  }
0x26: {  	[smem:$0x3F9B] =	sst s1;
	(tag) =	ssettag s2;
	_ =	strace s9  }
0x27: {  	s1 =	sld [smem:$0x3FAB]  }
0x28: {  	s2 =	sld [smem:$0x3FAC]  }
0x29: {  	s4 =	sld [smem:$0x3FAE]  }
0x2a: {  	p0 =	seq.s32 s5, $0x0;
	s5 =	sld [smem:$0x3FAF]  }
0x2b: {  	s6 =	sld [smem:$0x3FB0]  }
0x2c: {  	s7 =	sld [smem:$0x3FB1]  }
0x2d: {  	s3 =	simm.s32 $0x108;
	s8 =	sld [smem:$0x3FB2]  }
0x2e: {  	s3 =	simm.s32 @!p0 $0x1082;
	s9 =	sld [smem:$0x3FB3]  }
0x2f: {  	lr =	sadd.s32 s0, s3;
	s0 =	sld [smem:$0x3FAA]  }
0x30: {  	s3 =	sld [smem:$0x3FAD]  }
0x31: {  	[smem:$0x3FB6] =	sst s10  }
0x32: {  	s10 =	sld [smem:$0x3FB4];
	_ =	sdelay $0x3  }
0x33: {  	p0 =	seq.s32 s10, $0x1;
	s10 =	sld [smem:$0x3FB6];
	_ =	sdelay $0x3  }
0x34: {  	[smem:$0x3FB6] =	sst s10  }
0x35: {  	s10 =	sld [smem:$0x3FB5];
	_ =	sdelay $0x3  }
0x36: {  	p1 =	seq.s32 s10, $0x1;
	s10 =	sld [smem:$0x3FB6];
	_ =	sdelay $0x3  }
0x37: {  	[smem:$0x3FB6] =	sst s10  }
0x38: {  	s10 =	sld [smem:$0x3FB7]  }
0x39: {  	_ = 	snop;
	(pc) =	sbr.ind lr, $3  }
0x3a: {  	_ = 	snop  }
0x3b: {  	_ = 	snop  }
0x3c: {  	p2 =	seq.s32 s10, $0x1;
	s10 =	sld [smem:$0x3FB6]  }
0x3d: {  	_ =	shalt  }
0x3e: {  	_ =	shalt  }
0x3f: {  	_ =	shalt  }
0x40: {  	_ =	shalt  }
0x41: {  	_ =	shalt  }
0x42: {  	_ =	shalt  }
0x43: {  	_ =	shalt  }
0x44: {  	_ =	shalt  }
0x45: {  	_ =	shalt  }
0x46: {  	_ =	shalt  }
0x47: {  	_ =	shalt  }
0x48: {  	_ =	shalt  }
0x49: {  	_ =	shalt  }
0x4a: {  	_ =	shalt  }
0x4b: {  	_ =	shalt  }
0x4c: {  	_ =	shalt  }
0x4d: {  	_ =	shalt  }
0x4e: {  	_ =	shalt  }
0x4f: {  	_ =	shalt  }
0x50: {  	_ =	shalt  }
0x51: {  	_ =	shalt  }
0x52: {  	_ =	shalt  }
0x53: {  	_ =	shalt  }
0x54: {  	_ =	shalt  }
0x55: {  	_ =	shalt  }
0x56: {  	_ =	shalt  }
0x57: {  	_ =	shalt  }
0x58: {  	_ =	shalt  }
0x59: {  	_ =	shalt  }
0x5a: {  	_ =	shalt  }
0x5b: {  	_ =	shalt  }
0x5c: {  	_ =	shalt  }
0x5d: {  	_ =	shalt  }
0x5e: {  	_ =	shalt  }
0x5f: {  	_ =	shalt  }
0x60: {  	_ =	shalt  }
0x61: {  	_ =	shalt  }
0x62: {  	_ =	shalt  }
0x63: {  	_ =	shalt  }
0x64: {  	_ =	shalt  }
0x65: {  	_ =	shalt  }
0x66: {  	_ =	shalt  }
0x67: {  	_ =	shalt  }
0x68: {  	_ =	shalt  }
0x69: {  	_ =	shalt  }
0x6a: {  	_ =	shalt  }
0x6b: {  	_ =	shalt  }
0x6c: {  	_ =	shalt  }
0x6d: {  	_ =	shalt  }
0x6e: {  	_ =	shalt  }
0x6f: {  	_ =	shalt  }
0x70: {  	_ =	shalt  }
0x71: {  	_ =	shalt  }
0x72: {  	_ =	shalt  }
0x73: {  	_ =	shalt  }
0x74: {  	_ =	shalt  }
0x75: {  	_ =	shalt  }
0x76: {  	_ =	shalt  }
0x77: {  	_ =	shalt  }
0x78: {  	_ =	shalt  }
0x79: {  	_ =	shalt  }
0x7a: {  	_ =	shalt  }
0x7b: {  	_ =	shalt  }
0x7c: {  	_ =	shalt  }
0x7d: {  	_ =	shalt  }
0x7e: {  	_ =	shalt  }
0x7f: {  	_ =	shalt  }
0x80: {  	_ =	shalt  }
0x81: {  	_ =	shalt  }
0x82: {  	_ =	shalt  }
0x83: {  	_ =	shalt  }
0x84: {  	_ =	shalt  }
0x85: {  	_ =	shalt  }
0x86: {  	_ =	shalt  }
0x87: {  	_ =	shalt  }
.Lfunc_end0:
.L_simem_size_0:
called_computation.1_lowered:
.L_overlay_start_0:
0x88: {  	s2 =	sld [smem:$0x3FD9]  }
0x89: {  	s3 =	sld [smem:$0x3FFE];
	_ =	sdelay $0x1  }
0x8a: {  	s1 =	srdreg.scid  }
0x8b: {  	s0 =	sand.u32 $0x1, s1  }
0x8c: {  	s17 =	sshll.u32 s0, $0xA;
	s2 =	sadd.s32 s3, s2  }
0x8d: {  	s2 =	sadd.s32 s2, s17  }
0x8e: {  	[smem:$0x3FC2] =	sst s2  }
0x8f: {  	_ = 	snop  }
0x90: {  	s2 =	sld [smem:$0x3FD0];
	(tm) =	ssettm $0x1  }
0x91: {  	s18 =	sld [smem:$0x3FFB];
	_ =	sdelay $0x3  }
0x92: {  	_ =	strace s18  }
0x93: {  	s3 =	sld [smem:$0x3FFC];
	_ =	sdelay $0x3  }
0x94: {  	_ =	strace s3  }
0x95: {  	s3 =	sld [smem:$0x3FFD];
	_ =	sdelay $0x3  }
0x96: {  	_ =	strace s3  }
0x97: {  	_ =	strace $0x8FFFFFFF  }
0x98: {  	s19 =	sld [smem:$0x3FDB];
	_ =	sdelay $0x1  }
0x99: {  	s4 =	simm.s32 $_scs_section_size  }
0x9a: {  	s5 =	simm.s32 $_size__tile_overlayer_lowered;
	s6 =	simm.s32 $_tile_overlayer_lowered  }
0x9b: {  	s22 =	simm.s32 $0x1BFF;
	s21 =	sshll.u32 s6, $0x1;
	s3 =	sadd.s32 s4, s19  }
0x9c: {  	s7 =	simm.s32 $0x0;
	s20 =	sshll.u32 s5, $0x1;
	s5 =	sadd.s32 s21, s3  }
0x9d: {  	[timem:s7], [sflag:s22] =	dma.local [hbm:s5], s20  }
0x9e: {  	_ =	swait.ge [sflag:s22], s20  }
0x9f: {  	s4 =	ssub.s32 $0x0, s20;
	[sflag:s22] =	ssyncset.done $0x0  }
0xa0: {  	[sflag:s22] =	ssyncadd.s32 s4;
	_ =	sdelay $0x1  }
0xa1: {  	s23 =	simm.s32 $0x1B8B  }
0xa2: {  	_ =	swait.ge [sflag:s23], $0x1  }
0xa3: {  	[sflag:s23] =	ssyncset.done $0x0  }
0xa4: {  	s25 =	simm.s32 $0x1B8E;
	s24 =	sld [smem:$0x3FFE];
	[sflag:s23] =	ssyncadd.s32 $0xFFFFFFFF  }
0xa5: {  	s26 =	simm.s32 $execute0_lowered;
	[smem:$0x3FD2] =	sst s25  }
0xa6: {  	s5 =	sshll.u32 s26, $0x1;
	_ =	strace $0x80000049;
	[dreg:$0x1] =	wrdreg $0xFFFFFFFF  }
0xa7: {  	s28 =	simm.s32 $_size_execute0_lowered;
	s3 =	sadd.s32 s3, s5;
	[dreg:$0x0] =	wrdreg $0x0  }
0xa8: {  	s5 =	sshll.u32 s28, $0x1;
	[dreg:$0x2] =	wrdreg s3  }
0xa9: {  	[dreg:$0x3] =	wrdreg s5  }
0xaa: {  	[dreg:$0x4] =	wrdreg $0xC0  }
0xab: {  	_ =	task [dreg:s7], $0x5FFFF  }
0xac: {  	[dreg:$0x1] =	wrdreg $0xFFFFFFFF  }
0xad: {  	[dreg:$0x0] =	wrdreg $0x60  }
0xae: {  	[dreg:$0x2] =	wrdreg s24  }
0xaf: {  	[dreg:$0x3] =	wrdreg s2  }
0xb0: {  	[dreg:$0x4] =	wrdreg $0x9  }
0xb1: {  	_ =	task.clear_ibuf [dreg:s7], $0x5FFFF;
	_ =	strace $0x90000049  }
0xb2: {  	s29 =	simm.s32 $0x9;
	_ =	strace $0x8000004B  }
0xb3: {  	_ =	swait.ge [sflag:s29], $0x1  }
0xb4: {  	[sflag:s29] =	ssyncadd.s32 $0xFFFFFFFF  }
0xb5: {  	_ =	strace $0x9000004B  }
0xb6: {  	_ =	sfence  }
0xb7: {  	s30 =	sld [smem:$0x0];
	_ =	sdelay $0x2  }
0xb8: {  	s31 =	sshll.u32 s1, $0xD;
	s1 =	sshrl.u32 s1, $0x2  }
0xb9: {  	s3 =	sand.u32 $0x4000, s31;
	s1 =	sadd.s32 s1, s30  }
0xba: {  	s0 =	sor.u32 s3, s0;
	s1 =	sshll.u32 s1, $0x11  }
0xbb: {  	s0 =	sor.u32 s1, s0  }
0xbc: {  	s0 =	sadd.s32 $0x8F2B, s0  }
0xbd: {  	[sflag:s0] =	ssyncadd.remote.s32 $0x1  }
0xbe: {  	_ =	sfence.sel $0xFFFF  }
0xbf: {  	[dreg:$0x0] =	wrdreg $0xFFFFFFFF;
	(pc) =	sbr.abs _section_cstart, $3  }
0xc0: {  	[dreg:$0x1] =	wrdreg $0xFFFFFFFF  }
0xc1: {  	_ =	task.clear_ibuf [dreg:s7], $0x2FFFF;
	_ =	strace $0x9FFFFFFF  }
0xc2: {  	(tm) =	ssettm $0x7FFFFFFF  }
0xc3: {  	_ =	shalt  }
tec
execute0_lowered:
.L_overlay_start_1:
0x0: {  	(tag) =	ssettag $0x1  }
0x1: {  	s0 =	srdreg.scid  }
0x2: {  	s2 =	stileid.u32;
	s1 =	rddreg [dreg:$0x0]  }
0x3: {  	s28 =	simm.s32 $0x3000;
	s29 =	simm.s32 $0x1;
	s30 =	simm.s32 $0xDE00  }
0x4: {  	s31 =	simm.s32 $0x10580;
	s14 =	simm.s32 $0x0;
	s0 =	sand.u32 $0x1, s0  }
0x5: {  	s5 =	sshrl.u32 s2, $0x2;
	s6 =	sand.u32 $0x3, s2;
	s2 =	rddreg [dreg:$0x1]  }
0x6: {  	s17 =	sadd.s32 $0xC000, s1;
	s3 =	sshll.u32 s0, $0x6;
	s4 =	sshll.u32 s5, $0x4  }
0x7: {  	s7 =	sshll.u32 s6, $0x2;
	s9 =	ssub.s32 $0x2, s0;
	p0 =	seq.s32 s0, $0x0  }
0x8: {  	s0 =	simm.s32 $0x10;
	s10 =	sshll.u32 s5, $0xE;
	s19 =	smul.u32 $0x9E00, s6  }
0x9: {  	s11 =	sshll.u32 s5, $0x10;
	s6 =	smul.u32 $0x13C0, s6;
	s4 =	sor.u32 s3, s4  }
0xa: {  	s3 =	simm.s32 $0x0;
	s18 =	sshrl.u32 s9, $0x1;
	s5 =	sor.u32 $0x40000, s10  }
0xb: {  	s0 =	simm.s32 @!p0 $0x4;
	s4 =	sor.u32 s7, s4;
	[smem:$0x7FF] =	sst s3  }
0xc: {  	s5 =	smov.u32 @p0 s11;
	s10 =	sshrl.u32 s19, $0x3;
	s6 =	sadd.s32 s17, s6  }
0xd: {  	s12 =	sshrl.u32 s0, $0x1;
	s19 =	sadd.s32 $0xFFFFFFFF, s0;
	s0 =	simm.s32 $0x15480  }
0xe: {  	s7 =	simm.s32 $0x0;
	s4 =	smul.u32 $0x2780, s4;
	_ =	strace $0x8000004A  }
0xf: {  	s20 =	sshrl.u32 s5, $0x3;
	s22 =	sadd.s32 s17, s10;
	[dreg:$0x5] =	wrdreg s6  }
0x10: {  	s13 =	sor.u32 $0x1000, s5;
	s6 =	simm.s32 $0x2;
	s21 =	sadd.s32 s2, s20  }
0x11: {  	s23 =	sadd.s32 $0x4F0, s22;
	s24 =	sadd.s32 $0x9E0, s22;
	[dreg:$0x3] =	wrdreg s21  }
0x12: {  	s25 =	sadd.s32 $0xED0, s22;
	s22 =	simm.s32 $0x6780;
	[dreg:$0x6] =	wrdreg s23  }
0x13: {  	s8 =	sshrl.u32 s4, $0x3;
	s4 =	sadd.s32 $0x2000, s1;
	[dreg:$0x7] =	wrdreg s24  }
0x14: {  	[dreg:$0x8] =	wrdreg s25;
	s21 =	simm.s32 $0x4000;
	s23 =	simm.s32 $0x8F00  }
0x15: {  	s24 =	simm.s32 $0xB680;
	s25 =	simm.s32 $0x3;
	s1 =	sadd.s32 s8, s1  }
0x16: {  	s8 =	ssub.s32 s9, s18;
	s9 =	sadd.s32 s4, s20;
	s20 =	simm.s32 $0x1000  }
0x17: {  	[dreg:$0x4] =	wrdreg s9;
	s26 =	sadd.s32 $0x11000, s1;
	s15 =	sadd.s32 $0x114F0, s1  }
0x18: {  	s16 =	sadd.s32 $0x119E0, s1;
	s17 =	sadd.s32 $0x11ED0, s1;
	s18 =	smax.u32 s8, $0x1  }
0x19: {  	v0 =	vimm.f32 $0.0e+00;
	s1 =	simm.s32 $0x12D00;
	[dreg:$0x9] =	wrdreg s26;
	s26 =	simm.s32 $0x2000  }
.LBB2_1:
0x1a: {  	s8 =	rddreg [dreg:$0x3]  }
0x1b: {  	[tilespmem:s3], [sflag:$0x1] =	stream.linear.gather [hbm4b:s8+s3], $0x1000, $0x38;
	[tilespmem:$0x17C00] =	vst v63  }
0x1c: {  	s10 =	rddreg [dreg:$0x4]  }
0x1d: {  	[tilespmem:s20], [sflag:$0x1] =	stream.linear.gather [hbm4b:s10+s3], $0x1000, $0x38;
	[tilespmem:$0x17C00] =	vst v63  }
0x1e: {  	s11 =	rddreg [dreg:$0x5]  }
0x1f: {  	[tilespmem:s21], [sflag:$0x3] =	stream.linear.gather [hbm4b:s11+s3], $0x2780, $0x38;
	[tilespmem:$0x17C00] =	vst v63  }
0x20: {  	s9 =	rddreg [dreg:$0x6]  }
0x21: {  	[tilespmem:s22], [sflag:$0x3] =	stream.linear.gather [hbm4b:s9+s3], $0x2780, $0x38;
	[tilespmem:$0x17C00] =	vst v63  }
0x22: {  	s10 =	rddreg [dreg:$0x7]  }
0x23: {  	[tilespmem:s23], [sflag:$0x3] =	stream.linear.gather [hbm4b:s10+s3], $0x2780, $0x38;
	[tilespmem:$0x17C00] =	vst v63  }
0x24: {  	s8 =	simm.s32 $0x0;
	s11 =	rddreg [dreg:$0x8];
	s9 =	simm.s32 $0x40  }
0x25: {  	[tilespmem:s24], [sflag:$0x3] =	stream.linear.gather [hbm4b:s11+s3], $0x2780, $0x38;
	[tilespmem:$0x17C00] =	vst v63  }
.LBB2_2:
0x26: {  	p0 =	sne.s32 s9, $0x9DC0;
	[tilespmem:s8+$0x15480] =	vst v0;
	s10 =	smov.u32 s9;
	s9 =	sadd.s32 $0x40, s9  }
.Ltmp0:
0x27: {  	[tilespmem:s8+$0x12D00] =	vst v0;
	(pc) =	sbr.rel @p0 .LBB2_2-.Ltmp0, $3  }
0x28: {  	[tilespmem:s8+$0xDE00] =	vst v0  }
0x29: {  	[tilespmem:s8+$0x10580] =	vst v0;
	_ =	sdelay $0x1  }
0x2a: {  	s8 =	sshra.s32 s10, $0x2  }
0x2b: {  	[tilespmem:s8+$0x15480] =	vst v0  }
0x2c: {  	[tilespmem:s8+$0x12D00] =	vst v0  }
0x2d: {  	[tilespmem:s8+$0xDE00] =	vst v0  }
0x2e: {  	[tilespmem:s8+$0x10580] =	vst v0  }
0x2f: {  	_ =	swait.ge [sflag:s25], $0x2780  }
0x30: {  	[sflag:s25] =	ssyncset.done $0x0  }
0x31: {  	[sflag:s25] =	ssyncadd.s32 $0xFFFFD880  }
0x32: {  	_ =	swait.ge [sflag:s25], $0x2780  }
0x33: {  	[sflag:s25] =	ssyncset.done $0x0  }
0x34: {  	[sflag:s25] =	ssyncadd.s32 $0xFFFFD880  }
0x35: {  	_ =	swait.ge [sflag:s25], $0x2780  }
0x36: {  	[sflag:s25] =	ssyncset.done $0x0  }
0x37: {  	[sflag:s25] =	ssyncadd.s32 $0xFFFFD880  }
0x38: {  	_ =	swait.ge [sflag:s25], $0x2780  }
0x39: {  	[sflag:s25] =	ssyncset.done $0x0  }
0x3a: {  	s8 =	simm.s32 $0x0;
	s9 =	simm.s32 $0x0;
	[sflag:s25] =	ssyncadd.s32 $0xFFFFD880  }
.LBB2_4:
0x3b: {  	s10 =	sshll.u32 s9, $0xD  }
0x3c: {  	s10 =	sadd.s32 s10, s13  }
0x3d: {  	s10 =	sshrl.u32 s10, $0x3  }
0x3e: {  	s11 =	sadd.s32 s2, s10  }
0x3f: {  	[tilespmem:s26], [sflag:$0x2] =	stream.linear.gather [hbm4b:s11+s8], $0x1000, $0x38;
	[tilespmem:$0x17C00] =	vst v63  }
0x40: {  	s10 =	sadd.s32 s4, s10  }
0x41: {  	[tilespmem:s28], [sflag:$0x2] =	stream.linear.gather [hbm4b:s10+s8], $0x1000, $0x38;
	[tilespmem:$0x17C00] =	vst v63  }
0x42: {  	_ =	swait.ge [sflag:s29], $0x1000  }
0x43: {  	[sflag:s29] =	ssyncset.done $0x0  }
0x44: {  	[sflag:s29] =	ssyncadd.s32 $0xFFFFF000  }
0x45: {  	_ =	swait.ge [sflag:s29], $0x1000  }
0x46: {  	[sflag:s29] =	ssyncset.done $0x0  }
0x47: {  	s11 =	simm.s32 $0x0;
	[sflag:s29] =	ssyncadd.s32 $0xFFFFF000  }
0x48: {  	v2 =	vld [tilespmem:s11+$0x0]  }
0x49: {  	v3 =	vld [tilespmem:s11+$0x20]  }
0x4a: {  	v1 =	vld [tilespmem:s11+$0x1030]  }
0x4b: {  	v4 =	vld [tilespmem:s11+$0x1020]  }
0x4c: {  	v5 =	vld [tilespmem:s11+$0x1010]  }
0x4d: {  	v6 =	vld [tilespmem:s11+$0x10]  }
0x4e: {  	v7 =	vld [tilespmem:s11+$0x1000]  }
0x4f: {  	v8 =	vld [tilespmem:s11+$0x30]  }
0x50: {  	v9 =	vld.idx.msk [tilespmem:v2+s24+$0x0], $0xffff  }
0x51: {  	v10 =	vld.idx.msk [tilespmem:v3+s24+$0x0], $0xffff  }
0x52: {  	v11 =	vld.idx.msk [tilespmem:v3+s23+$0x0], $0xffff  }
0x53: {  	v12 =	vld.idx.msk [tilespmem:v2+s21+$0x0], $0xffff  }
0x54: {  	v13 =	vld.idx.msk [tilespmem:v3+s21+$0x0], $0xffff  }
0x55: {  	v14 =	vld.idx.msk [tilespmem:v2+s22+$0x0], $0xffff  }
0x56: {  	v15 =	vld.idx.msk [tilespmem:v2+s23+$0x0], $0xffff  }
0x57: {  	v16 =	vld.idx.msk [tilespmem:v6+s22+$0x0], $0xffff  }
0x58: {  	v17 =	vld.idx.msk [tilespmem:v6+s21+$0x0], $0xffff  }
0x59: {  	v2 =	vld.idx.msk [tilespmem:v8+s24+$0x0], $0xffff  }
0x5a: {  	v3 =	vld.idx.msk [tilespmem:v3+s22+$0x0], $0xffff  }
0x5b: {  	v18 =	vld.idx.msk [tilespmem:v6+s24+$0x0], $0xffff  }
0x5c: {  	v19 =	vld.idx.msk [tilespmem:v8+s23+$0x0], $0xffff  }
0x5d: {  	v20 =	vld.idx.msk [tilespmem:v8+s22+$0x0], $0xffff  }
0x5e: {  	v6 =	vld.idx.msk [tilespmem:v6+s23+$0x0], $0xffff  }
0x5f: {  	v8 =	vld.idx.msk [tilespmem:v8+s21+$0x0], $0xffff  }
0x60: {  	[tilespmem:v7+s30+$0x0] =	vst.idx.add.f32.msk $0xffff, v12  }
0x61: {  	[tilespmem:v7+s31+$0x0] =	vst.idx.add.f32.msk $0xffff, v14  }
0x62: {  	[tilespmem:v7+s1+$0x0] =	vst.idx.add.f32.msk $0xffff, v15  }
0x63: {  	[tilespmem:v7+s0+$0x0] =	vst.idx.add.f32.msk $0xffff, v9  }
0x64: {  	[tilespmem:v5+s30+$0x0] =	vst.idx.add.f32.msk $0xffff, v17  }
0x65: {  	[tilespmem:v5+s31+$0x0] =	vst.idx.add.f32.msk $0xffff, v16  }
0x66: {  	[tilespmem:v5+s1+$0x0] =	vst.idx.add.f32.msk $0xffff, v6  }
0x67: {  	[tilespmem:v5+s0+$0x0] =	vst.idx.add.f32.msk $0xffff, v18  }
0x68: {  	[tilespmem:v4+s30+$0x0] =	vst.idx.add.f32.msk $0xffff, v13  }
0x69: {  	[tilespmem:v4+s31+$0x0] =	vst.idx.add.f32.msk $0xffff, v3  }
0x6a: {  	[tilespmem:v4+s1+$0x0] =	vst.idx.add.f32.msk $0xffff, v11  }
0x6b: {  	[tilespmem:v4+s0+$0x0] =	vst.idx.add.f32.msk $0xffff, v10  }
0x6c: {  	[tilespmem:v1+s30+$0x0] =	vst.idx.add.f32.msk $0xffff, v8  }
0x6d: {  	[tilespmem:v1+s31+$0x0] =	vst.idx.add.f32.msk $0xffff, v20  }
0x6e: {  	s10 =	simm.s32 $0x100;
	[tilespmem:v1+s1+$0x0] =	vst.idx.add.f32.msk $0xffff, v19  }
.LBB2_5:
0x6f: {  	s11 =	sshra.s32 s10, $0x2;
	p0 =	sne.s32 s10, $0x3F00;
	s10 =	sadd.s32 $0x100, s10;
	[tilespmem:v1+s0+$0x0] =	vst.idx.add.f32.msk $0xffff, v2  }
0x70: {  	v2 =	vld [tilespmem:s11+$0x0]  }
0x71: {  	v3 =	vld [tilespmem:s11+$0x20]  }
0x72: {  	v1 =	vld [tilespmem:s11+$0x1030]  }
0x73: {  	v4 =	vld [tilespmem:s11+$0x1020]  }
0x74: {  	v5 =	vld [tilespmem:s11+$0x1010]  }
0x75: {  	v6 =	vld [tilespmem:s11+$0x10]  }
0x76: {  	v7 =	vld [tilespmem:s11+$0x1000]  }
0x77: {  	v8 =	vld [tilespmem:s11+$0x30]  }
0x78: {  	v9 =	vld.idx.msk [tilespmem:v2+s24+$0x0], $0xffff  }
0x79: {  	v10 =	vld.idx.msk [tilespmem:v3+s24+$0x0], $0xffff  }
0x7a: {  	v11 =	vld.idx.msk [tilespmem:v3+s23+$0x0], $0xffff  }
0x7b: {  	v12 =	vld.idx.msk [tilespmem:v2+s21+$0x0], $0xffff  }
0x7c: {  	v13 =	vld.idx.msk [tilespmem:v3+s21+$0x0], $0xffff  }
0x7d: {  	v14 =	vld.idx.msk [tilespmem:v2+s22+$0x0], $0xffff  }
0x7e: {  	v15 =	vld.idx.msk [tilespmem:v2+s23+$0x0], $0xffff  }
0x7f: {  	v16 =	vld.idx.msk [tilespmem:v6+s22+$0x0], $0xffff  }
0x80: {  	v17 =	vld.idx.msk [tilespmem:v6+s21+$0x0], $0xffff  }
0x81: {  	v2 =	vld.idx.msk [tilespmem:v8+s24+$0x0], $0xffff  }
0x82: {  	v3 =	vld.idx.msk [tilespmem:v3+s22+$0x0], $0xffff  }
0x83: {  	v18 =	vld.idx.msk [tilespmem:v6+s24+$0x0], $0xffff  }
0x84: {  	v19 =	vld.idx.msk [tilespmem:v8+s23+$0x0], $0xffff  }
0x85: {  	v20 =	vld.idx.msk [tilespmem:v8+s22+$0x0], $0xffff  }
0x86: {  	v6 =	vld.idx.msk [tilespmem:v6+s23+$0x0], $0xffff  }
0x87: {  	v8 =	vld.idx.msk [tilespmem:v8+s21+$0x0], $0xffff  }
0x88: {  	[tilespmem:v7+s30+$0x0] =	vst.idx.add.f32.msk $0xffff, v12  }
0x89: {  	[tilespmem:v7+s31+$0x0] =	vst.idx.add.f32.msk $0xffff, v14  }
0x8a: {  	[tilespmem:v7+s1+$0x0] =	vst.idx.add.f32.msk $0xffff, v15  }
0x8b: {  	[tilespmem:v7+s0+$0x0] =	vst.idx.add.f32.msk $0xffff, v9  }
0x8c: {  	[tilespmem:v5+s30+$0x0] =	vst.idx.add.f32.msk $0xffff, v17  }
0x8d: {  	[tilespmem:v5+s31+$0x0] =	vst.idx.add.f32.msk $0xffff, v16  }
0x8e: {  	[tilespmem:v5+s1+$0x0] =	vst.idx.add.f32.msk $0xffff, v6  }
0x8f: {  	[tilespmem:v5+s0+$0x0] =	vst.idx.add.f32.msk $0xffff, v18  }
0x90: {  	[tilespmem:v4+s30+$0x0] =	vst.idx.add.f32.msk $0xffff, v13  }
0x91: {  	[tilespmem:v4+s31+$0x0] =	vst.idx.add.f32.msk $0xffff, v3  }
.Ltmp1:
0x92: {  	[tilespmem:v4+s1+$0x0] =	vst.idx.add.f32.msk $0xffff, v11;
	(pc) =	sbr.rel @p0 .LBB2_5-.Ltmp1, $4  }
0x93: {  	[tilespmem:v4+s0+$0x0] =	vst.idx.add.f32.msk $0xffff, v10  }
0x94: {  	[tilespmem:v1+s30+$0x0] =	vst.idx.add.f32.msk $0xffff, v8  }
0x95: {  	[tilespmem:v1+s31+$0x0] =	vst.idx.add.f32.msk $0xffff, v20  }
0x96: {  	[tilespmem:v1+s1+$0x0] =	vst.idx.add.f32.msk $0xffff, v19  }
0x97: {  	s10 =	sshll.u32 s9, $0x1  }
0x98: {  	s10 =	sadd.s32 $0x2, s10  }
0x99: {  	s10 =	sand.u32 s19, s10  }
0x9a: {  	s10 =	sshll.u32 s10, $0xC  }
0x9b: {  	s10 =	sadd.s32 s5, s10  }
0x9c: {  	s10 =	sshrl.u32 s10, $0x3  }
0x9d: {  	[tilespmem:v1+s0+$0x0] =	vst.idx.add.f32.msk $0xffff, v2;
	s11 =	sadd.s32 s2, s10  }
0x9e: {  	[tilespmem:s14], [sflag:$0x1] =	stream.linear.gather [hbm4b:s11+s14], $0x1000, $0x38;
	[tilespmem:$0x17C00] =	vst v63  }
0x9f: {  	s10 =	sadd.s32 s4, s10  }
0xa0: {  	[tilespmem:s20], [sflag:$0x1] =	stream.linear.gather [hbm4b:s10+s14], $0x1000, $0x38;
	[tilespmem:$0x17C00] =	vst v63  }
0xa1: {  	_ =	swait.ge [sflag:s6], $0x1000  }
0xa2: {  	[sflag:s6] =	ssyncset.done $0x0  }
0xa3: {  	[sflag:s6] =	ssyncadd.s32 $0xFFFFF000  }
0xa4: {  	_ =	swait.ge [sflag:s6], $0x1000  }
0xa5: {  	[sflag:s6] =	ssyncset.done $0x0  }
0xa6: {  	s11 =	simm.s32 $0x0;
	[sflag:s6] =	ssyncadd.s32 $0xFFFFF000  }
0xa7: {  	v2 =	vld [tilespmem:s11+$0x2000]  }
0xa8: {  	v3 =	vld [tilespmem:s11+$0x2020]  }
0xa9: {  	v1 =	vld [tilespmem:s11+$0x3030]  }
0xaa: {  	v4 =	vld [tilespmem:s11+$0x3020]  }
0xab: {  	v5 =	vld [tilespmem:s11+$0x3010]  }
0xac: {  	v6 =	vld [tilespmem:s11+$0x2010]  }
0xad: {  	v7 =	vld [tilespmem:s11+$0x3000]  }
0xae: {  	v8 =	vld [tilespmem:s11+$0x2030]  }
0xaf: {  	v9 =	vld.idx.msk [tilespmem:v2+s24+$0x0], $0xffff  }
0xb0: {  	v10 =	vld.idx.msk [tilespmem:v3+s24+$0x0], $0xffff  }
0xb1: {  	v11 =	vld.idx.msk [tilespmem:v3+s23+$0x0], $0xffff  }
0xb2: {  	v12 =	vld.idx.msk [tilespmem:v2+s21+$0x0], $0xffff  }
0xb3: {  	v13 =	vld.idx.msk [tilespmem:v3+s21+$0x0], $0xffff  }
0xb4: {  	v14 =	vld.idx.msk [tilespmem:v2+s22+$0x0], $0xffff  }
0xb5: {  	v15 =	vld.idx.msk [tilespmem:v2+s23+$0x0], $0xffff  }
0xb6: {  	v16 =	vld.idx.msk [tilespmem:v6+s22+$0x0], $0xffff  }
0xb7: {  	v17 =	vld.idx.msk [tilespmem:v6+s21+$0x0], $0xffff  }
0xb8: {  	v2 =	vld.idx.msk [tilespmem:v8+s24+$0x0], $0xffff  }
0xb9: {  	v3 =	vld.idx.msk [tilespmem:v3+s22+$0x0], $0xffff  }
0xba: {  	v18 =	vld.idx.msk [tilespmem:v6+s24+$0x0], $0xffff  }
0xbb: {  	v19 =	vld.idx.msk [tilespmem:v8+s23+$0x0], $0xffff  }
0xbc: {  	v20 =	vld.idx.msk [tilespmem:v8+s22+$0x0], $0xffff  }
0xbd: {  	v6 =	vld.idx.msk [tilespmem:v6+s23+$0x0], $0xffff  }
0xbe: {  	v8 =	vld.idx.msk [tilespmem:v8+s21+$0x0], $0xffff  }
0xbf: {  	[tilespmem:v7+s30+$0x0] =	vst.idx.add.f32.msk $0xffff, v12  }
0xc0: {  	[tilespmem:v7+s31+$0x0] =	vst.idx.add.f32.msk $0xffff, v14  }
0xc1: {  	[tilespmem:v7+s1+$0x0] =	vst.idx.add.f32.msk $0xffff, v15  }
0xc2: {  	[tilespmem:v7+s0+$0x0] =	vst.idx.add.f32.msk $0xffff, v9  }
0xc3: {  	[tilespmem:v5+s30+$0x0] =	vst.idx.add.f32.msk $0xffff, v17  }
0xc4: {  	[tilespmem:v5+s31+$0x0] =	vst.idx.add.f32.msk $0xffff, v16  }
0xc5: {  	[tilespmem:v5+s1+$0x0] =	vst.idx.add.f32.msk $0xffff, v6  }
0xc6: {  	[tilespmem:v5+s0+$0x0] =	vst.idx.add.f32.msk $0xffff, v18  }
0xc7: {  	[tilespmem:v4+s30+$0x0] =	vst.idx.add.f32.msk $0xffff, v13  }
0xc8: {  	[tilespmem:v4+s31+$0x0] =	vst.idx.add.f32.msk $0xffff, v3  }
0xc9: {  	[tilespmem:v4+s1+$0x0] =	vst.idx.add.f32.msk $0xffff, v11  }
0xca: {  	[tilespmem:v4+s0+$0x0] =	vst.idx.add.f32.msk $0xffff, v10  }
0xcb: {  	[tilespmem:v1+s30+$0x0] =	vst.idx.add.f32.msk $0xffff, v8  }
0xcc: {  	[tilespmem:v1+s31+$0x0] =	vst.idx.add.f32.msk $0xffff, v20  }
0xcd: {  	s10 =	simm.s32 $0x100;
	[tilespmem:v1+s1+$0x0] =	vst.idx.add.f32.msk $0xffff, v19  }
.LBB2_7:
0xce: {  	s11 =	sshra.s32 s10, $0x2;
	p0 =	sne.s32 s10, $0x3F00;
	s10 =	sadd.s32 $0x100, s10;
	[tilespmem:v1+s0+$0x0] =	vst.idx.add.f32.msk $0xffff, v2  }
0xcf: {  	v2 =	vld [tilespmem:s11+$0x2000]  }
0xd0: {  	v3 =	vld [tilespmem:s11+$0x2020]  }
0xd1: {  	v1 =	vld [tilespmem:s11+$0x3030]  }
0xd2: {  	v4 =	vld [tilespmem:s11+$0x3020]  }
0xd3: {  	v5 =	vld [tilespmem:s11+$0x3010]  }
0xd4: {  	v6 =	vld [tilespmem:s11+$0x2010]  }
0xd5: {  	v7 =	vld [tilespmem:s11+$0x3000]  }
0xd6: {  	v8 =	vld [tilespmem:s11+$0x2030]  }
0xd7: {  	v9 =	vld.idx.msk [tilespmem:v2+s24+$0x0], $0xffff  }
0xd8: {  	v10 =	vld.idx.msk [tilespmem:v3+s24+$0x0], $0xffff  }
0xd9: {  	v11 =	vld.idx.msk [tilespmem:v3+s23+$0x0], $0xffff  }
0xda: {  	v12 =	vld.idx.msk [tilespmem:v2+s21+$0x0], $0xffff  }
0xdb: {  	v13 =	vld.idx.msk [tilespmem:v3+s21+$0x0], $0xffff  }
0xdc: {  	v14 =	vld.idx.msk [tilespmem:v2+s22+$0x0], $0xffff  }
0xdd: {  	v15 =	vld.idx.msk [tilespmem:v2+s23+$0x0], $0xffff  }
0xde: {  	v16 =	vld.idx.msk [tilespmem:v6+s22+$0x0], $0xffff  }
0xdf: {  	v17 =	vld.idx.msk [tilespmem:v6+s21+$0x0], $0xffff  }
0xe0: {  	v2 =	vld.idx.msk [tilespmem:v8+s24+$0x0], $0xffff  }
0xe1: {  	v3 =	vld.idx.msk [tilespmem:v3+s22+$0x0], $0xffff  }
0xe2: {  	v18 =	vld.idx.msk [tilespmem:v6+s24+$0x0], $0xffff  }
0xe3: {  	v19 =	vld.idx.msk [tilespmem:v8+s23+$0x0], $0xffff  }
0xe4: {  	v20 =	vld.idx.msk [tilespmem:v8+s22+$0x0], $0xffff  }
0xe5: {  	v6 =	vld.idx.msk [tilespmem:v6+s23+$0x0], $0xffff  }
0xe6: {  	v8 =	vld.idx.msk [tilespmem:v8+s21+$0x0], $0xffff  }
0xe7: {  	[tilespmem:v7+s30+$0x0] =	vst.idx.add.f32.msk $0xffff, v12  }
0xe8: {  	[tilespmem:v7+s31+$0x0] =	vst.idx.add.f32.msk $0xffff, v14  }
0xe9: {  	[tilespmem:v7+s1+$0x0] =	vst.idx.add.f32.msk $0xffff, v15  }
0xea: {  	[tilespmem:v7+s0+$0x0] =	vst.idx.add.f32.msk $0xffff, v9  }
0xeb: {  	[tilespmem:v5+s30+$0x0] =	vst.idx.add.f32.msk $0xffff, v17  }
0xec: {  	[tilespmem:v5+s31+$0x0] =	vst.idx.add.f32.msk $0xffff, v16  }
0xed: {  	[tilespmem:v5+s1+$0x0] =	vst.idx.add.f32.msk $0xffff, v6  }
0xee: {  	[tilespmem:v5+s0+$0x0] =	vst.idx.add.f32.msk $0xffff, v18  }
0xef: {  	[tilespmem:v4+s30+$0x0] =	vst.idx.add.f32.msk $0xffff, v13  }
0xf0: {  	[tilespmem:v4+s31+$0x0] =	vst.idx.add.f32.msk $0xffff, v3  }
.Ltmp2:
0xf1: {  	[tilespmem:v4+s1+$0x0] =	vst.idx.add.f32.msk $0xffff, v11;
	(pc) =	sbr.rel @p0 .LBB2_7-.Ltmp2, $4  }
0xf2: {  	[tilespmem:v4+s0+$0x0] =	vst.idx.add.f32.msk $0xffff, v10  }
0xf3: {  	[tilespmem:v1+s30+$0x0] =	vst.idx.add.f32.msk $0xffff, v8  }
0xf4: {  	[tilespmem:v1+s31+$0x0] =	vst.idx.add.f32.msk $0xffff, v20  }
0xf5: {  	[tilespmem:v1+s1+$0x0] =	vst.idx.add.f32.msk $0xffff, v19  }
0xf6: {  	s9 =	sadd.s32 $0x1, s9  }
0xf7: {  	p0 =	sne.s32 s9, s12  }
.Ltmp3:
0xf8: {  	_ = 	snop;
	(pc) =	sbr.rel @p0 .LBB2_4-.Ltmp3, $2  }
0xf9: {  	_ =	sdelay $0x2  }
0xfa: {  	[tilespmem:v1+s0+$0x0] =	vst.idx.add.f32.msk $0xffff, v2  }
0xfb: {  	_ =	swait.ge [sflag:s29], $0x1000  }
0xfc: {  	[sflag:s29] =	ssyncset.done $0x0  }
0xfd: {  	[sflag:s29] =	ssyncadd.s32 $0xFFFFF000  }
0xfe: {  	_ =	swait.ge [sflag:s29], $0x1000  }
0xff: {  	[sflag:s29] =	ssyncset.done $0x0  }
0x100: {  	s8 =	rddreg [dreg:$0x9];
	[sflag:s29] =	ssyncadd.s32 $0xFFFFF000  }
0x101: {  	[hbm4b:s8+s3] =	stream.linear.scatter [tilespmem:s30], [sflag:$0x3], $0x2780, $0x38;
	[tilespmem:$0x17C00] =	vst v63  }
0x102: {  	_ = 	snop  }
0x103: {  	[hbm4b:s15+s3] =	stream.linear.scatter [tilespmem:s31], [sflag:$0x3], $0x2780, $0x38;
	[tilespmem:$0x17C00] =	vst v63  }
0x104: {  	_ = 	snop  }
0x105: {  	[hbm4b:s16+s3] =	stream.linear.scatter [tilespmem:s1], [sflag:$0x3], $0x2780, $0x38;
	[tilespmem:$0x17C00] =	vst v63  }
0x106: {  	_ = 	snop  }
0x107: {  	[hbm4b:s17+s3] =	stream.linear.scatter [tilespmem:s0], [sflag:$0x3], $0x2780, $0x38;
	[tilespmem:$0x17C00] =	vst v63  }
0x108: {  	_ =	swait.ge [sflag:s25], $0x2780  }
0x109: {  	[sflag:s25] =	ssyncset.done $0x0  }
0x10a: {  	[sflag:s25] =	ssyncadd.s32 $0xFFFFD880  }
0x10b: {  	_ =	swait.ge [sflag:s25], $0x2780  }
0x10c: {  	[sflag:s25] =	ssyncset.done $0x0  }
0x10d: {  	s7 =	sadd.s32 $0x1, s7;
	[sflag:s25] =	ssyncadd.s32 $0xFFFFD880  }
0x10e: {  	p0 =	sne.s32 s7, s18;
	_ =	swait.ge [sflag:s25], $0x2780  }
.Ltmp4:
0x10f: {  	[sflag:s25] =	ssyncset.done $0x0;
	(pc) =	sbr.rel @p0 .LBB2_1-.Ltmp4, $4  }
0x110: {  	[sflag:s25] =	ssyncadd.s32 $0xFFFFD880  }
0x111: {  	_ =	swait.ge [sflag:s25], $0x2780  }
0x112: {  	[sflag:s25] =	ssyncset.done $0x0  }
0x113: {  	[sflag:s25] =	ssyncadd.s32 $0xFFFFD880  }
0x114: {  	_ =	sfence.sel $0x180000  }
0x115: {  	[bflag:$0x0] =	sbarrier.arrive $0xFFFF  }
0x116: {  	_ =	strace $0x9000004A  }
0x117: {  	s0 =	stileid.u32;
	[bflag:$0x2] =	sbarrier.arrive $0xFFFF  }
0x118: {  	p0 =	sne.s32 s0, $0x0;
	s0 =	rddreg [dreg:$0x2]  }
0x119: {  	s0 =	sadd.s32 @!p0 $0x100000, s0  }
0x11a: {  	[sflag:s0] =	ssyncadd.tile.s32 @!p0 $0x1;
	_ =	shalt  }
.Lfunc_end2:
_tile_overlayer_lowered:
.L_overlay_start_2:
0x11b: {  	(tag) =	ssettag $0x2  }
0x11c: {  	s0 =	rddreg [dreg:$0x0];
	s2 =	stileid.u32  }
0x11d: {  	s1 =	rddreg [dreg:$0x1];
	p0 =	sne.s32 s2, $0x0  }
0x11e: {  	s3 =	rddreg [dreg:$0x2];
	[bflag:$0x3] =	sbarrier.arrive $0xFFFF;
	s2 =	simm.s32 @!p0 $0x1C04  }
0x11f: {  	[timem:s3], [sflag:s2] =	dma.local @!p0 [hbm:s0], s1  }
0x120: {  	s0 =	simm.s32 @!p0 $0x4  }
0x121: {  	_ =	swait.ge @!p0 [sflag:s0], s1  }
0x122: {  	s1 =	ssub.s32 @!p0 $0x0, s1;
	[sflag:s0] =	ssyncset.done @!p0 $0x0  }
0x123: {  	[sflag:s0] =	ssyncadd.s32 @!p0 s1  }
0x124: {  	[bflag:$0x3] =	sbarrier.arrive $0xFFFF  }
0x125: {  	_ =	shalt  }

// kernel: kernel.15.cloned.1.call-start
scs
__scs_entry_jumppad:
0x0: {  	(pc) =	sbr.rel $0x88, $3  }
0x1: {  	(tag) =	ssettag $0x0;
	lr =	simm.s32 $0x1  }
0x2: {  	[smem:$0x3F9B] =	sst lr;
	_ =	strace $0xD0000000  }
0x3: {  	_ = 	snop  }
0x4: {  	_ = 	snop  }
0x5: {  	_ = 	snop  }
0x6: {  	_ = 	snop  }
0x7: {  	_ = 	snop  }
__scs_overlays_trampoline_lowered:
0x8: {  	[smem:$0x3FAA] =	sst s0  }
0x9: {  	[smem:$0x3FAB] =	sst s1  }
0xa: {  	[smem:$0x3FAC] =	sst s2  }
0xb: {  	[smem:$0x3FAD] =	sst s3  }
0xc: {  	[smem:$0x3FAE] =	sst s4  }
0xd: {  	[smem:$0x3FAF] =	sst s5  }
0xe: {  	[smem:$0x3FB0] =	sst s6  }
0xf: {  	[smem:$0x3FB1] =	sst s7  }
0x10: {  	[smem:$0x3FB2] =	sst s8  }
0x11: {  	[smem:$0x3FB3] =	sst s9;
	s0 =	simm.s32 @!p0 $0x0  }
0x12: {  	s1 =	sld [smem:$0x3F99];
	s0 =	simm.s32 @p0 $0x1  }
0x13: {  	[smem:$0x3FB4] =	sst s0;
	s0 =	simm.s32 @!p1 $0x0  }
0x14: {  	s2 =	sld [smem:$0x3F98];
	s0 =	simm.s32 @p1 $0x1  }
0x15: {  	[smem:$0x3FB5] =	sst s0;
	s0 =	simm.s32 @!p2 $0x0  }
0x16: {  	s3 =	sld [smem:$0x3FDB];
	s0 =	simm.s32 @p2 $0x1  }
0x17: {  	s4 =	simm.s32 $0x1BF5;
	[smem:$0x3FB7] =	sst s0  }
0x18: {  	s0 =	sld [smem:$0x3F9A];
	_ =	swait.ge [sflag:s4], $0x0  }
0x19: {  	s7 =	sld [smem:$0x3F9B]  }
0x1a: {  	s8 =	sadd.s32 $0xFFFFE003, lr  }
0x1b: {  	s9 =	sadd.s32 $0xFFFFFEF7, lr;
	s5 =	simm.s32 $0xFFFFFFFF;
	p2 =	slt.u32 s8, $0xFFFFF086  }
0x1c: {  	p1 =	slt.u32 s9, $0xF7A;
	s5 =	simm.s32 @!p2 $0x0  }
0x1d: {  	s5 =	simm.s32 @p1 $0x1;
	p0 =	seq.s32 s7, s2  }
0x1e: {  	s7 =	smul.u32 @!p0 $0xF7A, s2;
	p2 =	seq.s32 @!p0 s5, $0x0  }
0x1f: {  	s9 =	smul.u32 $0xF7A, s1;
	s8 =	simm.s32 @!p0 $0x1BF5;
	p2 =	por !p2, p0  }
0x20: {  	[sflag:s8] =	ssyncset.s32 @!p0 $0xFFFFF086;
	s6 =	sadd.s32 @!p0 s3, s7;
	s7 =	simm.s32 @!p0 $0x108  }
0x21: {  	s3 =	sadd.s32 s3, s9;
	s6 =	sadd.s32 @!p0 $0x88, s6;
	s7 =	simm.s32 @p2 $0x1082  }
0x22: {  	[simem:s7], [sflag:s8] =	dma.local @!p0 [hbm:s6], $0xF7A  }
0x23: {  	s9 =	sor.u32 $0xD0000000, s2;
	s6 =	simm.s32 $0x108;
	_ =	swait.ge @!p0 [sflag:s8], $0x0  }
0x24: {  	s3 =	sadd.s32 $0x88, s3;
	s6 =	simm.s32 @!p1 $0x1082;
	[sflag:s4] =	ssyncset.s32 $0xFFFFF086  }
0x25: {  	[simem:s6], [sflag:s4] =	dma.local [hbm:s3], $0xF7A  }
0x26: {  	[smem:$0x3F9B] =	sst s1;
	(tag) =	ssettag s2;
	_ =	strace s9  }
0x27: {  	s1 =	sld [smem:$0x3FAB]  }
0x28: {  	s2 =	sld [smem:$0x3FAC]  }
0x29: {  	s4 =	sld [smem:$0x3FAE]  }
0x2a: {  	p0 =	seq.s32 s5, $0x0;
	s5 =	sld [smem:$0x3FAF]  }
0x2b: {  	s6 =	sld [smem:$0x3FB0]  }
0x2c: {  	s7 =	sld [smem:$0x3FB1]  }
0x2d: {  	s3 =	simm.s32 $0x108;
	s8 =	sld [smem:$0x3FB2]  }
0x2e: {  	s3 =	simm.s32 @!p0 $0x1082;
	s9 =	sld [smem:$0x3FB3]  }
0x2f: {  	lr =	sadd.s32 s0, s3;
	s0 =	sld [smem:$0x3FAA]  }
0x30: {  	s3 =	sld [smem:$0x3FAD]  }
0x31: {  	[smem:$0x3FB6] =	sst s10  }
0x32: {  	s10 =	sld [smem:$0x3FB4];
	_ =	sdelay $0x3  }
0x33: {  	p0 =	seq.s32 s10, $0x1;
	s10 =	sld [smem:$0x3FB6];
	_ =	sdelay $0x3  }
0x34: {  	[smem:$0x3FB6] =	sst s10  }
0x35: {  	s10 =	sld [smem:$0x3FB5];
	_ =	sdelay $0x3  }
0x36: {  	p1 =	seq.s32 s10, $0x1;
	s10 =	sld [smem:$0x3FB6];
	_ =	sdelay $0x3  }
0x37: {  	[smem:$0x3FB6] =	sst s10  }
0x38: {  	s10 =	sld [smem:$0x3FB7]  }
0x39: {  	_ = 	snop;
	(pc) =	sbr.ind lr, $3  }
0x3a: {  	_ = 	snop  }
0x3b: {  	_ = 	snop  }
0x3c: {  	p2 =	seq.s32 s10, $0x1;
	s10 =	sld [smem:$0x3FB6]  }
0x3d: {  	_ =	shalt  }
0x3e: {  	_ =	shalt  }
0x3f: {  	_ =	shalt  }
0x40: {  	_ =	shalt  }
0x41: {  	_ =	shalt  }
0x42: {  	_ =	shalt  }
0x43: {  	_ =	shalt  }
0x44: {  	_ =	shalt  }
0x45: {  	_ =	shalt  }
0x46: {  	_ =	shalt  }
0x47: {  	_ =	shalt  }
0x48: {  	_ =	shalt  }
0x49: {  	_ =	shalt  }
0x4a: {  	_ =	shalt  }
0x4b: {  	_ =	shalt  }
0x4c: {  	_ =	shalt  }
0x4d: {  	_ =	shalt  }
0x4e: {  	_ =	shalt  }
0x4f: {  	_ =	shalt  }
0x50: {  	_ =	shalt  }
0x51: {  	_ =	shalt  }
0x52: {  	_ =	shalt  }
0x53: {  	_ =	shalt  }
0x54: {  	_ =	shalt  }
0x55: {  	_ =	shalt  }
0x56: {  	_ =	shalt  }
0x57: {  	_ =	shalt  }
0x58: {  	_ =	shalt  }
0x59: {  	_ =	shalt  }
0x5a: {  	_ =	shalt  }
0x5b: {  	_ =	shalt  }
0x5c: {  	_ =	shalt  }
0x5d: {  	_ =	shalt  }
0x5e: {  	_ =	shalt  }
0x5f: {  	_ =	shalt  }
0x60: {  	_ =	shalt  }
0x61: {  	_ =	shalt  }
0x62: {  	_ =	shalt  }
0x63: {  	_ =	shalt  }
0x64: {  	_ =	shalt  }
0x65: {  	_ =	shalt  }
0x66: {  	_ =	shalt  }
0x67: {  	_ =	shalt  }
0x68: {  	_ =	shalt  }
0x69: {  	_ =	shalt  }
0x6a: {  	_ =	shalt  }
0x6b: {  	_ =	shalt  }
0x6c: {  	_ =	shalt  }
0x6d: {  	_ =	shalt  }
0x6e: {  	_ =	shalt  }
0x6f: {  	_ =	shalt  }
0x70: {  	_ =	shalt  }
0x71: {  	_ =	shalt  }
0x72: {  	_ =	shalt  }
0x73: {  	_ =	shalt  }
0x74: {  	_ =	shalt  }
0x75: {  	_ =	shalt  }
0x76: {  	_ =	shalt  }
0x77: {  	_ =	shalt  }
0x78: {  	_ =	shalt  }
0x79: {  	_ =	shalt  }
0x7a: {  	_ =	shalt  }
0x7b: {  	_ =	shalt  }
0x7c: {  	_ =	shalt  }
0x7d: {  	_ =	shalt  }
0x7e: {  	_ =	shalt  }
0x7f: {  	_ =	shalt  }
0x80: {  	_ =	shalt  }
0x81: {  	_ =	shalt  }
0x82: {  	_ =	shalt  }
0x83: {  	_ =	shalt  }
0x84: {  	_ =	shalt  }
0x85: {  	_ =	shalt  }
0x86: {  	_ =	shalt  }
0x87: {  	_ =	shalt  }
.Lfunc_end0:
.L_simem_size_0:
called_computation.2_lowered:
.L_overlay_start_0:
0x88: {  	s2 =	sld [smem:$0x3FD9]  }
0x89: {  	s3 =	sld [smem:$0x3FFE];
	_ =	sdelay $0x1  }
0x8a: {  	s1 =	srdreg.scid  }
0x8b: {  	s0 =	sand.u32 $0x1, s1  }
0x8c: {  	s17 =	sshll.u32 s0, $0xA;
	s2 =	sadd.s32 s3, s2  }
0x8d: {  	s2 =	sadd.s32 s2, s17  }
0x8e: {  	[smem:$0x3FC2] =	sst s2  }
0x8f: {  	_ = 	snop  }
0x90: {  	s2 =	sld [smem:$0x3FD0];
	(tm) =	ssettm $0x1  }
0x91: {  	s18 =	sld [smem:$0x3FFB];
	_ =	sdelay $0x3  }
0x92: {  	_ =	strace s18  }
0x93: {  	s3 =	sld [smem:$0x3FFC];
	_ =	sdelay $0x3  }
0x94: {  	_ =	strace s3  }
0x95: {  	s3 =	sld [smem:$0x3FFD];
	_ =	sdelay $0x3  }
0x96: {  	_ =	strace s3  }
0x97: {  	_ =	strace $0x8FFFFFFF  }
0x98: {  	s19 =	sld [smem:$0x3FDB];
	_ =	sdelay $0x1  }
0x99: {  	s4 =	simm.s32 $_scs_section_size  }
0x9a: {  	s5 =	simm.s32 $_size__tile_overlayer_lowered;
	s6 =	simm.s32 $_tile_overlayer_lowered  }
0x9b: {  	s22 =	simm.s32 $0x1BFF;
	s21 =	sshll.u32 s6, $0x1;
	s3 =	sadd.s32 s4, s19  }
0x9c: {  	s7 =	simm.s32 $0x0;
	s20 =	sshll.u32 s5, $0x1;
	s5 =	sadd.s32 s21, s3  }
0x9d: {  	[timem:s7], [sflag:s22] =	dma.local [hbm:s5], s20  }
0x9e: {  	_ =	swait.ge [sflag:s22], s20  }
0x9f: {  	s4 =	ssub.s32 $0x0, s20;
	[sflag:s22] =	ssyncset.done $0x0  }
0xa0: {  	[sflag:s22] =	ssyncadd.s32 s4;
	_ =	sdelay $0x1  }
0xa1: {  	s23 =	simm.s32 $0x1B8B  }
0xa2: {  	_ =	swait.ge [sflag:s23], $0x1  }
0xa3: {  	[sflag:s23] =	ssyncset.done $0x0  }
0xa4: {  	s25 =	simm.s32 $0x1B8E;
	s24 =	sld [smem:$0x3FFE];
	[sflag:s23] =	ssyncadd.s32 $0xFFFFFFFF  }
0xa5: {  	s26 =	simm.s32 $execute0_lowered;
	[smem:$0x3FD2] =	sst s25  }
0xa6: {  	s5 =	sshll.u32 s26, $0x1;
	_ =	strace $0x8000004C;
	[dreg:$0x1] =	wrdreg $0xFFFFFFFF  }
0xa7: {  	s28 =	simm.s32 $_size_execute0_lowered;
	s3 =	sadd.s32 s3, s5;
	[dreg:$0x0] =	wrdreg $0x0  }
0xa8: {  	s5 =	sshll.u32 s28, $0x1;
	[dreg:$0x2] =	wrdreg s3  }
0xa9: {  	[dreg:$0x3] =	wrdreg s5  }
0xaa: {  	[dreg:$0x4] =	wrdreg $0xC0  }
0xab: {  	_ =	task [dreg:s7], $0x5FFFF  }
0xac: {  	[dreg:$0x1] =	wrdreg $0xFFFFFFFF  }
0xad: {  	[dreg:$0x0] =	wrdreg $0x60  }
0xae: {  	[dreg:$0x2] =	wrdreg s24  }
0xaf: {  	[dreg:$0x3] =	wrdreg s2  }
0xb0: {  	[dreg:$0x4] =	wrdreg $0x9  }
0xb1: {  	_ =	task.clear_ibuf [dreg:s7], $0x5FFFF;
	_ =	strace $0x9000004C  }
0xb2: {  	s29 =	simm.s32 $0x9;
	_ =	strace $0x8000004E  }
0xb3: {  	_ =	swait.ge [sflag:s29], $0x1  }
0xb4: {  	[sflag:s29] =	ssyncadd.s32 $0xFFFFFFFF  }
0xb5: {  	_ =	strace $0x9000004E  }
0xb6: {  	_ =	sfence  }
0xb7: {  	s30 =	sld [smem:$0x0];
	_ =	sdelay $0x2  }
0xb8: {  	s31 =	sshll.u32 s1, $0xD;
	s1 =	sshrl.u32 s1, $0x2  }
0xb9: {  	s3 =	sand.u32 $0x4000, s31;
	s1 =	sadd.s32 s1, s30  }
0xba: {  	s0 =	sor.u32 s3, s0;
	s1 =	sshll.u32 s1, $0x11  }
0xbb: {  	s0 =	sor.u32 s1, s0  }
0xbc: {  	s0 =	sadd.s32 $0x8F2B, s0  }
0xbd: {  	[sflag:s0] =	ssyncadd.remote.s32 $0x1  }
0xbe: {  	_ =	sfence.sel $0xFFFF  }
0xbf: {  	[dreg:$0x0] =	wrdreg $0xFFFFFFFF;
	(pc) =	sbr.abs _section_cstart, $3  }
0xc0: {  	[dreg:$0x1] =	wrdreg $0xFFFFFFFF  }
0xc1: {  	_ =	task.clear_ibuf [dreg:s7], $0x2FFFF;
	_ =	strace $0x9FFFFFFF  }
0xc2: {  	(tm) =	ssettm $0x7FFFFFFF  }
0xc3: {  	_ =	shalt  }
tec
execute0_lowered:
.L_overlay_start_1:
0x0: {  	(tag) =	ssettag $0x1  }
0x1: {  	s0 =	srdreg.scid  }
0x2: {  	s2 =	stileid.u32;
	s1 =	rddreg [dreg:$0x0]  }
0x3: {  	s28 =	simm.s32 $0x3000;
	s29 =	simm.s32 $0x1;
	s30 =	simm.s32 $0xDE00  }
0x4: {  	s31 =	simm.s32 $0x10580;
	s14 =	simm.s32 $0x0;
	s0 =	sand.u32 $0x1, s0  }
0x5: {  	s5 =	sshrl.u32 s2, $0x2;
	s6 =	sand.u32 $0x3, s2;
	s2 =	rddreg [dreg:$0x1]  }
0x6: {  	s17 =	sadd.s32 $0xC000, s1;
	s3 =	sshll.u32 s0, $0x6;
	s4 =	sshll.u32 s5, $0x4  }
0x7: {  	s7 =	sshll.u32 s6, $0x2;
	s9 =	ssub.s32 $0x2, s0;
	p0 =	seq.s32 s0, $0x0  }
0x8: {  	s0 =	simm.s32 $0x10;
	s10 =	sshll.u32 s5, $0xE;
	s19 =	smul.u32 $0x9E00, s6  }
0x9: {  	s11 =	sshll.u32 s5, $0x10;
	s6 =	smul.u32 $0x13C0, s6;
	s4 =	sor.u32 s3, s4  }
0xa: {  	s3 =	simm.s32 $0x0;
	s18 =	sshrl.u32 s9, $0x1;
	s5 =	sor.u32 $0x40000, s10  }
0xb: {  	s0 =	simm.s32 @!p0 $0x4;
	s4 =	sor.u32 s7, s4;
	[smem:$0x7FF] =	sst s3  }
0xc: {  	s5 =	smov.u32 @p0 s11;
	s10 =	sshrl.u32 s19, $0x3;
	s6 =	sadd.s32 s17, s6  }
0xd: {  	s12 =	sshrl.u32 s0, $0x1;
	s19 =	sadd.s32 $0xFFFFFFFF, s0;
	s0 =	simm.s32 $0x15480  }
0xe: {  	s7 =	simm.s32 $0x0;
	s4 =	smul.u32 $0x2780, s4;
	_ =	strace $0x8000004D  }
0xf: {  	s20 =	sshrl.u32 s5, $0x3;
	s22 =	sadd.s32 s17, s10;
	[dreg:$0x5] =	wrdreg s6  }
0x10: {  	s13 =	sor.u32 $0x1000, s5;
	s6 =	simm.s32 $0x2;
	s21 =	sadd.s32 s2, s20  }
0x11: {  	s23 =	sadd.s32 $0x4F0, s22;
	s24 =	sadd.s32 $0x9E0, s22;
	[dreg:$0x3] =	wrdreg s21  }
0x12: {  	s25 =	sadd.s32 $0xED0, s22;
	s22 =	simm.s32 $0x6780;
	[dreg:$0x6] =	wrdreg s23  }
0x13: {  	s8 =	sshrl.u32 s4, $0x3;
	s4 =	sadd.s32 $0x2000, s1;
	[dreg:$0x7] =	wrdreg s24  }
0x14: {  	[dreg:$0x8] =	wrdreg s25;
	s21 =	simm.s32 $0x4000;
	s23 =	simm.s32 $0x8F00  }
0x15: {  	s24 =	simm.s32 $0xB680;
	s25 =	simm.s32 $0x3;
	s1 =	sadd.s32 s8, s1  }
0x16: {  	s8 =	ssub.s32 s9, s18;
	s9 =	sadd.s32 s4, s20;
	s20 =	simm.s32 $0x1000  }
0x17: {  	[dreg:$0x4] =	wrdreg s9;
	s26 =	sadd.s32 $0x11000, s1;
	s15 =	sadd.s32 $0x114F0, s1  }
0x18: {  	s16 =	sadd.s32 $0x119E0, s1;
	s17 =	sadd.s32 $0x11ED0, s1;
	s18 =	smax.u32 s8, $0x1  }
0x19: {  	v0 =	vimm.f32 $0.0e+00;
	s1 =	simm.s32 $0x12D00;
	[dreg:$0x9] =	wrdreg s26;
	s26 =	simm.s32 $0x2000  }
.LBB2_1:
0x1a: {  	s8 =	rddreg [dreg:$0x3]  }
0x1b: {  	[tilespmem:s3], [sflag:$0x1] =	stream.linear.gather [hbm4b:s8+s3], $0x1000, $0x38;
	[tilespmem:$0x17C00] =	vst v63  }
0x1c: {  	s10 =	rddreg [dreg:$0x4]  }
0x1d: {  	[tilespmem:s20], [sflag:$0x1] =	stream.linear.gather [hbm4b:s10+s3], $0x1000, $0x38;
	[tilespmem:$0x17C00] =	vst v63  }
0x1e: {  	s11 =	rddreg [dreg:$0x5]  }
0x1f: {  	[tilespmem:s21], [sflag:$0x3] =	stream.linear.gather [hbm4b:s11+s3], $0x2780, $0x38;
	[tilespmem:$0x17C00] =	vst v63  }
0x20: {  	s9 =	rddreg [dreg:$0x6]  }
0x21: {  	[tilespmem:s22], [sflag:$0x3] =	stream.linear.gather [hbm4b:s9+s3], $0x2780, $0x38;
	[tilespmem:$0x17C00] =	vst v63  }
0x22: {  	s10 =	rddreg [dreg:$0x7]  }
0x23: {  	[tilespmem:s23], [sflag:$0x3] =	stream.linear.gather [hbm4b:s10+s3], $0x2780, $0x38;
	[tilespmem:$0x17C00] =	vst v63  }
0x24: {  	s8 =	simm.s32 $0x0;
	s11 =	rddreg [dreg:$0x8];
	s9 =	simm.s32 $0x40  }
0x25: {  	[tilespmem:s24], [sflag:$0x3] =	stream.linear.gather [hbm4b:s11+s3], $0x2780, $0x38;
	[tilespmem:$0x17C00] =	vst v63  }
.LBB2_2:
0x26: {  	p0 =	sne.s32 s9, $0x9DC0;
	[tilespmem:s8+$0x15480] =	vst v0;
	s10 =	smov.u32 s9;
	s9 =	sadd.s32 $0x40, s9  }
.Ltmp0:
0x27: {  	[tilespmem:s8+$0x12D00] =	vst v0;
	(pc) =	sbr.rel @p0 .LBB2_2-.Ltmp0, $3  }
0x28: {  	[tilespmem:s8+$0xDE00] =	vst v0  }
0x29: {  	[tilespmem:s8+$0x10580] =	vst v0;
	_ =	sdelay $0x1  }
0x2a: {  	s8 =	sshra.s32 s10, $0x2  }
0x2b: {  	[tilespmem:s8+$0x15480] =	vst v0  }
0x2c: {  	[tilespmem:s8+$0x12D00] =	vst v0  }
0x2d: {  	[tilespmem:s8+$0xDE00] =	vst v0  }
0x2e: {  	[tilespmem:s8+$0x10580] =	vst v0  }
0x2f: {  	_ =	swait.ge [sflag:s25], $0x2780  }
0x30: {  	[sflag:s25] =	ssyncset.done $0x0  }
0x31: {  	[sflag:s25] =	ssyncadd.s32 $0xFFFFD880  }
0x32: {  	_ =	swait.ge [sflag:s25], $0x2780  }
0x33: {  	[sflag:s25] =	ssyncset.done $0x0  }
0x34: {  	[sflag:s25] =	ssyncadd.s32 $0xFFFFD880  }
0x35: {  	_ =	swait.ge [sflag:s25], $0x2780  }
0x36: {  	[sflag:s25] =	ssyncset.done $0x0  }
0x37: {  	[sflag:s25] =	ssyncadd.s32 $0xFFFFD880  }
0x38: {  	_ =	swait.ge [sflag:s25], $0x2780  }
0x39: {  	[sflag:s25] =	ssyncset.done $0x0  }
0x3a: {  	s8 =	simm.s32 $0x0;
	s9 =	simm.s32 $0x0;
	[sflag:s25] =	ssyncadd.s32 $0xFFFFD880  }
.LBB2_4:
0x3b: {  	s10 =	sshll.u32 s9, $0xD  }
0x3c: {  	s10 =	sadd.s32 s10, s13  }
0x3d: {  	s10 =	sshrl.u32 s10, $0x3  }
0x3e: {  	s11 =	sadd.s32 s2, s10  }
0x3f: {  	[tilespmem:s26], [sflag:$0x2] =	stream.linear.gather [hbm4b:s11+s8], $0x1000, $0x38;
	[tilespmem:$0x17C00] =	vst v63  }
0x40: {  	s10 =	sadd.s32 s4, s10  }
0x41: {  	[tilespmem:s28], [sflag:$0x2] =	stream.linear.gather [hbm4b:s10+s8], $0x1000, $0x38;
	[tilespmem:$0x17C00] =	vst v63  }
0x42: {  	_ =	swait.ge [sflag:s29], $0x1000  }
0x43: {  	[sflag:s29] =	ssyncset.done $0x0  }
0x44: {  	[sflag:s29] =	ssyncadd.s32 $0xFFFFF000  }
0x45: {  	_ =	swait.ge [sflag:s29], $0x1000  }
0x46: {  	[sflag:s29] =	ssyncset.done $0x0  }
0x47: {  	s11 =	simm.s32 $0x0;
	[sflag:s29] =	ssyncadd.s32 $0xFFFFF000  }
0x48: {  	v2 =	vld [tilespmem:s11+$0x0]  }
0x49: {  	v3 =	vld [tilespmem:s11+$0x20]  }
0x4a: {  	v1 =	vld [tilespmem:s11+$0x1030]  }
0x4b: {  	v4 =	vld [tilespmem:s11+$0x1020]  }
0x4c: {  	v5 =	vld [tilespmem:s11+$0x1010]  }
0x4d: {  	v6 =	vld [tilespmem:s11+$0x10]  }
0x4e: {  	v7 =	vld [tilespmem:s11+$0x1000]  }
0x4f: {  	v8 =	vld [tilespmem:s11+$0x30]  }
0x50: {  	v9 =	vld.idx.msk [tilespmem:v2+s24+$0x0], $0xffff  }
0x51: {  	v10 =	vld.idx.msk [tilespmem:v3+s24+$0x0], $0xffff  }
0x52: {  	v11 =	vld.idx.msk [tilespmem:v3+s23+$0x0], $0xffff  }
0x53: {  	v12 =	vld.idx.msk [tilespmem:v2+s21+$0x0], $0xffff  }
0x54: {  	v13 =	vld.idx.msk [tilespmem:v3+s21+$0x0], $0xffff  }
0x55: {  	v14 =	vld.idx.msk [tilespmem:v2+s22+$0x0], $0xffff  }
0x56: {  	v15 =	vld.idx.msk [tilespmem:v2+s23+$0x0], $0xffff  }
0x57: {  	v16 =	vld.idx.msk [tilespmem:v6+s22+$0x0], $0xffff  }
0x58: {  	v17 =	vld.idx.msk [tilespmem:v6+s21+$0x0], $0xffff  }
0x59: {  	v2 =	vld.idx.msk [tilespmem:v8+s24+$0x0], $0xffff  }
0x5a: {  	v3 =	vld.idx.msk [tilespmem:v3+s22+$0x0], $0xffff  }
0x5b: {  	v18 =	vld.idx.msk [tilespmem:v6+s24+$0x0], $0xffff  }
0x5c: {  	v19 =	vld.idx.msk [tilespmem:v8+s23+$0x0], $0xffff  }
0x5d: {  	v20 =	vld.idx.msk [tilespmem:v8+s22+$0x0], $0xffff  }
0x5e: {  	v6 =	vld.idx.msk [tilespmem:v6+s23+$0x0], $0xffff  }
0x5f: {  	v8 =	vld.idx.msk [tilespmem:v8+s21+$0x0], $0xffff  }
0x60: {  	[tilespmem:v7+s30+$0x0] =	vst.idx.add.f32.msk $0xffff, v12  }
0x61: {  	[tilespmem:v7+s31+$0x0] =	vst.idx.add.f32.msk $0xffff, v14  }
0x62: {  	[tilespmem:v7+s1+$0x0] =	vst.idx.add.f32.msk $0xffff, v15  }
0x63: {  	[tilespmem:v7+s0+$0x0] =	vst.idx.add.f32.msk $0xffff, v9  }
0x64: {  	[tilespmem:v5+s30+$0x0] =	vst.idx.add.f32.msk $0xffff, v17  }
0x65: {  	[tilespmem:v5+s31+$0x0] =	vst.idx.add.f32.msk $0xffff, v16  }
0x66: {  	[tilespmem:v5+s1+$0x0] =	vst.idx.add.f32.msk $0xffff, v6  }
0x67: {  	[tilespmem:v5+s0+$0x0] =	vst.idx.add.f32.msk $0xffff, v18  }
0x68: {  	[tilespmem:v4+s30+$0x0] =	vst.idx.add.f32.msk $0xffff, v13  }
0x69: {  	[tilespmem:v4+s31+$0x0] =	vst.idx.add.f32.msk $0xffff, v3  }
0x6a: {  	[tilespmem:v4+s1+$0x0] =	vst.idx.add.f32.msk $0xffff, v11  }
0x6b: {  	[tilespmem:v4+s0+$0x0] =	vst.idx.add.f32.msk $0xffff, v10  }
0x6c: {  	[tilespmem:v1+s30+$0x0] =	vst.idx.add.f32.msk $0xffff, v8  }
0x6d: {  	[tilespmem:v1+s31+$0x0] =	vst.idx.add.f32.msk $0xffff, v20  }
0x6e: {  	s10 =	simm.s32 $0x100;
	[tilespmem:v1+s1+$0x0] =	vst.idx.add.f32.msk $0xffff, v19  }
.LBB2_5:
0x6f: {  	s11 =	sshra.s32 s10, $0x2;
	p0 =	sne.s32 s10, $0x3F00;
	s10 =	sadd.s32 $0x100, s10;
	[tilespmem:v1+s0+$0x0] =	vst.idx.add.f32.msk $0xffff, v2  }
0x70: {  	v2 =	vld [tilespmem:s11+$0x0]  }
0x71: {  	v3 =	vld [tilespmem:s11+$0x20]  }
0x72: {  	v1 =	vld [tilespmem:s11+$0x1030]  }
0x73: {  	v4 =	vld [tilespmem:s11+$0x1020]  }
0x74: {  	v5 =	vld [tilespmem:s11+$0x1010]  }
0x75: {  	v6 =	vld [tilespmem:s11+$0x10]  }
0x76: {  	v7 =	vld [tilespmem:s11+$0x1000]  }
0x77: {  	v8 =	vld [tilespmem:s11+$0x30]  }
0x78: {  	v9 =	vld.idx.msk [tilespmem:v2+s24+$0x0], $0xffff  }
0x79: {  	v10 =	vld.idx.msk [tilespmem:v3+s24+$0x0], $0xffff  }
0x7a: {  	v11 =	vld.idx.msk [tilespmem:v3+s23+$0x0], $0xffff  }
0x7b: {  	v12 =	vld.idx.msk [tilespmem:v2+s21+$0x0], $0xffff  }
0x7c: {  	v13 =	vld.idx.msk [tilespmem:v3+s21+$0x0], $0xffff  }
0x7d: {  	v14 =	vld.idx.msk [tilespmem:v2+s22+$0x0], $0xffff  }
0x7e: {  	v15 =	vld.idx.msk [tilespmem:v2+s23+$0x0], $0xffff  }
0x7f: {  	v16 =	vld.idx.msk [tilespmem:v6+s22+$0x0], $0xffff  }
0x80: {  	v17 =	vld.idx.msk [tilespmem:v6+s21+$0x0], $0xffff  }
0x81: {  	v2 =	vld.idx.msk [tilespmem:v8+s24+$0x0], $0xffff  }
0x82: {  	v3 =	vld.idx.msk [tilespmem:v3+s22+$0x0], $0xffff  }
0x83: {  	v18 =	vld.idx.msk [tilespmem:v6+s24+$0x0], $0xffff  }
0x84: {  	v19 =	vld.idx.msk [tilespmem:v8+s23+$0x0], $0xffff  }
0x85: {  	v20 =	vld.idx.msk [tilespmem:v8+s22+$0x0], $0xffff  }
0x86: {  	v6 =	vld.idx.msk [tilespmem:v6+s23+$0x0], $0xffff  }
0x87: {  	v8 =	vld.idx.msk [tilespmem:v8+s21+$0x0], $0xffff  }
0x88: {  	[tilespmem:v7+s30+$0x0] =	vst.idx.add.f32.msk $0xffff, v12  }
0x89: {  	[tilespmem:v7+s31+$0x0] =	vst.idx.add.f32.msk $0xffff, v14  }
0x8a: {  	[tilespmem:v7+s1+$0x0] =	vst.idx.add.f32.msk $0xffff, v15  }
0x8b: {  	[tilespmem:v7+s0+$0x0] =	vst.idx.add.f32.msk $0xffff, v9  }
0x8c: {  	[tilespmem:v5+s30+$0x0] =	vst.idx.add.f32.msk $0xffff, v17  }
0x8d: {  	[tilespmem:v5+s31+$0x0] =	vst.idx.add.f32.msk $0xffff, v16  }
0x8e: {  	[tilespmem:v5+s1+$0x0] =	vst.idx.add.f32.msk $0xffff, v6  }
0x8f: {  	[tilespmem:v5+s0+$0x0] =	vst.idx.add.f32.msk $0xffff, v18  }
0x90: {  	[tilespmem:v4+s30+$0x0] =	vst.idx.add.f32.msk $0xffff, v13  }
0x91: {  	[tilespmem:v4+s31+$0x0] =	vst.idx.add.f32.msk $0xffff, v3  }
.Ltmp1:
0x92: {  	[tilespmem:v4+s1+$0x0] =	vst.idx.add.f32.msk $0xffff, v11;
	(pc) =	sbr.rel @p0 .LBB2_5-.Ltmp1, $4  }
0x93: {  	[tilespmem:v4+s0+$0x0] =	vst.idx.add.f32.msk $0xffff, v10  }
0x94: {  	[tilespmem:v1+s30+$0x0] =	vst.idx.add.f32.msk $0xffff, v8  }
0x95: {  	[tilespmem:v1+s31+$0x0] =	vst.idx.add.f32.msk $0xffff, v20  }
0x96: {  	[tilespmem:v1+s1+$0x0] =	vst.idx.add.f32.msk $0xffff, v19  }
0x97: {  	s10 =	sshll.u32 s9, $0x1  }
0x98: {  	s10 =	sadd.s32 $0x2, s10  }
0x99: {  	s10 =	sand.u32 s19, s10  }
0x9a: {  	s10 =	sshll.u32 s10, $0xC  }
0x9b: {  	s10 =	sadd.s32 s5, s10  }
0x9c: {  	s10 =	sshrl.u32 s10, $0x3  }
0x9d: {  	[tilespmem:v1+s0+$0x0] =	vst.idx.add.f32.msk $0xffff, v2;
	s11 =	sadd.s32 s2, s10  }
0x9e: {  	[tilespmem:s14], [sflag:$0x1] =	stream.linear.gather [hbm4b:s11+s14], $0x1000, $0x38;
	[tilespmem:$0x17C00] =	vst v63  }
0x9f: {  	s10 =	sadd.s32 s4, s10  }
0xa0: {  	[tilespmem:s20], [sflag:$0x1] =	stream.linear.gather [hbm4b:s10+s14], $0x1000, $0x38;
	[tilespmem:$0x17C00] =	vst v63  }
0xa1: {  	_ =	swait.ge [sflag:s6], $0x1000  }
0xa2: {  	[sflag:s6] =	ssyncset.done $0x0  }
0xa3: {  	[sflag:s6] =	ssyncadd.s32 $0xFFFFF000  }
0xa4: {  	_ =	swait.ge [sflag:s6], $0x1000  }
0xa5: {  	[sflag:s6] =	ssyncset.done $0x0  }
0xa6: {  	s11 =	simm.s32 $0x0;
	[sflag:s6] =	ssyncadd.s32 $0xFFFFF000  }
0xa7: {  	v2 =	vld [tilespmem:s11+$0x2000]  }
0xa8: {  	v3 =	vld [tilespmem:s11+$0x2020]  }
0xa9: {  	v1 =	vld [tilespmem:s11+$0x3030]  }
0xaa: {  	v4 =	vld [tilespmem:s11+$0x3020]  }
0xab: {  	v5 =	vld [tilespmem:s11+$0x3010]  }
0xac: {  	v6 =	vld [tilespmem:s11+$0x2010]  }
0xad: {  	v7 =	vld [tilespmem:s11+$0x3000]  }
0xae: {  	v8 =	vld [tilespmem:s11+$0x2030]  }
0xaf: {  	v9 =	vld.idx.msk [tilespmem:v2+s24+$0x0], $0xffff  }
0xb0: {  	v10 =	vld.idx.msk [tilespmem:v3+s24+$0x0], $0xffff  }
0xb1: {  	v11 =	vld.idx.msk [tilespmem:v3+s23+$0x0], $0xffff  }
0xb2: {  	v12 =	vld.idx.msk [tilespmem:v2+s21+$0x0], $0xffff  }
0xb3: {  	v13 =	vld.idx.msk [tilespmem:v3+s21+$0x0], $0xffff  }
0xb4: {  	v14 =	vld.idx.msk [tilespmem:v2+s22+$0x0], $0xffff  }
0xb5: {  	v15 =	vld.idx.msk [tilespmem:v2+s23+$0x0], $0xffff  }
0xb6: {  	v16 =	vld.idx.msk [tilespmem:v6+s22+$0x0], $0xffff  }
0xb7: {  	v17 =	vld.idx.msk [tilespmem:v6+s21+$0x0], $0xffff  }
0xb8: {  	v2 =	vld.idx.msk [tilespmem:v8+s24+$0x0], $0xffff  }
0xb9: {  	v3 =	vld.idx.msk [tilespmem:v3+s22+$0x0], $0xffff  }
0xba: {  	v18 =	vld.idx.msk [tilespmem:v6+s24+$0x0], $0xffff  }
0xbb: {  	v19 =	vld.idx.msk [tilespmem:v8+s23+$0x0], $0xffff  }
0xbc: {  	v20 =	vld.idx.msk [tilespmem:v8+s22+$0x0], $0xffff  }
0xbd: {  	v6 =	vld.idx.msk [tilespmem:v6+s23+$0x0], $0xffff  }
0xbe: {  	v8 =	vld.idx.msk [tilespmem:v8+s21+$0x0], $0xffff  }
0xbf: {  	[tilespmem:v7+s30+$0x0] =	vst.idx.add.f32.msk $0xffff, v12  }
0xc0: {  	[tilespmem:v7+s31+$0x0] =	vst.idx.add.f32.msk $0xffff, v14  }
0xc1: {  	[tilespmem:v7+s1+$0x0] =	vst.idx.add.f32.msk $0xffff, v15  }
0xc2: {  	[tilespmem:v7+s0+$0x0] =	vst.idx.add.f32.msk $0xffff, v9  }
0xc3: {  	[tilespmem:v5+s30+$0x0] =	vst.idx.add.f32.msk $0xffff, v17  }
0xc4: {  	[tilespmem:v5+s31+$0x0] =	vst.idx.add.f32.msk $0xffff, v16  }
0xc5: {  	[tilespmem:v5+s1+$0x0] =	vst.idx.add.f32.msk $0xffff, v6  }
0xc6: {  	[tilespmem:v5+s0+$0x0] =	vst.idx.add.f32.msk $0xffff, v18  }
0xc7: {  	[tilespmem:v4+s30+$0x0] =	vst.idx.add.f32.msk $0xffff, v13  }
0xc8: {  	[tilespmem:v4+s31+$0x0] =	vst.idx.add.f32.msk $0xffff, v3  }
0xc9: {  	[tilespmem:v4+s1+$0x0] =	vst.idx.add.f32.msk $0xffff, v11  }
0xca: {  	[tilespmem:v4+s0+$0x0] =	vst.idx.add.f32.msk $0xffff, v10  }
0xcb: {  	[tilespmem:v1+s30+$0x0] =	vst.idx.add.f32.msk $0xffff, v8  }
0xcc: {  	[tilespmem:v1+s31+$0x0] =	vst.idx.add.f32.msk $0xffff, v20  }
0xcd: {  	s10 =	simm.s32 $0x100;
	[tilespmem:v1+s1+$0x0] =	vst.idx.add.f32.msk $0xffff, v19  }
.LBB2_7:
0xce: {  	s11 =	sshra.s32 s10, $0x2;
	p0 =	sne.s32 s10, $0x3F00;
	s10 =	sadd.s32 $0x100, s10;
	[tilespmem:v1+s0+$0x0] =	vst.idx.add.f32.msk $0xffff, v2  }
0xcf: {  	v2 =	vld [tilespmem:s11+$0x2000]  }
0xd0: {  	v3 =	vld [tilespmem:s11+$0x2020]  }
0xd1: {  	v1 =	vld [tilespmem:s11+$0x3030]  }
0xd2: {  	v4 =	vld [tilespmem:s11+$0x3020]  }
0xd3: {  	v5 =	vld [tilespmem:s11+$0x3010]  }
0xd4: {  	v6 =	vld [tilespmem:s11+$0x2010]  }
0xd5: {  	v7 =	vld [tilespmem:s11+$0x3000]  }
0xd6: {  	v8 =	vld [tilespmem:s11+$0x2030]  }
0xd7: {  	v9 =	vld.idx.msk [tilespmem:v2+s24+$0x0], $0xffff  }
0xd8: {  	v10 =	vld.idx.msk [tilespmem:v3+s24+$0x0], $0xffff  }
0xd9: {  	v11 =	vld.idx.msk [tilespmem:v3+s23+$0x0], $0xffff  }
0xda: {  	v12 =	vld.idx.msk [tilespmem:v2+s21+$0x0], $0xffff  }
0xdb: {  	v13 =	vld.idx.msk [tilespmem:v3+s21+$0x0], $0xffff  }
0xdc: {  	v14 =	vld.idx.msk [tilespmem:v2+s22+$0x0], $0xffff  }
0xdd: {  	v15 =	vld.idx.msk [tilespmem:v2+s23+$0x0], $0xffff  }
0xde: {  	v16 =	vld.idx.msk [tilespmem:v6+s22+$0x0], $0xffff  }
0xdf: {  	v17 =	vld.idx.msk [tilespmem:v6+s21+$0x0], $0xffff  }
0xe0: {  	v2 =	vld.idx.msk [tilespmem:v8+s24+$0x0], $0xffff  }
0xe1: {  	v3 =	vld.idx.msk [tilespmem:v3+s22+$0x0], $0xffff  }
0xe2: {  	v18 =	vld.idx.msk [tilespmem:v6+s24+$0x0], $0xffff  }
0xe3: {  	v19 =	vld.idx.msk [tilespmem:v8+s23+$0x0], $0xffff  }
0xe4: {  	v20 =	vld.idx.msk [tilespmem:v8+s22+$0x0], $0xffff  }
0xe5: {  	v6 =	vld.idx.msk [tilespmem:v6+s23+$0x0], $0xffff  }
0xe6: {  	v8 =	vld.idx.msk [tilespmem:v8+s21+$0x0], $0xffff  }
0xe7: {  	[tilespmem:v7+s30+$0x0] =	vst.idx.add.f32.msk $0xffff, v12  }
0xe8: {  	[tilespmem:v7+s31+$0x0] =	vst.idx.add.f32.msk $0xffff, v14  }
0xe9: {  	[tilespmem:v7+s1+$0x0] =	vst.idx.add.f32.msk $0xffff, v15  }
0xea: {  	[tilespmem:v7+s0+$0x0] =	vst.idx.add.f32.msk $0xffff, v9  }
0xeb: {  	[tilespmem:v5+s30+$0x0] =	vst.idx.add.f32.msk $0xffff, v17  }
0xec: {  	[tilespmem:v5+s31+$0x0] =	vst.idx.add.f32.msk $0xffff, v16  }
0xed: {  	[tilespmem:v5+s1+$0x0] =	vst.idx.add.f32.msk $0xffff, v6  }
0xee: {  	[tilespmem:v5+s0+$0x0] =	vst.idx.add.f32.msk $0xffff, v18  }
0xef: {  	[tilespmem:v4+s30+$0x0] =	vst.idx.add.f32.msk $0xffff, v13  }
0xf0: {  	[tilespmem:v4+s31+$0x0] =	vst.idx.add.f32.msk $0xffff, v3  }
.Ltmp2:
0xf1: {  	[tilespmem:v4+s1+$0x0] =	vst.idx.add.f32.msk $0xffff, v11;
	(pc) =	sbr.rel @p0 .LBB2_7-.Ltmp2, $4  }
0xf2: {  	[tilespmem:v4+s0+$0x0] =	vst.idx.add.f32.msk $0xffff, v10  }
0xf3: {  	[tilespmem:v1+s30+$0x0] =	vst.idx.add.f32.msk $0xffff, v8  }
0xf4: {  	[tilespmem:v1+s31+$0x0] =	vst.idx.add.f32.msk $0xffff, v20  }
0xf5: {  	[tilespmem:v1+s1+$0x0] =	vst.idx.add.f32.msk $0xffff, v19  }
0xf6: {  	s9 =	sadd.s32 $0x1, s9  }
0xf7: {  	p0 =	sne.s32 s9, s12  }
.Ltmp3:
0xf8: {  	_ = 	snop;
	(pc) =	sbr.rel @p0 .LBB2_4-.Ltmp3, $2  }
0xf9: {  	_ =	sdelay $0x2  }
0xfa: {  	[tilespmem:v1+s0+$0x0] =	vst.idx.add.f32.msk $0xffff, v2  }
0xfb: {  	_ =	swait.ge [sflag:s29], $0x1000  }
0xfc: {  	[sflag:s29] =	ssyncset.done $0x0  }
0xfd: {  	[sflag:s29] =	ssyncadd.s32 $0xFFFFF000  }
0xfe: {  	_ =	swait.ge [sflag:s29], $0x1000  }
0xff: {  	[sflag:s29] =	ssyncset.done $0x0  }
0x100: {  	s8 =	rddreg [dreg:$0x9];
	[sflag:s29] =	ssyncadd.s32 $0xFFFFF000  }
0x101: {  	[hbm4b:s8+s3] =	stream.linear.scatter [tilespmem:s30], [sflag:$0x3], $0x2780, $0x38;
	[tilespmem:$0x17C00] =	vst v63  }
0x102: {  	_ = 	snop  }
0x103: {  	[hbm4b:s15+s3] =	stream.linear.scatter [tilespmem:s31], [sflag:$0x3], $0x2780, $0x38;
	[tilespmem:$0x17C00] =	vst v63  }
0x104: {  	_ = 	snop  }
0x105: {  	[hbm4b:s16+s3] =	stream.linear.scatter [tilespmem:s1], [sflag:$0x3], $0x2780, $0x38;
	[tilespmem:$0x17C00] =	vst v63  }
0x106: {  	_ = 	snop  }
0x107: {  	[hbm4b:s17+s3] =	stream.linear.scatter [tilespmem:s0], [sflag:$0x3], $0x2780, $0x38;
	[tilespmem:$0x17C00] =	vst v63  }
0x108: {  	_ =	swait.ge [sflag:s25], $0x2780  }
0x109: {  	[sflag:s25] =	ssyncset.done $0x0  }
0x10a: {  	[sflag:s25] =	ssyncadd.s32 $0xFFFFD880  }
0x10b: {  	_ =	swait.ge [sflag:s25], $0x2780  }
0x10c: {  	[sflag:s25] =	ssyncset.done $0x0  }
0x10d: {  	s7 =	sadd.s32 $0x1, s7;
	[sflag:s25] =	ssyncadd.s32 $0xFFFFD880  }
0x10e: {  	p0 =	sne.s32 s7, s18;
	_ =	swait.ge [sflag:s25], $0x2780  }
.Ltmp4:
0x10f: {  	[sflag:s25] =	ssyncset.done $0x0;
	(pc) =	sbr.rel @p0 .LBB2_1-.Ltmp4, $4  }
0x110: {  	[sflag:s25] =	ssyncadd.s32 $0xFFFFD880  }
0x111: {  	_ =	swait.ge [sflag:s25], $0x2780  }
0x112: {  	[sflag:s25] =	ssyncset.done $0x0  }
0x113: {  	[sflag:s25] =	ssyncadd.s32 $0xFFFFD880  }
0x114: {  	_ =	sfence.sel $0x180000  }
0x115: {  	[bflag:$0x0] =	sbarrier.arrive $0xFFFF  }
0x116: {  	_ =	strace $0x9000004D  }
0x117: {  	s0 =	stileid.u32;
	[bflag:$0x2] =	sbarrier.arrive $0xFFFF  }
0x118: {  	p0 =	sne.s32 s0, $0x0;
	s0 =	rddreg [dreg:$0x2]  }
0x119: {  	s0 =	sadd.s32 @!p0 $0x100000, s0  }
0x11a: {  	[sflag:s0] =	ssyncadd.tile.s32 @!p0 $0x1;
	_ =	shalt  }
.Lfunc_end2:
_tile_overlayer_lowered:
.L_overlay_start_2:
0x11b: {  	(tag) =	ssettag $0x2  }
0x11c: {  	s0 =	rddreg [dreg:$0x0];
	s2 =	stileid.u32  }
0x11d: {  	s1 =	rddreg [dreg:$0x1];
	p0 =	sne.s32 s2, $0x0  }
0x11e: {  	s3 =	rddreg [dreg:$0x2];
	[bflag:$0x3] =	sbarrier.arrive $0xFFFF;
	s2 =	simm.s32 @!p0 $0x1C04  }
0x11f: {  	[timem:s3], [sflag:s2] =	dma.local @!p0 [hbm:s0], s1  }
0x120: {  	s0 =	simm.s32 @!p0 $0x4  }
0x121: {  	_ =	swait.ge @!p0 [sflag:s0], s1  }
0x122: {  	s1 =	ssub.s32 @!p0 $0x0, s1;
	[sflag:s0] =	ssyncset.done @!p0 $0x0  }
0x123: {  	[sflag:s0] =	ssyncadd.s32 @!p0 s1  }
0x124: {  	[bflag:$0x3] =	sbarrier.arrive $0xFFFF  }
0x125: {  	_ =	shalt  }

// kernel: kernel.9.cloned.1.call-start
scs
__scs_entry_jumppad:
0x0: {  	(pc) =	sbr.rel $0x88, $3  }
0x1: {  	(tag) =	ssettag $0x0;
	lr =	simm.s32 $0x1  }
0x2: {  	[smem:$0x3F9B] =	sst lr;
	_ =	strace $0xD0000000  }
0x3: {  	_ = 	snop  }
0x4: {  	_ = 	snop  }
0x5: {  	_ = 	snop  }
0x6: {  	_ = 	snop  }
0x7: {  	_ = 	snop  }
__scs_overlays_trampoline_lowered:
0x8: {  	[smem:$0x3FAA] =	sst s0  }
0x9: {  	[smem:$0x3FAB] =	sst s1  }
0xa: {  	[smem:$0x3FAC] =	sst s2  }
0xb: {  	[smem:$0x3FAD] =	sst s3  }
0xc: {  	[smem:$0x3FAE] =	sst s4  }
0xd: {  	[smem:$0x3FAF] =	sst s5  }
0xe: {  	[smem:$0x3FB0] =	sst s6  }
0xf: {  	[smem:$0x3FB1] =	sst s7  }
0x10: {  	[smem:$0x3FB2] =	sst s8  }
0x11: {  	[smem:$0x3FB3] =	sst s9;
	s0 =	simm.s32 @!p0 $0x0  }
0x12: {  	s1 =	sld [smem:$0x3F99];
	s0 =	simm.s32 @p0 $0x1  }
0x13: {  	[smem:$0x3FB4] =	sst s0;
	s0 =	simm.s32 @!p1 $0x0  }
0x14: {  	s2 =	sld [smem:$0x3F98];
	s0 =	simm.s32 @p1 $0x1  }
0x15: {  	[smem:$0x3FB5] =	sst s0;
	s0 =	simm.s32 @!p2 $0x0  }
0x16: {  	s3 =	sld [smem:$0x3FDB];
	s0 =	simm.s32 @p2 $0x1  }
0x17: {  	s4 =	simm.s32 $0x1BF5;
	[smem:$0x3FB7] =	sst s0  }
0x18: {  	s0 =	sld [smem:$0x3F9A];
	_ =	swait.ge [sflag:s4], $0x0  }
0x19: {  	s7 =	sld [smem:$0x3F9B]  }
0x1a: {  	s8 =	sadd.s32 $0xFFFFE003, lr  }
0x1b: {  	s9 =	sadd.s32 $0xFFFFFEF7, lr;
	s5 =	simm.s32 $0xFFFFFFFF;
	p2 =	slt.u32 s8, $0xFFFFF086  }
0x1c: {  	p1 =	slt.u32 s9, $0xF7A;
	s5 =	simm.s32 @!p2 $0x0  }
0x1d: {  	s5 =	simm.s32 @p1 $0x1;
	p0 =	seq.s32 s7, s2  }
0x1e: {  	s7 =	smul.u32 @!p0 $0xF7A, s2;
	p2 =	seq.s32 @!p0 s5, $0x0  }
0x1f: {  	s9 =	smul.u32 $0xF7A, s1;
	s8 =	simm.s32 @!p0 $0x1BF5;
	p2 =	por !p2, p0  }
0x20: {  	[sflag:s8] =	ssyncset.s32 @!p0 $0xFFFFF086;
	s6 =	sadd.s32 @!p0 s3, s7;
	s7 =	simm.s32 @!p0 $0x108  }
0x21: {  	s3 =	sadd.s32 s3, s9;
	s6 =	sadd.s32 @!p0 $0x88, s6;
	s7 =	simm.s32 @p2 $0x1082  }
0x22: {  	[simem:s7], [sflag:s8] =	dma.local @!p0 [hbm:s6], $0xF7A  }
0x23: {  	s9 =	sor.u32 $0xD0000000, s2;
	s6 =	simm.s32 $0x108;
	_ =	swait.ge @!p0 [sflag:s8], $0x0  }
0x24: {  	s3 =	sadd.s32 $0x88, s3;
	s6 =	simm.s32 @!p1 $0x1082;
	[sflag:s4] =	ssyncset.s32 $0xFFFFF086  }
0x25: {  	[simem:s6], [sflag:s4] =	dma.local [hbm:s3], $0xF7A  }
0x26: {  	[smem:$0x3F9B] =	sst s1;
	(tag) =	ssettag s2;
	_ =	strace s9  }
0x27: {  	s1 =	sld [smem:$0x3FAB]  }
0x28: {  	s2 =	sld [smem:$0x3FAC]  }
0x29: {  	s4 =	sld [smem:$0x3FAE]  }
0x2a: {  	p0 =	seq.s32 s5, $0x0;
	s5 =	sld [smem:$0x3FAF]  }
0x2b: {  	s6 =	sld [smem:$0x3FB0]  }
0x2c: {  	s7 =	sld [smem:$0x3FB1]  }
0x2d: {  	s3 =	simm.s32 $0x108;
	s8 =	sld [smem:$0x3FB2]  }
0x2e: {  	s3 =	simm.s32 @!p0 $0x1082;
	s9 =	sld [smem:$0x3FB3]  }
0x2f: {  	lr =	sadd.s32 s0, s3;
	s0 =	sld [smem:$0x3FAA]  }
0x30: {  	s3 =	sld [smem:$0x3FAD]  }
0x31: {  	[smem:$0x3FB6] =	sst s10  }
0x32: {  	s10 =	sld [smem:$0x3FB4];
	_ =	sdelay $0x3  }
0x33: {  	p0 =	seq.s32 s10, $0x1;
	s10 =	sld [smem:$0x3FB6];
	_ =	sdelay $0x3  }
0x34: {  	[smem:$0x3FB6] =	sst s10  }
0x35: {  	s10 =	sld [smem:$0x3FB5];
	_ =	sdelay $0x3  }
0x36: {  	p1 =	seq.s32 s10, $0x1;
	s10 =	sld [smem:$0x3FB6];
	_ =	sdelay $0x3  }
0x37: {  	[smem:$0x3FB6] =	sst s10  }
0x38: {  	s10 =	sld [smem:$0x3FB7]  }
0x39: {  	_ = 	snop;
	(pc) =	sbr.ind lr, $3  }
0x3a: {  	_ = 	snop  }
0x3b: {  	_ = 	snop  }
0x3c: {  	p2 =	seq.s32 s10, $0x1;
	s10 =	sld [smem:$0x3FB6]  }
0x3d: {  	_ =	shalt  }
0x3e: {  	_ =	shalt  }
0x3f: {  	_ =	shalt  }
0x40: {  	_ =	shalt  }
0x41: {  	_ =	shalt  }
0x42: {  	_ =	shalt  }
0x43: {  	_ =	shalt  }
0x44: {  	_ =	shalt  }
0x45: {  	_ =	shalt  }
0x46: {  	_ =	shalt  }
0x47: {  	_ =	shalt  }
0x48: {  	_ =	shalt  }
0x49: {  	_ =	shalt  }
0x4a: {  	_ =	shalt  }
0x4b: {  	_ =	shalt  }
0x4c: {  	_ =	shalt  }
0x4d: {  	_ =	shalt  }
0x4e: {  	_ =	shalt  }
0x4f: {  	_ =	shalt  }
0x50: {  	_ =	shalt  }
0x51: {  	_ =	shalt  }
0x52: {  	_ =	shalt  }
0x53: {  	_ =	shalt  }
0x54: {  	_ =	shalt  }
0x55: {  	_ =	shalt  }
0x56: {  	_ =	shalt  }
0x57: {  	_ =	shalt  }
0x58: {  	_ =	shalt  }
0x59: {  	_ =	shalt  }
0x5a: {  	_ =	shalt  }
0x5b: {  	_ =	shalt  }
0x5c: {  	_ =	shalt  }
0x5d: {  	_ =	shalt  }
0x5e: {  	_ =	shalt  }
0x5f: {  	_ =	shalt  }
0x60: {  	_ =	shalt  }
0x61: {  	_ =	shalt  }
0x62: {  	_ =	shalt  }
0x63: {  	_ =	shalt  }
0x64: {  	_ =	shalt  }
0x65: {  	_ =	shalt  }
0x66: {  	_ =	shalt  }
0x67: {  	_ =	shalt  }
0x68: {  	_ =	shalt  }
0x69: {  	_ =	shalt  }
0x6a: {  	_ =	shalt  }
0x6b: {  	_ =	shalt  }
0x6c: {  	_ =	shalt  }
0x6d: {  	_ =	shalt  }
0x6e: {  	_ =	shalt  }
0x6f: {  	_ =	shalt  }
0x70: {  	_ =	shalt  }
0x71: {  	_ =	shalt  }
0x72: {  	_ =	shalt  }
0x73: {  	_ =	shalt  }
0x74: {  	_ =	shalt  }
0x75: {  	_ =	shalt  }
0x76: {  	_ =	shalt  }
0x77: {  	_ =	shalt  }
0x78: {  	_ =	shalt  }
0x79: {  	_ =	shalt  }
0x7a: {  	_ =	shalt  }
0x7b: {  	_ =	shalt  }
0x7c: {  	_ =	shalt  }
0x7d: {  	_ =	shalt  }
0x7e: {  	_ =	shalt  }
0x7f: {  	_ =	shalt  }
0x80: {  	_ =	shalt  }
0x81: {  	_ =	shalt  }
0x82: {  	_ =	shalt  }
0x83: {  	_ =	shalt  }
0x84: {  	_ =	shalt  }
0x85: {  	_ =	shalt  }
0x86: {  	_ =	shalt  }
0x87: {  	_ =	shalt  }
.Lfunc_end0:
.L_simem_size_0:
called_computation_lowered:
.L_overlay_start_0:
0x88: {  	s2 =	sld [smem:$0x3FD9]  }
0x89: {  	s3 =	sld [smem:$0x3FFE];
	_ =	sdelay $0x1  }
0x8a: {  	s1 =	srdreg.scid  }
0x8b: {  	s0 =	sand.u32 $0x1, s1  }
0x8c: {  	s16 =	sshll.u32 s0, $0xA;
	s2 =	sadd.s32 s3, s2  }
0x8d: {  	s2 =	sadd.s32 s2, s16  }
0x8e: {  	[smem:$0x3FC2] =	sst s2  }
0x8f: {  	_ = 	snop  }
0x90: {  	(tm) =	ssettm $0x1  }
0x91: {  	s17 =	sld [smem:$0x3FFB];
	_ =	sdelay $0x3  }
0x92: {  	_ =	strace s17  }
0x93: {  	s2 =	sld [smem:$0x3FFC];
	_ =	sdelay $0x3  }
0x94: {  	_ =	strace s2  }
0x95: {  	s2 =	sld [smem:$0x3FFD];
	_ =	sdelay $0x3  }
0x96: {  	_ =	strace s2  }
0x97: {  	_ =	strace $0x8FFFFFFF  }
0x98: {  	s18 =	sld [smem:$0x3FDB];
	_ =	sdelay $0x1  }
0x99: {  	s19 =	simm.s32 $_scs_section_size  }
0x9a: {  	s4 =	simm.s32 $_size__tile_overlayer_lowered;
	s5 =	simm.s32 $_tile_overlayer_lowered  }
0x9b: {  	s22 =	simm.s32 $0x1BFF;
	s21 =	sshll.u32 s5, $0x1;
	s2 =	sadd.s32 s19, s18  }
0x9c: {  	s6 =	simm.s32 $0x0;
	s20 =	sshll.u32 s4, $0x1;
	s4 =	sadd.s32 s21, s2  }
0x9d: {  	[timem:s6], [sflag:s22] =	dma.local [hbm:s4], s20  }
0x9e: {  	_ =	swait.ge [sflag:s22], s20  }
0x9f: {  	s3 =	ssub.s32 $0x0, s20;
	[sflag:s22] =	ssyncset.done $0x0  }
0xa0: {  	[sflag:s22] =	ssyncadd.s32 s3;
	_ =	sdelay $0x1  }
0xa1: {  	s23 =	simm.s32 $0x1B8B  }
0xa2: {  	_ =	swait.ge [sflag:s23], $0x1  }
0xa3: {  	[sflag:s23] =	ssyncset.done $0x0  }
0xa4: {  	s25 =	simm.s32 $0x1B8E;
	s24 =	sld [smem:$0x3FFE];
	[sflag:s23] =	ssyncadd.s32 $0xFFFFFFFF  }
0xa5: {  	s26 =	simm.s32 $execute0_lowered;
	[smem:$0x3FD2] =	sst s25  }
0xa6: {  	s4 =	sshll.u32 s26, $0x1;
	_ =	strace $0x80000046;
	[dreg:$0x1] =	wrdreg $0xFFFFFFFF  }
0xa7: {  	s28 =	simm.s32 $_size_execute0_lowered;
	s2 =	sadd.s32 s2, s4;
	[dreg:$0x0] =	wrdreg $0x0  }
0xa8: {  	s4 =	sshll.u32 s28, $0x1;
	[dreg:$0x2] =	wrdreg s2  }
0xa9: {  	[dreg:$0x3] =	wrdreg s4  }
0xaa: {  	[dreg:$0x4] =	wrdreg $0xC0  }
0xab: {  	_ =	task [dreg:s6], $0x5FFFF  }
0xac: {  	[dreg:$0x1] =	wrdreg $0xFFFFFFFF  }
0xad: {  	[dreg:$0x0] =	wrdreg $0x60  }
0xae: {  	[dreg:$0x2] =	wrdreg s24  }
0xaf: {  	[dreg:$0x3] =	wrdreg $0x9  }
0xb0: {  	_ =	task.clear_ibuf [dreg:s6], $0x4FFFF;
	_ =	strace $0x90000046  }
0xb1: {  	s29 =	simm.s32 $0x9;
	_ =	strace $0x80000048  }
0xb2: {  	_ =	swait.ge [sflag:s29], $0x1  }
0xb3: {  	[sflag:s29] =	ssyncadd.s32 $0xFFFFFFFF  }
0xb4: {  	_ =	strace $0x90000048  }
0xb5: {  	_ =	sfence  }
0xb6: {  	s30 =	sld [smem:$0x0];
	_ =	sdelay $0x2  }
0xb7: {  	s31 =	sshll.u32 s1, $0xD;
	s1 =	sshrl.u32 s1, $0x2  }
0xb8: {  	s3 =	sand.u32 $0x4000, s31;
	s1 =	sadd.s32 s1, s30  }
0xb9: {  	s0 =	sor.u32 s3, s0;
	s1 =	sshll.u32 s1, $0x11  }
0xba: {  	s0 =	sor.u32 s1, s0  }
0xbb: {  	s0 =	sadd.s32 $0x8F2B, s0  }
0xbc: {  	[sflag:s0] =	ssyncadd.remote.s32 $0x1  }
0xbd: {  	_ =	sfence.sel $0xFFFF  }
0xbe: {  	[dreg:$0x0] =	wrdreg $0xFFFFFFFF;
	(pc) =	sbr.abs _section_cstart, $3  }
0xbf: {  	[dreg:$0x1] =	wrdreg $0xFFFFFFFF  }
0xc0: {  	_ =	task.clear_ibuf [dreg:s6], $0x2FFFF;
	_ =	strace $0x9FFFFFFF  }
0xc1: {  	(tm) =	ssettm $0x7FFFFFFF  }
tec
execute0_lowered:
.L_overlay_start_1:
0x0: {  	(tag) =	ssettag $0x1  }
0x1: {  	s3 =	rddreg [dreg:$0x0]  }
0x2: {  	s1 =	srdreg.scid;
	s0 =	rddreg [dreg:$0x1];
	s2 =	simm.s32 $0x0  }
0x3: {  	s7 =	sand.u32 $0x1, s1;
	s1 =	stileid.u32;
	[smem:$0x7FF] =	sst s2  }
0x4: {  	s6 =	sadd.s32 $0x2000, s3;
	s4 =	sshll.u32 s7, $0x4;
	s5 =	smul.u32 $0x1400, s1  }
0x5: {  	_ =	strace $0x80000047;
	s9 =	smul.u32 $0x780, s1;
	s4 =	sor.u32 s1, s4  }
0x6: {  	s8 =	ssub.s32 $0x2, s7;
	p0 =	sne.s32 s7, $0x0;
	s4 =	smul.u32 $0x4F0, s4  }
0x7: {  	s7 =	simm.s32 $0x3C00;
	s30 =	sshrl.u32 s8, $0x1;
	s5 =	sshrl.u32 s5, $0x3  }
0x8: {  	s8 =	ssub.s32 s8, s30;
	s31 =	sadd.s32 s6, s5;
	s10 =	sadd.s32 s4, s3  }
0x9: {  	s3 =	sadd.s32 $0x7800, s31;
	s4 =	sadd.s32 s6, s9;
	s6 =	smax.u32 s8, $0x1  }
0xa: {  	v0 =	vimm.f32 $0.0e+00;
	v1 =	vimm.f32 $1.000000000e+00;
	s8 =	simm.s32 $0x2;
	s9 =	simm.s32 $0x0;
	s5 =	sadd.s32 $0xC000, s10  }
.LBB2_1:
0xb: {  	s10 =	simm.s32 @p0 $0x0  }
0xc: {  	[tilespmem:s10], [sflag:$0x1] =	stream.linear.gather @p0 [hbm4b:s3+s10], $0x1400, $0x38;
	[tilespmem:$0x6380] =	vst v63  }
0xd: {  	s10 =	simm.s32 @!p0 $0x0  }
0xe: {  	[tilespmem:s10], [sflag:$0x1] =	stream.linear.gather @!p0 [hbm4b:s4+s10], $0x3C00, $0x38;
	[tilespmem:$0x6380] =	vst v63  }
0xf: {  	s11 =	simm.s32 $0x0;
	s10 =	simm.s32 $0x40  }
.LBB2_2:
0x10: {  	p1 =	sne.s32 s10, $0x9DC0;
	[tilespmem:s11+$0x3C00] =	vst v0;
	s11 =	smov.u32 s10;
	s10 =	sadd.s32 $0x40, s10  }
.Ltmp0:
0x11: {  	(pc) =	sbr.rel @p1 .LBB2_2-.Ltmp0, $2  }
0x12: {  	_ =	sdelay $0x2  }
0x13: {  	s11 =	sshra.s32 s11, $0x2  }
0x14: {  	[tilespmem:s11+$0x3C00] =	vst v0;
	s10 =	simm.s32 @p0 $0x1;
	s11 =	simm.s32 @!p0 $0x3C0  }
0x15: {  	_ =	swait.ge @p0 [sflag:s10], $0x1400;
	s11 =	simm.s32 @p0 $0x140  }
0x16: {  	[sflag:s10] =	ssyncset.done @p0 $0x0;
	p1 =	sne.s32 s11, $0x1  }
.Ltmp1:
0x17: {  	[sflag:s10] =	ssyncadd.s32 @p0 $0xFFFFEC00;
	s10 =	simm.s32 @!p0 $0x1;
	(pc) =	sbr.rel @!p1 .LBB2_5-.Ltmp1, $4  }
0x18: {  	_ =	swait.ge @!p0 [sflag:s10], $0x3C00  }
0x19: {  	[sflag:s10] =	ssyncset.done @!p0 $0x0  }
0x1a: {  	[sflag:s10] =	ssyncadd.s32 @!p0 $0xFFFFC400;
	s10 =	simm.s32 $0x0  }
0x1b: {  	s11 =	sadd.s32 $0xFFFFFFFF, s11;
	v2 =	vld [tilespmem:s10+$0x0]  }
.LBB2_4:
0x1c: {  	p1 =	sne.s32 s11, $0x1;
	_ =	sdelay $0x3  }
.Ltmp2:
0x1d: {  	(pc) =	sbr.rel @p1 .LBB2_4-.Ltmp2, $3  }
0x1e: {  	_ =	sdelay $0x1  }
0x1f: {  	s10 =	sadd.s32 $0x10, s10;
	[tilespmem:v2+s7+$0x0] =	vst.idx.add.f32.msk $0xffff, v1  }
0x20: {  	s11 =	sadd.s32 $0xFFFFFFFF, s11;
	v2 =	vld [tilespmem:s10+$0x0]  }
.LBB2_5:
0x21: {  	_ =	sdelay $0x5  }
0x22: {  	s9 =	sadd.s32 $0x1, s9  }
0x23: {  	p1 =	sne.s32 s9, s6  }
.Ltmp3:
0x24: {  	[tilespmem:v2+s7+$0x0] =	vst.idx.add.f32.msk $0xffff, v1;
	(pc) =	sbr.rel @p1 .LBB2_1-.Ltmp3, $4  }
0x25: {  	[hbm4b:s5+s2] =	stream.linear.scatter [tilespmem:s7], [sflag:$0x2], $0x2780, $0x38;
	[tilespmem:$0x6380] =	vst v63  }
0x26: {  	_ =	swait.ge [sflag:s8], $0x2780  }
0x27: {  	[sflag:s8] =	ssyncset.done $0x0  }
0x28: {  	[sflag:s8] =	ssyncadd.s32 $0xFFFFD880  }
0x29: {  	_ =	sfence.sel $0x180000  }
0x2a: {  	[bflag:$0x0] =	sbarrier.arrive $0xFFFF  }
0x2b: {  	p0 =	sne.s32 s1, $0x0;
	_ =	strace $0x90000047  }
0x2c: {  	s0 =	sadd.s32 @!p0 $0x100000, s0;
	[bflag:$0x2] =	sbarrier.arrive $0xFFFF  }
0x2d: {  	[sflag:s0] =	ssyncadd.tile.s32 @!p0 $0x1;
	_ =	shalt  }
.Lfunc_end2:
_tile_overlayer_lowered:
.L_overlay_start_2:
0x2e: {  	(tag) =	ssettag $0x2  }
0x2f: {  	s0 =	rddreg [dreg:$0x0];
	s2 =	stileid.u32  }
0x30: {  	s1 =	rddreg [dreg:$0x1];
	p0 =	sne.s32 s2, $0x0  }
0x31: {  	s3 =	rddreg [dreg:$0x2];
	[bflag:$0x3] =	sbarrier.arrive $0xFFFF;
	s2 =	simm.s32 @!p0 $0x1C02  }
0x32: {  	[timem:s3], [sflag:s2] =	dma.local @!p0 [hbm:s0], s1  }
0x33: {  	s0 =	simm.s32 @!p0 $0x2  }
0x34: {  	_ =	swait.ge @!p0 [sflag:s0], s1  }
0x35: {  	s1 =	ssub.s32 @!p0 $0x0, s1;
	[sflag:s0] =	ssyncset.done @!p0 $0x0  }
0x36: {  	[sflag:s0] =	ssyncadd.s32 @!p0 s1  }
0x37: {  	[bflag:$0x3] =	sbarrier.arrive $0xFFFF  }
0x38: {  	_ =	shalt  }

</sc_bundles>
